<compile_context>
chip_gen: v7x
topology: tpu7x:2x2x1
jax: 0.10.2.dev20260603
libtpu: 0.0.44.dev20260713+nightly
codegen_flags: <defaults>
</compile_context>

<pallas_src>
import functools

import jax
import jax.numpy as jnp
from jax import lax
from jax.experimental import pallas as pl
from jax.experimental.pallas import tpu as pltpu
from jax.experimental.pallas import tpu_sc as plsc

N_NODES = 100000
N_EDGES = 1600000
NC, NS = 2, 16
NW = NC * NS
NP = 100352
RB = NP // 128
EP = 1622016
ER = EP // 128
RPW = ER // NW
RPS = ER // NS
NPT = NP // NS
GK = 9
GKE = GK * 128
NG2W = RPW // (2 * GK)
GK3 = 6
GKE3 = GK3 * 128
NG2S = RPS // (2 * GK3)
EPW = EP // NW
W1 = EPW // 2

_mesh = plsc.VectorSubcoreMesh(core_axis_name="c", subcore_axis_name="s")
_sc_params = pltpu.CompilerParams(use_tc_tiling_on_sc=False)
_sc_params_nl = pltpu.CompilerParams(use_tc_tiling_on_sc=False,
                                     needs_layout_passes=False)


@functools.partial(
    pl.kernel, mesh=_mesh, compiler_params=_sc_params_nl,
    out_type=jax.ShapeDtypeStruct((NC, NS, NP), jnp.float32),
    scratch_types=[
        pltpu.VMEM((W1,), jnp.int32),
        pltpu.VMEM((NP,), jnp.float32),
    ],
)
def _deg_sc(dstf_hbm, out_hbm, didx_v, hist):
    c = lax.axis_index("c")
    s = lax.axis_index("s")
    wid = s * NC + c
    zero16 = jnp.zeros((16,), jnp.float32)
    ones16 = jnp.ones((16,), jnp.float32)

    def z(i, carry):
        hist[pl.ds(i * 16, 16)] = zero16
        return carry

    lax.fori_loop(0, NP // 16, z, 0)

    def window(w, carry):
        pltpu.sync_copy(dstf_hbm.at[pl.ds(wid * EPW + w * W1, W1)], didx_v)

        def step(i, carry2):
            idx16 = didx_v[pl.ds(i * 16, 16)]
            plsc.addupdate_scatter(hist, [idx16], ones16)
            return carry2

        lax.fori_loop(0, W1 // 16, step, 0)
        return carry

    lax.fori_loop(0, 2, window, 0)
    pltpu.sync_copy(hist, out_hbm.at[c].at[s])


@functools.partial(
    pl.kernel, mesh=_mesh, compiler_params=_sc_params,
    out_type=jax.ShapeDtypeStruct((NC, NP, 4), jnp.float32),
    scratch_types=[
        pltpu.VMEM((GKE,), jnp.int32),
        pltpu.VMEM((GKE,), jnp.int32),
        pltpu.VMEM((GK, 128), jnp.int32),
        pltpu.VMEM((GK, 128), jnp.int32),
        pltpu.VMEM((GKE, 4), jnp.float32),
        pltpu.VMEM((GKE, 4), jnp.float32),
        pltpu.VMEM_SHARED((NP, 4), jnp.float32),
        pltpu.VMEM_SHARED((NP, 4), jnp.float32),
        pltpu.SemaphoreType.DMA,
    ],
)
def _prop1_sc(srcf_hbm, dstr_hbm, xs_hbm, init_hbm, out_hbm,
              sidx_a, sidx_b, didx_a, didx_b, rows_a, rows_b, tbl, acc, gsem):
    c = lax.axis_index("c")
    s = lax.axis_index("s")
    wid = s * NC + c
    pltpu.sync_copy(xs_hbm.at[pl.ds(s * NPT, NPT)], tbl.at[pl.ds(s * NPT, NPT)])
    pltpu.sync_copy(init_hbm.at[c].at[pl.ds(s * NPT, NPT)],
                    acc.at[pl.ds(s * NPT, NPT)])
    plsc.subcore_barrier()

    def pair(m, carry):
        rbase = wid * RPW + m * 2 * GK
        pltpu.sync_copy(srcf_hbm.at[pl.ds(rbase * 128, GKE)], sidx_a)
        pltpu.sync_copy(dstr_hbm.at[pl.ds(rbase, GK)], didx_a)
        ga = pltpu.async_copy(tbl.at[sidx_a], rows_a, gsem)
        pltpu.sync_copy(srcf_hbm.at[pl.ds((rbase + GK) * 128, GKE)], sidx_b)
        pltpu.sync_copy(dstr_hbm.at[pl.ds(rbase + GK, GK)], didx_b)
        ga.wait()
        gb = pltpu.async_copy(tbl.at[sidx_b], rows_b, gsem)
        for j in range(GK):
            pltpu.sync_copy(rows_a.at[pl.ds(j * 128, 128)],
                            acc.at[didx_a.at[j]], add=True)
        gb.wait()
        for j in range(GK):
            pltpu.sync_copy(rows_b.at[pl.ds(j * 128, 128)],
                            acc.at[didx_b.at[j]], add=True)
        return carry

    lax.fori_loop(0, NG2W, pair, 0)
    plsc.subcore_barrier()
    pltpu.sync_copy(acc.at[pl.ds(s * NPT, NPT)],
                    out_hbm.at[c].at[pl.ds(s * NPT, NPT)])


@functools.partial(
    pl.kernel, mesh=_mesh, compiler_params=_sc_params,
    out_type=jax.ShapeDtypeStruct((4, NP, 16), jnp.float32),
    scratch_types=[
        pltpu.VMEM((GKE3,), jnp.int32),
        pltpu.VMEM((GKE3,), jnp.int32),
        pltpu.VMEM((GK3, 128), jnp.int32),
        pltpu.VMEM((GK3, 128), jnp.int32),
        pltpu.VMEM((GKE3, 16), jnp.float32),
        pltpu.VMEM((GKE3, 16), jnp.float32),
        pltpu.VMEM_SHARED((NP, 16), jnp.float32),
        pltpu.SemaphoreType.DMA,
    ],
)
def _prop2_sc(srcf_hbm, dstr_hbm, gs_hbm, out_hbm,
              sidx_a, sidx_b, didx_a, didx_b, rows_a, rows_b, acc, gsem):
    c = lax.axis_index("c")
    s = lax.axis_index("s")
    for k in range(2):
        chunk = c * 2 + k
        pltpu.sync_copy(gs_hbm.at[chunk].at[pl.ds(s * NPT, NPT)],
                        acc.at[pl.ds(s * NPT, NPT)])
        plsc.subcore_barrier()

        def pair(m, carry):
            rbase = s * RPS + m * 2 * GK3
            pltpu.sync_copy(srcf_hbm.at[pl.ds(rbase * 128, GKE3)], sidx_a)
            pltpu.sync_copy(dstr_hbm.at[pl.ds(rbase, GK3)], didx_a)
            ga = pltpu.async_copy(gs_hbm.at[chunk].at[sidx_a], rows_a, gsem)
            pltpu.sync_copy(srcf_hbm.at[pl.ds((rbase + GK3) * 128, GKE3)],
                            sidx_b)
            pltpu.sync_copy(dstr_hbm.at[pl.ds(rbase + GK3, GK3)], didx_b)
            ga.wait()
            gb = pltpu.async_copy(gs_hbm.at[chunk].at[sidx_b], rows_b, gsem)
            for j in range(GK3):
                pltpu.sync_copy(rows_a.at[pl.ds(j * 128, 128)],
                                acc.at[didx_a.at[j]], add=True)
            gb.wait()
            for j in range(GK3):
                pltpu.sync_copy(rows_b.at[pl.ds(j * 128, 128)],
                                acc.at[didx_b.at[j]], add=True)
            return carry

        lax.fori_loop(0, NG2S, pair, 0)
        plsc.subcore_barrier()
        pltpu.sync_copy(acc.at[pl.ds(s * NPT, NPT)],
                        out_hbm.at[chunk].at[pl.ds(s * NPT, NPT)])
        plsc.subcore_barrier()


_BR = 56


def _t1_body(degp_ref, xt_ref, dis_ref, xst_ref):
    deg = jnp.sum(degp_ref[...], axis=0) + 1.0
    d = lax.rsqrt(deg)
    dis_ref[...] = d
    xst_ref[...] = xt_ref[...] * d[None, :, :]


def _t1(deg_partial, x_t):
    return pl.pallas_call(
        _t1_body,
        grid=(RB // _BR,),
        in_specs=[
            pl.BlockSpec((NW, _BR, 128), lambda i: (0, i, 0)),
            pl.BlockSpec((2, _BR, 128), lambda i: (0, i, 0)),
        ],
        out_specs=(
            pl.BlockSpec((_BR, 128), lambda i: (i, 0)),
            pl.BlockSpec((2, _BR, 128), lambda i: (0, i, 0)),
        ),
        out_shape=(
            jax.ShapeDtypeStruct((RB, 128), jnp.float32),
            jax.ShapeDtypeStruct((2, RB, 128), jnp.float32),
        ),
    )(deg_partial, x_t)


_BN = 1024
_GN = NP // _BN


def _t2_body(tp_ref, dis_ref, w1_ref, b1_ref, w2_ref, gs_ref):
    d = dis_ref[...]
    t = (tp_ref[0] + tp_ref[1]) * d
    h1 = t[:, 0:1] * w1_ref[0:1, :] + t[:, 1:2] * w1_ref[1:2, :] + b1_ref[...]
    h1 = jnp.maximum(h1, 0.0)
    g = jnp.dot(h1, w2_ref[...], preferred_element_type=jnp.float32)
    gs_ref[...] = g * d


def _t2(tp, dis_col, W1, b1, W2):
    return pl.pallas_call(
        _t2_body,
        grid=(_GN,),
        in_specs=[
            pl.BlockSpec((NC, _BN, 4), lambda i: (0, i, 0)),
            pl.BlockSpec((_BN, 1), lambda i: (i, 0)),
            pl.BlockSpec((2, 128), lambda i: (0, 0)),
            pl.BlockSpec((1, 128), lambda i: (0, 0)),
            pl.BlockSpec((128, 64), lambda i: (0, 0)),
        ],
        out_specs=pl.BlockSpec((_BN, 64), lambda i: (i, 0)),
        out_shape=jax.ShapeDtypeStruct((NP, 64), jnp.float32),
    )(tp, dis_col, W1, b1, W2)


def _t3_body(p_ref, dis_ref, b2_ref, wp_ref, bp_ref, out_ref):
    h2 = jnp.maximum(p_ref[...] * dis_ref[...] + b2_ref[...], 0.0)
    o = jnp.dot(h2, wp_ref[...], preferred_element_type=jnp.float32)
    o = o + bp_ref[...]
    out_ref[...] = 1.0 / (1.0 + jnp.exp(-o))


def _t3(p_nodes, dis_col, b2, Wp, bp):
    return pl.pallas_call(
        _t3_body,
        grid=(_GN,),
        in_specs=[
            pl.BlockSpec((_BN, 64), lambda i: (i, 0)),
            pl.BlockSpec((_BN, 1), lambda i: (i, 0)),
            pl.BlockSpec((1, 64), lambda i: (0, 0)),
            pl.BlockSpec((64, 1), lambda i: (0, 0)),
            pl.BlockSpec((1, 1), lambda i: (0, 0)),
        ],
        out_specs=pl.BlockSpec((_BN, 1), lambda i: (i, 0)),
        out_shape=jax.ShapeDtypeStruct((NP, 1), jnp.float32),
    )(p_nodes, dis_col, b2, Wp, bp)


def kernel(x, edge_index, W1, b1, W2, b2, Wp, bp):
    src = edge_index[0].astype(jnp.int32)
    dst = edge_index[1].astype(jnp.int32)
    npad = EP - N_EDGES
    pad_idx = N_NODES + (jnp.arange(npad, dtype=jnp.int32) % (NP - N_NODES))
    src_f = jnp.concatenate([src, pad_idx])
    dst_f = jnp.concatenate([dst, pad_idx])
    dst_r = dst_f.reshape(ER, 128)

    deg_partial = _deg_sc(dst_f)

    x_t = jnp.pad(x.T, ((0, 0), (0, NP - N_NODES))).reshape(2, RB, 128)
    dis, xs_t = _t1(deg_partial.reshape(NW, RB, 128), x_t)

    xs4 = jnp.pad(xs_t.reshape(2, NP).T, ((0, 0), (0, 2)))
    prop1_init = jnp.stack([xs4, jnp.zeros((NP, 4), jnp.float32)])
    tp = _prop1_sc(src_f, dst_r, xs4, prop1_init)

    dis_col = dis.reshape(NP, 1)
    gs = _t2(tp, dis_col, W1, b1.reshape(1, 128), W2)
    gs4 = gs.reshape(NP, 4, 16).transpose(1, 0, 2)

    p = _prop2_sc(src_f, dst_r, gs4)
    p_nodes = p.transpose(1, 0, 2).reshape(NP, 64)

    out = _t3(p_nodes, dis_col, b2.reshape(1, 64), Wp, bp.reshape(1, 1))
    return out[:N_NODES, 0]

# --- scband reference (transcript-rebuilt; emitter-appended) ---
"""Pipeline reference for scband-bus-stop-predictor-62165356642602 (READ-ONLY COPY).

The authoritative reference and input builder live on the scoring server;
editing this copy changes nothing except your own understanding.
"""

import jax, jax.numpy as jnp
import numpy as np

N_NODES = 100000
N_EDGES = 1600000


def glorot(key, shape):
    fan_in, fan_out = shape[0], shape[1]
    limit = np.sqrt(6.0 / (fan_in + fan_out))
    return jax.random.uniform(key, shape, dtype=jnp.float32, minval=-limit, maxval=limit)


def setup_inputs(seed: int = 0) -> dict:
    key = jax.random.key(seed)
    ks = jax.random.split(key, 8)
    x = jax.random.normal(ks[0], (N_NODES, 2), dtype=jnp.float32)
    edge_index = jax.random.randint(ks[1], (2, N_EDGES), 0, N_NODES, dtype=jnp.int64)
    W1 = glorot(ks[2], (2, 128))
    b1 = jnp.zeros((128,), dtype=jnp.float32)
    W2 = glorot(ks[3], (128, 64))
    b2 = jnp.zeros((64,), dtype=jnp.float32)
    Wp = glorot(ks[4], (64, 1))
    bp = jnp.zeros((1,), dtype=jnp.float32)
    return {"x": x, "edge_index": edge_index, "W1": W1, "b1": b1, "W2": W2, "b2": b2, "Wp": Wp, "bp": bp}


def gcn_conv(x, edge_index, W, b):
    n = x.shape[0]
    src = edge_index[0]
    dst = edge_index[1]
    loop = jnp.arange(n, dtype=src.dtype)
    src = jnp.concatenate([src, loop])
    dst = jnp.concatenate([dst, loop])
    ones = jnp.ones(src.shape[0], dtype=x.dtype)
    deg = jax.ops.segment_sum(ones, dst, num_segments=n)
    deg_inv_sqrt = jnp.where(deg > 0, 1.0 / jnp.sqrt(deg), 0.0)
    norm = deg_inv_sqrt[src] * deg_inv_sqrt[dst]
    h = x @ W
    msg = h[src] * norm[:, None]
    out = jax.ops.segment_sum(msg, dst, num_segments=n)
    return out + b


def reference(x, edge_index, W1, b1, W2, b2, Wp, bp):
    h = jax.nn.relu(gcn_conv(x, edge_index, W1, b1))
    h = jax.nn.relu(gcn_conv(h, edge_index, W2, b2))
    out = jax.nn.sigmoid(h @ Wp + bp)
    return jnp.squeeze(out)

if __name__ == "__main__":
    import jax
    _d = setup_inputs()
    print(jax.jit(kernel)(*tuple(_d.values())))

</pallas_src>

<mosaic_0001>
#map = affine_map<(d0, d1) -> (0)>
#map1 = affine_map<(d0, d1) -> (0, 0, 0)>
module attributes {stable_mosaic.version = 14 : i64} {
  func.func @_deg_sc(%arg0: i32, %arg1: i32, %arg2: memref<1622016xi32, #tpu.memory_space<hbm>>, %arg3: memref<2x16x100352xf32, #tpu.memory_space<hbm>>, %arg4: memref<25344xi32, #tpu.memory_space<vmem>>, %arg5: memref<100352xf32, #tpu.memory_space<vmem>>) attributes {dimension_semantics = [#tpu.dimension_semantics<core_parallel>, #tpu.dimension_semantics<subcore_parallel>], iteration_bounds = array<i64: 2, 16>, scalar_prefetch = 0 : i64, scratch_operands = 2 : i64, tpu.core_type = #tpu.core_type<sc_vector_subcore>, window_params = [{transform_indices = #map}, {transform_indices = #map1}]} {
    %mul3A = arith.constant 2 : i32
    %mul3A_0 = arith.muli %arg1, %mul3A : i32
    %add3A = arith.addi %mul3A_0, %arg0 : i32
    %broadcast_in_dim3A = arith.constant 0.000000e+00 : f32
    %broadcast_in_dim3A_1 = vector.broadcast %broadcast_in_dim3A : f32 to vector<16xf32>
    %broadcast_in_dim3A_2 = arith.constant 1.000000e+00 : f32
    %broadcast_in_dim3A_3 = vector.broadcast %broadcast_in_dim3A_2 : f32 to vector<16xf32>
    %scan3A = arith.constant 0 : i32
    %scan3A_4 = arith.constant 0 : i32
    %scan3A_5 = arith.constant 6272 : i32
    %scan3A_6 = arith.addi %scan3A_4, %scan3A_5 : i32
    %scan3A_7 = arith.constant 1 : i32
    scf.for %scan3A_15 = %scan3A_4 to %scan3A_6 step %scan3A_7  : i32 {
      %mul3A_16 = arith.constant 16 : i32
      %mul3A_17 = arith.muli %scan3A_15, %mul3A_16 : i32
      %swap3A = arith.index_cast %mul3A_17 : i32 to index
      %swap3A_18 = tpu.vector_load %arg5[%swap3A] {strides = array<i32>} : memref<100352xf32, #tpu.memory_space<vmem>>, vector<16xf32>,
      tpu.vector_store %arg5[%swap3A], %broadcast_in_dim3A_1 {strides = array<i32>} : memref<100352xf32, #tpu.memory_space<vmem>>, vector<16xf32>,
    }
    %scan3A_8 = arith.constant 6272 : i32
    %scan3A_9 = arith.constant 0 : i32
    %scan3A_10 = arith.constant 0 : i32
    %scan3A_11 = arith.constant 2 : i32
    %scan3A_12 = arith.addi %scan3A_10, %scan3A_11 : i32
    %scan3A_13 = arith.constant 1 : i32
    scf.for %scan3A_15 = %scan3A_10 to %scan3A_12 step %scan3A_13  : i32 {
      %mul3A_16 = arith.constant 50688 : i32
      %mul3A_17 = arith.muli %add3A, %mul3A_16 : i32
      %mul3A_18 = arith.constant 25344 : i32
      %mul3A_19 = arith.muli %scan3A_15, %mul3A_18 : i32
      %add3A_20 = arith.addi %mul3A_17, %mul3A_19 : i32
      "tpu.region"() ({
        %run_scoped3A = tpu.sem_alloc : memref<!tpu.dma_semaphore, #tpu.memory_space<semaphore_mem>>
        %dma_start3A = tpu.memref_slice %arg2[%add3A_20] : memref<1622016xi32, #tpu.memory_space<hbm>> -> memref<25344xi32, #tpu.memory_space<hbm>>
        %dma_start3A_27 = tpu.memref_slice %arg2[%add3A_20] : memref<1622016xi32, #tpu.memory_space<hbm>> -> memref<25344xi32, #tpu.memory_space<hbm>>
        tpu.enqueue_dma source(%dma_start3A_27 : memref<25344xi32, #tpu.memory_space<hbm>>) target(%arg4 : memref<25344xi32, #tpu.memory_space<vmem>>) target_semaphore(%run_scoped3A : memref<!tpu.dma_semaphore, #tpu.memory_space<semaphore_mem>>)
        %dma_wait3A = tpu.memref_slice %arg2[%add3A_20] : memref<1622016xi32, #tpu.memory_space<hbm>> -> memref<25344xi32, #tpu.memory_space<hbm>>
        %dma_wait3A_28 = tpu.memref_slice %arg2[%add3A_20] : memref<1622016xi32, #tpu.memory_space<hbm>> -> memref<25344xi32, #tpu.memory_space<hbm>>
        tpu.wait_dma2 semaphore(%run_scoped3A : memref<!tpu.dma_semaphore, #tpu.memory_space<semaphore_mem>>) src(%dma_wait3A_28 : memref<25344xi32, #tpu.memory_space<hbm>>) dst(%arg4 : memref<25344xi32, #tpu.memory_space<vmem>>)
        tpu.yield
      }) : () -> ()
      %scan3A_21 = arith.constant 0 : i32
      %scan3A_22 = arith.constant 0 : i32
      %scan3A_23 = arith.constant 1584 : i32
      %scan3A_24 = arith.addi %scan3A_22, %scan3A_23 : i32
      %scan3A_25 = arith.constant 1 : i32
      scf.for %scan3A_27 = %scan3A_22 to %scan3A_24 step %scan3A_25  : i32 {
        %mul3A_28 = arith.constant 16 : i32
        %mul3A_29 = arith.muli %scan3A_27, %mul3A_28 : i32
        %get3A = arith.index_cast %mul3A_29 : i32 to index
        %get3A_30 = tpu.vector_load %arg4[%get3A] {strides = array<i32>} : memref<25344xi32, #tpu.memory_space<vmem>>, vector<16xi32>,
        tpu.vector_store_idx %arg5[%get3A_30], %broadcast_in_dim3A_3 {add = true} : memref<100352xf32, #tpu.memory_space<vmem>>[vector<16xi32>], vector<16xf32>,
      }
      %scan3A_26 = arith.constant 1584 : i32
    }
    %scan3A_14 = arith.constant 2 : i32
    "tpu.region"() ({
      %run_scoped3A = tpu.sem_alloc : memref<!tpu.dma_semaphore, #tpu.memory_space<semaphore_mem>>
      %dma_start3A = arith.constant 0 : i32
      %dma_start3A_15 = arith.constant 0 : i32
      %dma_start3A_16 = tpu.memref_slice %arg3[%arg0, %dma_start3A, %dma_start3A_15] : memref<2x16x100352xf32, #tpu.memory_space<hbm>> -> memref<1x16x100352xf32, #tpu.memory_space<hbm>>
      %dma_start3A_17 = tpu.memref_squeeze %dma_start3A_16 : memref<1x16x100352xf32, #tpu.memory_space<hbm>> -> memref<16x100352xf32, #tpu.memory_space<hbm>>
      %dma_start3A_18 = arith.constant 0 : i32
      %dma_start3A_19 = tpu.memref_slice %dma_start3A_17[%arg1, %dma_start3A_18] : memref<16x100352xf32, #tpu.memory_space<hbm>> -> memref<1x100352xf32, #tpu.memory_space<hbm>>
      %dma_start3A_20 = tpu.memref_squeeze %dma_start3A_19 : memref<1x100352xf32, #tpu.memory_space<hbm>> -> memref<100352xf32, #tpu.memory_space<hbm>>
      %dma_start3A_21 = arith.constant 0 : i32
      %dma_start3A_22 = arith.constant 0 : i32
      %dma_start3A_23 = tpu.memref_slice %arg3[%arg0, %dma_start3A_21, %dma_start3A_22] : memref<2x16x100352xf32, #tpu.memory_space<hbm>> -> memref<1x16x100352xf32, #tpu.memory_space<hbm>>
      %dma_start3A_24 = tpu.memref_squeeze %dma_start3A_23 : memref<1x16x100352xf32, #tpu.memory_space<hbm>> -> memref<16x100352xf32, #tpu.memory_space<hbm>>
      %dma_start3A_25 = arith.constant 0 : i32
      %dma_start3A_26 = tpu.memref_slice %dma_start3A_24[%arg1, %dma_start3A_25] : memref<16x100352xf32, #tpu.memory_space<hbm>> -> memref<1x100352xf32, #tpu.memory_space<hbm>>
      %dma_start3A_27 = tpu.memref_squeeze %dma_start3A_26 : memref<1x100352xf32, #tpu.memory_space<hbm>> -> memref<100352xf32, #tpu.memory_space<hbm>>
      tpu.enqueue_dma source(%arg5 : memref<100352xf32, #tpu.memory_space<vmem>>) target(%dma_start3A_27 : memref<100352xf32, #tpu.memory_space<hbm>>) target_semaphore(%run_scoped3A : memref<!tpu.dma_semaphore, #tpu.memory_space<semaphore_mem>>)
      %dma_wait3A = arith.constant 0 : i32
      %dma_wait3A_28 = arith.constant 0 : i32
      %dma_wait3A_29 = tpu.memref_slice %arg3[%arg0, %dma_wait3A, %dma_wait3A_28] : memref<2x16x100352xf32, #tpu.memory_space<hbm>> -> memref<1x16x100352xf32, #tpu.memory_space<hbm>>
      %dma_wait3A_30 = tpu.memref_squeeze %dma_wait3A_29 : memref<1x16x100352xf32, #tpu.memory_space<hbm>> -> memref<16x100352xf32, #tpu.memory_space<hbm>>
      %dma_wait3A_31 = arith.constant 0 : i32
      %dma_wait3A_32 = tpu.memref_slice %dma_wait3A_30[%arg1, %dma_wait3A_31] : memref<16x100352xf32, #tpu.memory_space<hbm>> -> memref<1x100352xf32, #tpu.memory_space<hbm>>
      %dma_wait3A_33 = tpu.memref_squeeze %dma_wait3A_32 : memref<1x100352xf32, #tpu.memory_space<hbm>> -> memref<100352xf32, #tpu.memory_space<hbm>>
      %dma_wait3A_34 = arith.constant 0 : i32
      %dma_wait3A_35 = arith.constant 0 : i32
      %dma_wait3A_36 = tpu.memref_slice %arg3[%arg0, %dma_wait3A_34, %dma_wait3A_35] : memref<2x16x100352xf32, #tpu.memory_space<hbm>> -> memref<1x16x100352xf32, #tpu.memory_space<hbm>>
      %dma_wait3A_37 = tpu.memref_squeeze %dma_wait3A_36 : memref<1x16x100352xf32, #tpu.memory_space<hbm>> -> memref<16x100352xf32, #tpu.memory_space<hbm>>
      %dma_wait3A_38 = arith.constant 0 : i32
      %dma_wait3A_39 = tpu.memref_slice %dma_wait3A_37[%arg1, %dma_wait3A_38] : memref<16x100352xf32, #tpu.memory_space<hbm>> -> memref<1x100352xf32, #tpu.memory_space<hbm>>
      %dma_wait3A_40 = tpu.memref_squeeze %dma_wait3A_39 : memref<1x100352xf32, #tpu.memory_space<hbm>> -> memref<100352xf32, #tpu.memory_space<hbm>>
      tpu.wait_dma2 semaphore(%run_scoped3A : memref<!tpu.dma_semaphore, #tpu.memory_space<semaphore_mem>>) src(%arg5 : memref<100352xf32, #tpu.memory_space<vmem>>) dst(%dma_wait3A_40 : memref<100352xf32, #tpu.memory_space<hbm>>)
      tpu.yield
    }) : () -> ()
    return
  }
}

#map = affine_map<(d0, d1) -> (0)>
#map1 = affine_map<(d0, d1) -> (0, 0)>
#map2 = affine_map<(d0, d1) -> (0, 0, 0)>
module attributes {stable_mosaic.version = 14 : i64} {
  func.func @_prop1_sc(%arg0: i32, %arg1: i32, %arg2: memref<1622016xi32, #tpu.memory_space<hbm>>, %arg3: memref<12672x128xi32, #tpu.memory_space<hbm>>, %arg4: memref<100352x4xf32, #tpu.memory_space<hbm>>, %arg5: memref<2x100352x4xf32, #tpu.memory_space<hbm>>, %arg6: memref<2x100352x4xf32, #tpu.memory_space<hbm>>, %arg7: memref<1152xi32, #tpu.memory_space<vmem>>, %arg8: memref<1152xi32, #tpu.memory_space<vmem>>, %arg9: memref<9x128xi32, #tpu.memory_space<vmem>>, %arg10: memref<9x128xi32, #tpu.memory_space<vmem>>, %arg11: memref<1152x4xf32, #tpu.memory_space<vmem>>, %arg12: memref<1152x4xf32, #tpu.memory_space<vmem>>, %arg13: memref<100352x4xf32, #tpu.memory_space<vmem_shared>>, %arg14: memref<100352x4xf32, #tpu.memory_space<vmem_shared>>, %arg15: memref<!tpu.dma_semaphore, #tpu.memory_space<semaphore_mem>>) attributes {dimension_semantics = [#tpu.dimension_semantics<core_parallel>, #tpu.dimension_semantics<subcore_parallel>], iteration_bounds = array<i64: 2, 16>, scalar_prefetch = 0 : i64, scratch_operands = 9 : i64, tpu.core_type = #tpu.core_type<sc_vector_subcore>, window_params = [{transform_indices = #map}, {transform_indices = #map1}, {transform_indices = #map1}, {transform_indices = #map2}, {transform_indices = #map2}]} {
    %mul3A = arith.constant 2 : i32
    %mul3A_0 = arith.muli %arg1, %mul3A : i32
    %add3A = arith.addi %mul3A_0, %arg0 : i32
    %mul3A_1 = arith.constant 6272 : i32
    %mul3A_2 = arith.muli %arg1, %mul3A_1 : i32
    %mul3A_3 = arith.constant 6272 : i32
    %mul3A_4 = arith.muli %arg1, %mul3A_3 : i32
    "tpu.region"() ({
      %run_scoped3A = tpu.sem_alloc : memref<!tpu.dma_semaphore, #tpu.memory_space<semaphore_mem>>
      %dma_start3A = arith.constant 0 : i32
      %dma_start3A_19 = tpu.memref_slice %arg13[%mul3A_4, %dma_start3A] : memref<100352x4xf32, #tpu.memory_space<vmem_shared>> -> memref<6272x4xf32, #tpu.memory_space<vmem_shared>>
      %dma_start3A_20 = arith.constant 0 : i32
      %dma_start3A_21 = tpu.memref_slice %arg4[%mul3A_2, %dma_start3A_20] : memref<100352x4xf32, #tpu.memory_space<hbm>> -> memref<6272x4xf32, #tpu.memory_space<hbm>>
      tpu.enqueue_dma source(%dma_start3A_21 : memref<6272x4xf32, #tpu.memory_space<hbm>>) target(%dma_start3A_19 : memref<6272x4xf32, #tpu.memory_space<vmem_shared>>) target_semaphore(%run_scoped3A : memref<!tpu.dma_semaphore, #tpu.memory_space<semaphore_mem>>)
      %dma_wait3A = arith.constant 0 : i32
      %dma_wait3A_22 = tpu.memref_slice %arg13[%mul3A_4, %dma_wait3A] : memref<100352x4xf32, #tpu.memory_space<vmem_shared>> -> memref<6272x4xf32, #tpu.memory_space<vmem_shared>>
      %dma_wait3A_23 = arith.constant 0 : i32
      %dma_wait3A_24 = tpu.memref_slice %arg4[%mul3A_2, %dma_wait3A_23] : memref<100352x4xf32, #tpu.memory_space<hbm>> -> memref<6272x4xf32, #tpu.memory_space<hbm>>
      tpu.wait_dma2 semaphore(%run_scoped3A : memref<!tpu.dma_semaphore, #tpu.memory_space<semaphore_mem>>) src(%dma_wait3A_24 : memref<6272x4xf32, #tpu.memory_space<hbm>>) dst(%dma_wait3A_22 : memref<6272x4xf32, #tpu.memory_space<vmem_shared>>)
      tpu.yield
    }) : () -> ()
    %mul3A_5 = arith.constant 6272 : i32
    %mul3A_6 = arith.muli %arg1, %mul3A_5 : i32
    %mul3A_7 = arith.constant 6272 : i32
    %mul3A_8 = arith.muli %arg1, %mul3A_7 : i32
    "tpu.region"() ({
      %run_scoped3A = tpu.sem_alloc : memref<!tpu.dma_semaphore, #tpu.memory_space<semaphore_mem>>
      %dma_start3A = arith.constant 0 : i32
      %dma_start3A_19 = tpu.memref_slice %arg14[%mul3A_8, %dma_start3A] : memref<100352x4xf32, #tpu.memory_space<vmem_shared>> -> memref<6272x4xf32, #tpu.memory_space<vmem_shared>>
      %dma_start3A_20 = arith.constant 0 : i32
      %dma_start3A_21 = arith.constant 0 : i32
      %dma_start3A_22 = tpu.memref_slice %arg5[%arg0, %dma_start3A_20, %dma_start3A_21] : memref<2x100352x4xf32, #tpu.memory_space<hbm>> -> memref<1x100352x4xf32, #tpu.memory_space<hbm>>
      %dma_start3A_23 = tpu.memref_squeeze %dma_start3A_22 : memref<1x100352x4xf32, #tpu.memory_space<hbm>> -> memref<100352x4xf32, #tpu.memory_space<hbm>>
      %dma_start3A_24 = arith.constant 0 : i32
      %dma_start3A_25 = tpu.memref_slice %dma_start3A_23[%mul3A_6, %dma_start3A_24] : memref<100352x4xf32, #tpu.memory_space<hbm>> -> memref<6272x4xf32, #tpu.memory_space<hbm>>
      tpu.enqueue_dma source(%dma_start3A_25 : memref<6272x4xf32, #tpu.memory_space<hbm>>) target(%dma_start3A_19 : memref<6272x4xf32, #tpu.memory_space<vmem_shared>>) target_semaphore(%run_scoped3A : memref<!tpu.dma_semaphore, #tpu.memory_space<semaphore_mem>>)
      %dma_wait3A = arith.constant 0 : i32
      %dma_wait3A_26 = tpu.memref_slice %arg14[%mul3A_8, %dma_wait3A] : memref<100352x4xf32, #tpu.memory_space<vmem_shared>> -> memref<6272x4xf32, #tpu.memory_space<vmem_shared>>
      %dma_wait3A_27 = arith.constant 0 : i32
      %dma_wait3A_28 = arith.constant 0 : i32
      %dma_wait3A_29 = tpu.memref_slice %arg5[%arg0, %dma_wait3A_27, %dma_wait3A_28] : memref<2x100352x4xf32, #tpu.memory_space<hbm>> -> memref<1x100352x4xf32, #tpu.memory_space<hbm>>
      %dma_wait3A_30 = tpu.memref_squeeze %dma_wait3A_29 : memref<1x100352x4xf32, #tpu.memory_space<hbm>> -> memref<100352x4xf32, #tpu.memory_space<hbm>>
      %dma_wait3A_31 = arith.constant 0 : i32
      %dma_wait3A_32 = tpu.memref_slice %dma_wait3A_30[%mul3A_6, %dma_wait3A_31] : memref<100352x4xf32, #tpu.memory_space<hbm>> -> memref<6272x4xf32, #tpu.memory_space<hbm>>
      tpu.wait_dma2 semaphore(%run_scoped3A : memref<!tpu.dma_semaphore, #tpu.memory_space<semaphore_mem>>) src(%dma_wait3A_32 : memref<6272x4xf32, #tpu.memory_space<hbm>>) dst(%dma_wait3A_26 : memref<6272x4xf32, #tpu.memory_space<vmem_shared>>)
      tpu.yield
    }) : () -> ()
    %barrier3A = arith.constant 0 : index
    tpu.barrier barrier_id(%barrier3A)
    %scan3A = arith.constant 0 : i32
    %scan3A_9 = arith.constant 0 : i32
    %scan3A_10 = arith.constant 22 : i32
    %scan3A_11 = arith.addi %scan3A_9, %scan3A_10 : i32
    %scan3A_12 = arith.constant 1 : i32
    scf.for %scan3A_19 = %scan3A_9 to %scan3A_11 step %scan3A_12  : i32 {
      %mul3A_20 = arith.constant 396 : i32
      %mul3A_21 = arith.muli %add3A, %mul3A_20 : i32
      %mul3A_22 = arith.constant 2 : i32
      %mul3A_23 = arith.muli %scan3A_19, %mul3A_22 : i32
      %mul3A_24 = arith.constant 9 : i32
      %mul3A_25 = arith.muli %mul3A_23, %mul3A_24 : i32
      %add3A_26 = arith.addi %mul3A_21, %mul3A_25 : i32
      %mul3A_27 = arith.constant 128 : i32
      %mul3A_28 = arith.muli %add3A_26, %mul3A_27 : i32
      "tpu.region"() ({
        %run_scoped3A_62 = tpu.sem_alloc : memref<!tpu.dma_semaphore, #tpu.memory_space<semaphore_mem>>
        %dma_start3A_63 = tpu.memref_slice %arg2[%mul3A_28] : memref<1622016xi32, #tpu.memory_space<hbm>> -> memref<1152xi32, #tpu.memory_space<hbm>>
        %dma_start3A_64 = tpu.memref_slice %arg2[%mul3A_28] : memref<1622016xi32, #tpu.memory_space<hbm>> -> memref<1152xi32, #tpu.memory_space<hbm>>
        tpu.enqueue_dma source(%dma_start3A_64 : memref<1152xi32, #tpu.memory_space<hbm>>) target(%arg7 : memref<1152xi32, #tpu.memory_space<vmem>>) target_semaphore(%run_scoped3A_62 : memref<!tpu.dma_semaphore, #tpu.memory_space<semaphore_mem>>)
        %dma_wait3A_65 = tpu.memref_slice %arg2[%mul3A_28] : memref<1622016xi32, #tpu.memory_space<hbm>> -> memref<1152xi32, #tpu.memory_space<hbm>>
        %dma_wait3A_66 = tpu.memref_slice %arg2[%mul3A_28] : memref<1622016xi32, #tpu.memory_space<hbm>> -> memref<1152xi32, #tpu.memory_space<hbm>>
        tpu.wait_dma2 semaphore(%run_scoped3A_62 : memref<!tpu.dma_semaphore, #tpu.memory_space<semaphore_mem>>) src(%dma_wait3A_66 : memref<1152xi32, #tpu.memory_space<hbm>>) dst(%arg7 : memref<1152xi32, #tpu.memory_space<vmem>>)
        tpu.yield
      }) : () -> ()
      "tpu.region"() ({
        %run_scoped3A_62 = tpu.sem_alloc : memref<!tpu.dma_semaphore, #tpu.memory_space<semaphore_mem>>
        %dma_start3A_63 = arith.constant 0 : i32
        %dma_start3A_64 = tpu.memref_slice %arg3[%add3A_26, %dma_start3A_63] : memref<12672x128xi32, #tpu.memory_space<hbm>> -> memref<9x128xi32, #tpu.memory_space<hbm>>
        %dma_start3A_65 = arith.constant 0 : i32
        %dma_start3A_66 = tpu.memref_slice %arg3[%add3A_26, %dma_start3A_65] : memref<12672x128xi32, #tpu.memory_space<hbm>> -> memref<9x128xi32, #tpu.memory_space<hbm>>
        tpu.enqueue_dma source(%dma_start3A_66 : memref<9x128xi32, #tpu.memory_space<hbm>>) target(%arg9 : memref<9x128xi32, #tpu.memory_space<vmem>>) target_semaphore(%run_scoped3A_62 : memref<!tpu.dma_semaphore, #tpu.memory_space<semaphore_mem>>)
        %dma_wait3A_67 = arith.constant 0 : i32
        %dma_wait3A_68 = tpu.memref_slice %arg3[%add3A_26, %dma_wait3A_67] : memref<12672x128xi32, #tpu.memory_space<hbm>> -> memref<9x128xi32, #tpu.memory_space<hbm>>
        %dma_wait3A_69 = arith.constant 0 : i32
        %dma_wait3A_70 = tpu.memref_slice %arg3[%add3A_26, %dma_wait3A_69] : memref<12672x128xi32, #tpu.memory_space<hbm>> -> memref<9x128xi32, #tpu.memory_space<hbm>>
        tpu.wait_dma2 semaphore(%run_scoped3A_62 : memref<!tpu.dma_semaphore, #tpu.memory_space<semaphore_mem>>) src(%dma_wait3A_70 : memref<9x128xi32, #tpu.memory_space<hbm>>) dst(%arg9 : memref<9x128xi32, #tpu.memory_space<vmem>>)
        tpu.yield
      }) : () -> ()
      %dma_start3A = arith.constant 0 : i32
      %dma_start3A_29 = arith.constant 0 : i32
      %dma_start3A_30 = tpu.memref_slice %arg13[%dma_start3A, %dma_start3A_29] : memref<100352x4xf32, #tpu.memory_space<vmem_shared>> -> memref<100352x4xf32, #tpu.memory_space<vmem_shared>>
      tpu.enqueue_indirect_dma source(%dma_start3A_30 : memref<100352x4xf32, #tpu.memory_space<vmem_shared>>) target(%arg11 : memref<1152x4xf32, #tpu.memory_space<vmem>>) offsets(%arg7 : memref<1152xi32, #tpu.memory_space<vmem>>) semaphore(%arg15 : memref<!tpu.dma_semaphore, #tpu.memory_space<semaphore_mem>>)
      %add3A_31 = arith.constant 9 : i32
      %add3A_32 = arith.addi %add3A_26, %add3A_31 : i32
      %mul3A_33 = arith.constant 128 : i32
      %mul3A_34 = arith.muli %add3A_32, %mul3A_33 : i32
      "tpu.region"() ({
        %run_scoped3A_62 = tpu.sem_alloc : memref<!tpu.dma_semaphore, #tpu.memory_space<semaphore_mem>>
        %dma_start3A_63 = tpu.memref_slice %arg2[%mul3A_34] : memref<1622016xi32, #tpu.memory_space<hbm>> -> memref<1152xi32, #tpu.memory_space<hbm>>
        %dma_start3A_64 = tpu.memref_slice %arg2[%mul3A_34] : memref<1622016xi32, #tpu.memory_space<hbm>> -> memref<1152xi32, #tpu.memory_space<hbm>>
        tpu.enqueue_dma source(%dma_start3A_64 : memref<1152xi32, #tpu.memory_space<hbm>>) target(%arg8 : memref<1152xi32, #tpu.memory_space<vmem>>) target_semaphore(%run_scoped3A_62 : memref<!tpu.dma_semaphore, #tpu.memory_space<semaphore_mem>>)
        %dma_wait3A_65 = tpu.memref_slice %arg2[%mul3A_34] : memref<1622016xi32, #tpu.memory_space<hbm>> -> memref<1152xi32, #tpu.memory_space<hbm>>
        %dma_wait3A_66 = tpu.memref_slice %arg2[%mul3A_34] : memref<1622016xi32, #tpu.memory_space<hbm>> -> memref<1152xi32, #tpu.memory_space<hbm>>
        tpu.wait_dma2 semaphore(%run_scoped3A_62 : memref<!tpu.dma_semaphore, #tpu.memory_space<semaphore_mem>>) src(%dma_wait3A_66 : memref<1152xi32, #tpu.memory_space<hbm>>) dst(%arg8 : memref<1152xi32, #tpu.memory_space<vmem>>)
        tpu.yield
      }) : () -> ()
      %add3A_35 = arith.constant 9 : i32
      %add3A_36 = arith.addi %add3A_26, %add3A_35 : i32
      "tpu.region"() ({
        %run_scoped3A_62 = tpu.sem_alloc : memref<!tpu.dma_semaphore, #tpu.memory_space<semaphore_mem>>
        %dma_start3A_63 = arith.constant 0 : i32
        %dma_start3A_64 = tpu.memref_slice %arg3[%add3A_36, %dma_start3A_63] : memref<12672x128xi32, #tpu.memory_space<hbm>> -> memref<9x128xi32, #tpu.memory_space<hbm>>
        %dma_start3A_65 = arith.constant 0 : i32
        %dma_start3A_66 = tpu.memref_slice %arg3[%add3A_36, %dma_start3A_65] : memref<12672x128xi32, #tpu.memory_space<hbm>> -> memref<9x128xi32, #tpu.memory_space<hbm>>
        tpu.enqueue_dma source(%dma_start3A_66 : memref<9x128xi32, #tpu.memory_space<hbm>>) target(%arg10 : memref<9x128xi32, #tpu.memory_space<vmem>>) target_semaphore(%run_scoped3A_62 : memref<!tpu.dma_semaphore, #tpu.memory_space<semaphore_mem>>)
        %dma_wait3A_67 = arith.constant 0 : i32
        %dma_wait3A_68 = tpu.memref_slice %arg3[%add3A_36, %dma_wait3A_67] : memref<12672x128xi32, #tpu.memory_space<hbm>> -> memref<9x128xi32, #tpu.memory_space<hbm>>
        %dma_wait3A_69 = arith.constant 0 : i32
        %dma_wait3A_70 = tpu.memref_slice %arg3[%add3A_36, %dma_wait3A_69] : memref<12672x128xi32, #tpu.memory_space<hbm>> -> memref<9x128xi32, #tpu.memory_space<hbm>>
        tpu.wait_dma2 semaphore(%run_scoped3A_62 : memref<!tpu.dma_semaphore, #tpu.memory_space<semaphore_mem>>) src(%dma_wait3A_70 : memref<9x128xi32, #tpu.memory_space<hbm>>) dst(%arg10 : memref<9x128xi32, #tpu.memory_space<vmem>>)
        tpu.yield
      }) : () -> ()
      %dma_wait3A = arith.constant 0 : i32
      %dma_wait3A_37 = arith.constant 0 : i32
      %dma_wait3A_38 = tpu.memref_slice %arg13[%dma_wait3A, %dma_wait3A_37] : memref<100352x4xf32, #tpu.memory_space<vmem_shared>> -> memref<100352x4xf32, #tpu.memory_space<vmem_shared>>
      tpu.wait_indirect_dma semaphore(%arg15 : memref<!tpu.dma_semaphore, #tpu.memory_space<semaphore_mem>>) src(%dma_wait3A_38 : memref<100352x4xf32, #tpu.memory_space<vmem_shared>>) dst(%arg11 : memref<1152x4xf32, #tpu.memory_space<vmem>>)
      %dma_start3A_39 = arith.constant 0 : i32
      %dma_start3A_40 = arith.constant 0 : i32
      %dma_start3A_41 = tpu.memref_slice %arg13[%dma_start3A_39, %dma_start3A_40] : memref<100352x4xf32, #tpu.memory_space<vmem_shared>> -> memref<100352x4xf32, #tpu.memory_space<vmem_shared>>
      tpu.enqueue_indirect_dma source(%dma_start3A_41 : memref<100352x4xf32, #tpu.memory_space<vmem_shared>>) target(%arg12 : memref<1152x4xf32, #tpu.memory_space<vmem>>) offsets(%arg8 : memref<1152xi32, #tpu.memory_space<vmem>>) semaphore(%arg15 : memref<!tpu.dma_semaphore, #tpu.memory_space<semaphore_mem>>)
      %run_scoped3A = arith.constant 0 : i32
      "tpu.region"() ({
        %run_scoped3A_62 = tpu.sem_alloc : memref<!tpu.dma_semaphore, #tpu.memory_space<semaphore_mem>>
        %dma_start3A_63 = arith.constant 0 : i32
        %dma_start3A_64 = arith.constant 0 : i32
        %dma_start3A_65 = tpu.memref_slice %arg11[%dma_start3A_63, %dma_start3A_64] : memref<1152x4xf32, #tpu.memory_space<vmem>> -> memref<128x4xf32, #tpu.memory_space<vmem>>
        %dma_start3A_66 = arith.constant 0 : i32
        %dma_start3A_67 = tpu.memref_slice %arg9[%run_scoped3A, %dma_start3A_66] : memref<9x128xi32, #tpu.memory_space<vmem>> -> memref<1x128xi32, #tpu.memory_space<vmem>>
        %dma_start3A_68 = tpu.memref_squeeze %dma_start3A_67 : memref<1x128xi32, #tpu.memory_space<vmem>> -> memref<128xi32, #tpu.memory_space<vmem>>
        %dma_start3A_69 = arith.constant 0 : i32
        %dma_start3A_70 = arith.constant 0 : i32
        %dma_start3A_71 = tpu.memref_slice %arg14[%dma_start3A_69, %dma_start3A_70] : memref<100352x4xf32, #tpu.memory_space<vmem_shared>> -> memref<100352x4xf32, #tpu.memory_space<vmem_shared>>
        tpu.enqueue_indirect_dma source(%dma_start3A_65 : memref<128x4xf32, #tpu.memory_space<vmem>>) target(%dma_start3A_71 : memref<100352x4xf32, #tpu.memory_space<vmem_shared>>) offsets(%dma_start3A_68 : memref<128xi32, #tpu.memory_space<vmem>>) semaphore(%run_scoped3A_62 : memref<!tpu.dma_semaphore, #tpu.memory_space<semaphore_mem>>) {add = true}
        %dma_wait3A_72 = arith.constant 0 : i32
        %dma_wait3A_73 = arith.constant 0 : i32
        %dma_wait3A_74 = tpu.memref_slice %arg11[%dma_wait3A_72, %dma_wait3A_73] : memref<1152x4xf32, #tpu.memory_space<vmem>> -> memref<128x4xf32, #tpu.memory_space<vmem>>
        %dma_wait3A_75 = arith.constant 0 : i32
        %dma_wait3A_76 = tpu.memref_slice %arg9[%run_scoped3A, %dma_wait3A_75] : memref<9x128xi32, #tpu.memory_space<vmem>> -> memref<1x128xi32, #tpu.memory_space<vmem>>
        %dma_wait3A_77 = tpu.memref_squeeze %dma_wait3A_76 : memref<1x128xi32, #tpu.memory_space<vmem>> -> memref<128xi32, #tpu.memory_space<vmem>>
        %dma_wait3A_78 = arith.constant 0 : i32
        %dma_wait3A_79 = arith.constant 0 : i32
        %dma_wait3A_80 = tpu.memref_slice %arg14[%dma_wait3A_78, %dma_wait3A_79] : memref<100352x4xf32, #tpu.memory_space<vmem_shared>> -> memref<100352x4xf32, #tpu.memory_space<vmem_shared>>
        tpu.wait_indirect_dma semaphore(%run_scoped3A_62 : memref<!tpu.dma_semaphore, #tpu.memory_space<semaphore_mem>>) src(%dma_wait3A_74 : memref<128x4xf32, #tpu.memory_space<vmem>>) dst(%dma_wait3A_80 : memref<100352x4xf32, #tpu.memory_space<vmem_shared>>)
        tpu.yield
      }) : () -> ()
      %run_scoped3A_42 = arith.constant 1 : i32
      "tpu.region"() ({
        %run_scoped3A_62 = tpu.sem_alloc : memref<!tpu.dma_semaphore, #tpu.memory_space<semaphore_mem>>
        %dma_start3A_63 = arith.constant 128 : i32
        %dma_start3A_64 = arith.constant 0 : i32
        %dma_start3A_65 = tpu.memref_slice %arg11[%dma_start3A_63, %dma_start3A_64] : memref<1152x4xf32, #tpu.memory_space<vmem>> -> memref<128x4xf32, #tpu.memory_space<vmem>>
        %dma_start3A_66 = arith.constant 0 : i32
        %dma_start3A_67 = tpu.memref_slice %arg9[%run_scoped3A_42, %dma_start3A_66] : memref<9x128xi32, #tpu.memory_space<vmem>> -> memref<1x128xi32, #tpu.memory_space<vmem>>
        %dma_start3A_68 = tpu.memref_squeeze %dma_start3A_67 : memref<1x128xi32, #tpu.memory_space<vmem>> -> memref<128xi32, #tpu.memory_space<vmem>>
        %dma_start3A_69 = arith.constant 0 : i32
        %dma_start3A_70 = arith.constant 0 : i32
        %dma_start3A_71 = tpu.memref_slice %arg14[%dma_start3A_69, %dma_start3A_70] : memref<100352x4xf32, #tpu.memory_space<vmem_shared>> -> memref<100352x4xf32, #tpu.memory_space<vmem_shared>>
        tpu.enqueue_indirect_dma source(%dma_start3A_65 : memref<128x4xf32, #tpu.memory_space<vmem>>) target(%dma_start3A_71 : memref<100352x4xf32, #tpu.memory_space<vmem_shared>>) offsets(%dma_start3A_68 : memref<128xi32, #tpu.memory_space<vmem>>) semaphore(%run_scoped3A_62 : memref<!tpu.dma_semaphore, #tpu.memory_space<semaphore_mem>>) {add = true}
        %dma_wait3A_72 = arith.constant 128 : i32
        %dma_wait3A_73 = arith.constant 0 : i32
        %dma_wait3A_74 = tpu.memref_slice %arg11[%dma_wait3A_72, %dma_wait3A_73] : memref<1152x4xf32, #tpu.memory_space<vmem>> -> memref<128x4xf32, #tpu.memory_space<vmem>>
        %dma_wait3A_75 = arith.constant 0 : i32
        %dma_wait3A_76 = tpu.memref_slice %arg9[%run_scoped3A_42, %dma_wait3A_75] : memref<9x128xi32, #tpu.memory_space<vmem>> -> memref<1x128xi32, #tpu.memory_space<vmem>>
        %dma_wait3A_77 = tpu.memref_squeeze %dma_wait3A_76 : memref<1x128xi32, #tpu.memory_space<vmem>> -> memref<128xi32, #tpu.memory_space<vmem>>
        %dma_wait3A_78 = arith.constant 0 : i32
        %dma_wait3A_79 = arith.constant 0 : i32
        %dma_wait3A_80 = tpu.memref_slice %arg14[%dma_wait3A_78, %dma_wait3A_79] : memref<100352x4xf32, #tpu.memory_space<vmem_shared>> -> memref<100352x4xf32, #tpu.memory_space<vmem_shared>>
        tpu.wait_indirect_dma semaphore(%run_scoped3A_62 : memref<!tpu.dma_semaphore, #tpu.memory_space<semaphore_mem>>) src(%dma_wait3A_74 : memref<128x4xf32, #tpu.memory_space<vmem>>) dst(%dma_wait3A_80 : memref<100352x4xf32, #tpu.memory_space<vmem_shared>>)
        tpu.yield
      }) : () -> ()
      %run_scoped3A_43 = arith.constant 2 : i32
      "tpu.region"() ({
        %run_scoped3A_62 = tpu.sem_alloc : memref<!tpu.dma_semaphore, #tpu.memory_space<semaphore_mem>>
        %dma_start3A_63 = arith.constant 256 : i32
        %dma_start3A_64 = arith.constant 0 : i32
        %dma_start3A_65 = tpu.memref_slice %arg11[%dma_start3A_63, %dma_start3A_64] : memref<1152x4xf32, #tpu.memory_space<vmem>> -> memref<128x4xf32, #tpu.memory_space<vmem>>
        %dma_start3A_66 = arith.constant 0 : i32
        %dma_start3A_67 = tpu.memref_slice %arg9[%run_scoped3A_43, %dma_start3A_66] : memref<9x128xi32, #tpu.memory_space<vmem>> -> memref<1x128xi32, #tpu.memory_space<vmem>>
        %dma_start3A_68 = tpu.memref_squeeze %dma_start3A_67 : memref<1x128xi32, #tpu.memory_space<vmem>> -> memref<128xi32, #tpu.memory_space<vmem>>
        %dma_start3A_69 = arith.constant 0 : i32
        %dma_start3A_70 = arith.constant 0 : i32
        %dma_start3A_71 = tpu.memref_slice %arg14[%dma_start3A_69, %dma_start3A_70] : memref<100352x4xf32, #tpu.memory_space<vmem_shared>> -> memref<100352x4xf32, #tpu.memory_space<vmem_shared>>
        tpu.enqueue_indirect_dma source(%dma_start3A_65 : memref<128x4xf32, #tpu.memory_space<vmem>>) target(%dma_start3A_71 : memref<100352x4xf32, #tpu.memory_space<vmem_shared>>) offsets(%dma_start3A_68 : memref<128xi32, #tpu.memory_space<vmem>>) semaphore(%run_scoped3A_62 : memref<!tpu.dma_semaphore, #tpu.memory_space<semaphore_mem>>) {add = true}
        %dma_wait3A_72 = arith.constant 256 : i32
        %dma_wait3A_73 = arith.constant 0 : i32
        %dma_wait3A_74 = tpu.memref_slice %arg11[%dma_wait3A_72, %dma_wait3A_73] : memref<1152x4xf32, #tpu.memory_space<vmem>> -> memref<128x4xf32, #tpu.memory_space<vmem>>
        %dma_wait3A_75 = arith.constant 0 : i32
        %dma_wait3A_76 = tpu.memref_slice %arg9[%run_scoped3A_43, %dma_wait3A_75] : memref<9x128xi32, #tpu.memory_space<vmem>> -> memref<1x128xi32, #tpu.memory_space<vmem>>
        %dma_wait3A_77 = tpu.memref_squeeze %dma_wait3A_76 : memref<1x128xi32, #tpu.memory_space<vmem>> -> memref<128xi32, #tpu.memory_space<vmem>>
        %dma_wait3A_78 = arith.constant 0 : i32
        %dma_wait3A_79 = arith.constant 0 : i32
        %dma_wait3A_80 = tpu.memref_slice %arg14[%dma_wait3A_78, %dma_wait3A_79] : memref<100352x4xf32, #tpu.memory_space<vmem_shared>> -> memref<100352x4xf32, #tpu.memory_space<vmem_shared>>
        tpu.wait_indirect_dma semaphore(%run_scoped3A_62 : memref<!tpu.dma_semaphore, #tpu.memory_space<semaphore_mem>>) src(%dma_wait3A_74 : memref<128x4xf32, #tpu.memory_space<vmem>>) dst(%dma_wait3A_80 : memref<100352x4xf32, #tpu.memory_space<vmem_shared>>)
        tpu.yield
      }) : () -> ()
      %run_scoped3A_44 = arith.constant 3 : i32
      "tpu.region"() ({
        %run_scoped3A_62 = tpu.sem_alloc : memref<!tpu.dma_semaphore, #tpu.memory_space<semaphore_mem>>
        %dma_start3A_63 = arith.constant 384 : i32
        %dma_start3A_64 = arith.constant 0 : i32
        %dma_start3A_65 = tpu.memref_slice %arg11[%dma_start3A_63, %dma_start3A_64] : memref<1152x4xf32, #tpu.memory_space<vmem>> -> memref<128x4xf32, #tpu.memory_space<vmem>>
        %dma_start3A_66 = arith.constant 0 : i32
        %dma_start3A_67 = tpu.memref_slice %arg9[%run_scoped3A_44, %dma_start3A_66] : memref<9x128xi32, #tpu.memory_space<vmem>> -> memref<1x128xi32, #tpu.memory_space<vmem>>
        %dma_start3A_68 = tpu.memref_squeeze %dma_start3A_67 : memref<1x128xi32, #tpu.memory_space<vmem>> -> memref<128xi32, #tpu.memory_space<vmem>>
        %dma_start3A_69 = arith.constant 0 : i32
        %dma_start3A_70 = arith.constant 0 : i32
        %dma_start3A_71 = tpu.memref_slice %arg14[%dma_start3A_69, %dma_start3A_70] : memref<100352x4xf32, #tpu.memory_space<vmem_shared>> -> memref<100352x4xf32, #tpu.memory_space<vmem_shared>>
        tpu.enqueue_indirect_dma source(%dma_start3A_65 : memref<128x4xf32, #tpu.memory_space<vmem>>) target(%dma_start3A_71 : memref<100352x4xf32, #tpu.memory_space<vmem_shared>>) offsets(%dma_start3A_68 : memref<128xi32, #tpu.memory_space<vmem>>) semaphore(%run_scoped3A_62 : memref<!tpu.dma_semaphore, #tpu.memory_space<semaphore_mem>>) {add = true}
        %dma_wait3A_72 = arith.constant 384 : i32
        %dma_wait3A_73 = arith.constant 0 : i32
        %dma_wait3A_74 = tpu.memref_slice %arg11[%dma_wait3A_72, %dma_wait3A_73] : memref<1152x4xf32, #tpu.memory_space<vmem>> -> memref<128x4xf32, #tpu.memory_space<vmem>>
        %dma_wait3A_75 = arith.constant 0 : i32
        %dma_wait3A_76 = tpu.memref_slice %arg9[%run_scoped3A_44, %dma_wait3A_75] : memref<9x128xi32, #tpu.memory_space<vmem>> -> memref<1x128xi32, #tpu.memory_space<vmem>>
        %dma_wait3A_77 = tpu.memref_squeeze %dma_wait3A_76 : memref<1x128xi32, #tpu.memory_space<vmem>> -> memref<128xi32, #tpu.memory_space<vmem>>
        %dma_wait3A_78 = arith.constant 0 : i32
        %dma_wait3A_79 = arith.constant 0 : i32
        %dma_wait3A_80 = tpu.memref_slice %arg14[%dma_wait3A_78, %dma_wait3A_79] : memref<100352x4xf32, #tpu.memory_space<vmem_shared>> -> memref<100352x4xf32, #tpu.memory_space<vmem_shared>>
        tpu.wait_indirect_dma semaphore(%run_scoped3A_62 : memref<!tpu.dma_semaphore, #tpu.memory_space<semaphore_mem>>) src(%dma_wait3A_74 : memref<128x4xf32, #tpu.memory_space<vmem>>) dst(%dma_wait3A_80 : memref<100352x4xf32, #tpu.memory_space<vmem_shared>>)
        tpu.yield
      }) : () -> ()
      %run_scoped3A_45 = arith.constant 4 : i32
      "tpu.region"() ({
        %run_scoped3A_62 = tpu.sem_alloc : memref<!tpu.dma_semaphore, #tpu.memory_space<semaphore_mem>>
        %dma_start3A_63 = arith.constant 512 : i32
        %dma_start3A_64 = arith.constant 0 : i32
        %dma_start3A_65 = tpu.memref_slice %arg11[%dma_start3A_63, %dma_start3A_64] : memref<1152x4xf32, #tpu.memory_space<vmem>> -> memref<128x4xf32, #tpu.memory_space<vmem>>
        %dma_start3A_66 = arith.constant 0 : i32
        %dma_start3A_67 = tpu.memref_slice %arg9[%run_scoped3A_45, %dma_start3A_66] : memref<9x128xi32, #tpu.memory_space<vmem>> -> memref<1x128xi32, #tpu.memory_space<vmem>>
        %dma_start3A_68 = tpu.memref_squeeze %dma_start3A_67 : memref<1x128xi32, #tpu.memory_space<vmem>> -> memref<128xi32, #tpu.memory_space<vmem>>
        %dma_start3A_69 = arith.constant 0 : i32
        %dma_start3A_70 = arith.constant 0 : i32
        %dma_start3A_71 = tpu.memref_slice %arg14[%dma_start3A_69, %dma_start3A_70] : memref<100352x4xf32, #tpu.memory_space<vmem_shared>> -> memref<100352x4xf32, #tpu.memory_space<vmem_shared>>
        tpu.enqueue_indirect_dma source(%dma_start3A_65 : memref<128x4xf32, #tpu.memory_space<vmem>>) target(%dma_start3A_71 : memref<100352x4xf32, #tpu.memory_space<vmem_shared>>) offsets(%dma_start3A_68 : memref<128xi32, #tpu.memory_space<vmem>>) semaphore(%run_scoped3A_62 : memref<!tpu.dma_semaphore, #tpu.memory_space<semaphore_mem>>) {add = true}
        %dma_wait3A_72 = arith.constant 512 : i32
        %dma_wait3A_73 = arith.constant 0 : i32
        %dma_wait3A_74 = tpu.memref_slice %arg11[%dma_wait3A_72, %dma_wait3A_73] : memref<1152x4xf32, #tpu.memory_space<vmem>> -> memref<128x4xf32, #tpu.memory_space<vmem>>
        %dma_wait3A_75 = arith.constant 0 : i32
        %dma_wait3A_76 = tpu.memref_slice %arg9[%run_scoped3A_45, %dma_wait3A_75] : memref<9x128xi32, #tpu.memory_space<vmem>> -> memref<1x128xi32, #tpu.memory_space<vmem>>
        %dma_wait3A_77 = tpu.memref_squeeze %dma_wait3A_76 : memref<1x128xi32, #tpu.memory_space<vmem>> -> memref<128xi32, #tpu.memory_space<vmem>>
        %dma_wait3A_78 = arith.constant 0 : i32
        %dma_wait3A_79 = arith.constant 0 : i32
        %dma_wait3A_80 = tpu.memref_slice %arg14[%dma_wait3A_78, %dma_wait3A_79] : memref<100352x4xf32, #tpu.memory_space<vmem_shared>> -> memref<100352x4xf32, #tpu.memory_space<vmem_shared>>
        tpu.wait_indirect_dma semaphore(%run_scoped3A_62 : memref<!tpu.dma_semaphore, #tpu.memory_space<semaphore_mem>>) src(%dma_wait3A_74 : memref<128x4xf32, #tpu.memory_space<vmem>>) dst(%dma_wait3A_80 : memref<100352x4xf32, #tpu.memory_space<vmem_shared>>)
        tpu.yield
      }) : () -> ()
      %run_scoped3A_46 = arith.constant 5 : i32
      "tpu.region"() ({
        %run_scoped3A_62 = tpu.sem_alloc : memref<!tpu.dma_semaphore, #tpu.memory_space<semaphore_mem>>
        %dma_start3A_63 = arith.constant 640 : i32
        %dma_start3A_64 = arith.constant 0 : i32
        %dma_start3A_65 = tpu.memref_slice %arg11[%dma_start3A_63, %dma_start3A_64] : memref<1152x4xf32, #tpu.memory_space<vmem>> -> memref<128x4xf32, #tpu.memory_space<vmem>>
        %dma_start3A_66 = arith.constant 0 : i32
        %dma_start3A_67 = tpu.memref_slice %arg9[%run_scoped3A_46, %dma_start3A_66] : memref<9x128xi32, #tpu.memory_space<vmem>> -> memref<1x128xi32, #tpu.memory_space<vmem>>
        %dma_start3A_68 = tpu.memref_squeeze %dma_start3A_67 : memref<1x128xi32, #tpu.memory_space<vmem>> -> memref<128xi32, #tpu.memory_space<vmem>>
        %dma_start3A_69 = arith.constant 0 : i32
        %dma_start3A_70 = arith.constant 0 : i32
        %dma_start3A_71 = tpu.memref_slice %arg14[%dma_start3A_69, %dma_start3A_70] : memref<100352x4xf32, #tpu.memory_space<vmem_shared>> -> memref<100352x4xf32, #tpu.memory_space<vmem_shared>>
        tpu.enqueue_indirect_dma source(%dma_start3A_65 : memref<128x4xf32, #tpu.memory_space<vmem>>) target(%dma_start3A_71 : memref<100352x4xf32, #tpu.memory_space<vmem_shared>>) offsets(%dma_start3A_68 : memref<128xi32, #tpu.memory_space<vmem>>) semaphore(%run_scoped3A_62 : memref<!tpu.dma_semaphore, #tpu.memory_space<semaphore_mem>>) {add = true}
        %dma_wait3A_72 = arith.constant 640 : i32
        %dma_wait3A_73 = arith.constant 0 : i32
        %dma_wait3A_74 = tpu.memref_slice %arg11[%dma_wait3A_72, %dma_wait3A_73] : memref<1152x4xf32, #tpu.memory_space<vmem>> -> memref<128x4xf32, #tpu.memory_space<vmem>>
        %dma_wait3A_75 = arith.constant 0 : i32
        %dma_wait3A_76 = tpu.memref_slice %arg9[%run_scoped3A_46, %dma_wait3A_75] : memref<9x128xi32, #tpu.memory_space<vmem>> -> memref<1x128xi32, #tpu.memory_space<vmem>>
        %dma_wait3A_77 = tpu.memref_squeeze %dma_wait3A_76 : memref<1x128xi32, #tpu.memory_space<vmem>> -> memref<128xi32, #tpu.memory_space<vmem>>
        %dma_wait3A_78 = arith.constant 0 : i32
        %dma_wait3A_79 = arith.constant 0 : i32
        %dma_wait3A_80 = tpu.memref_slice %arg14[%dma_wait3A_78, %dma_wait3A_79] : memref<100352x4xf32, #tpu.memory_space<vmem_shared>> -> memref<100352x4xf32, #tpu.memory_space<vmem_shared>>
        tpu.wait_indirect_dma semaphore(%run_scoped3A_62 : memref<!tpu.dma_semaphore, #tpu.memory_space<semaphore_mem>>) src(%dma_wait3A_74 : memref<128x4xf32, #tpu.memory_space<vmem>>) dst(%dma_wait3A_80 : memref<100352x4xf32, #tpu.memory_space<vmem_shared>>)
        tpu.yield
      }) : () -> ()
      %run_scoped3A_47 = arith.constant 6 : i32
      "tpu.region"() ({
        %run_scoped3A_62 = tpu.sem_alloc : memref<!tpu.dma_semaphore, #tpu.memory_space<semaphore_mem>>
        %dma_start3A_63 = arith.constant 768 : i32
        %dma_start3A_64 = arith.constant 0 : i32
        %dma_start3A_65 = tpu.memref_slice %arg11[%dma_start3A_63, %dma_start3A_64] : memref<1152x4xf32, #tpu.memory_space<vmem>> -> memref<128x4xf32, #tpu.memory_space<vmem>>
        %dma_start3A_66 = arith.constant 0 : i32
        %dma_start3A_67 = tpu.memref_slice %arg9[%run_scoped3A_47, %dma_start3A_66] : memref<9x128xi32, #tpu.memory_space<vmem>> -> memref<1x128xi32, #tpu.memory_space<vmem>>
        %dma_start3A_68 = tpu.memref_squeeze %dma_start3A_67 : memref<1x128xi32, #tpu.memory_space<vmem>> -> memref<128xi32, #tpu.memory_space<vmem>>
        %dma_start3A_69 = arith.constant 0 : i32
        %dma_start3A_70 = arith.constant 0 : i32
        %dma_start3A_71 = tpu.memref_slice %arg14[%dma_start3A_69, %dma_start3A_70] : memref<100352x4xf32, #tpu.memory_space<vmem_shared>> -> memref<100352x4xf32, #tpu.memory_space<vmem_shared>>
        tpu.enqueue_indirect_dma source(%dma_start3A_65 : memref<128x4xf32, #tpu.memory_space<vmem>>) target(%dma_start3A_71 : memref<100352x4xf32, #tpu.memory_space<vmem_shared>>) offsets(%dma_start3A_68 : memref<128xi32, #tpu.memory_space<vmem>>) semaphore(%run_scoped3A_62 : memref<!tpu.dma_semaphore, #tpu.memory_space<semaphore_mem>>) {add = true}
        %dma_wait3A_72 = arith.constant 768 : i32
        %dma_wait3A_73 = arith.constant 0 : i32
        %dma_wait3A_74 = tpu.memref_slice %arg11[%dma_wait3A_72, %dma_wait3A_73] : memref<1152x4xf32, #tpu.memory_space<vmem>> -> memref<128x4xf32, #tpu.memory_space<vmem>>
        %dma_wait3A_75 = arith.constant 0 : i32
        %dma_wait3A_76 = tpu.memref_slice %arg9[%run_scoped3A_47, %dma_wait3A_75] : memref<9x128xi32, #tpu.memory_space<vmem>> -> memref<1x128xi32, #tpu.memory_space<vmem>>
        %dma_wait3A_77 = tpu.memref_squeeze %dma_wait3A_76 : memref<1x128xi32, #tpu.memory_space<vmem>> -> memref<128xi32, #tpu.memory_space<vmem>>
        %dma_wait3A_78 = arith.constant 0 : i32
        %dma_wait3A_79 = arith.constant 0 : i32
        %dma_wait3A_80 = tpu.memref_slice %arg14[%dma_wait3A_78, %dma_wait3A_79] : memref<100352x4xf32, #tpu.memory_space<vmem_shared>> -> memref<100352x4xf32, #tpu.memory_space<vmem_shared>>
        tpu.wait_indirect_dma semaphore(%run_scoped3A_62 : memref<!tpu.dma_semaphore, #tpu.memory_space<semaphore_mem>>) src(%dma_wait3A_74 : memref<128x4xf32, #tpu.memory_space<vmem>>) dst(%dma_wait3A_80 : memref<100352x4xf32, #tpu.memory_space<vmem_shared>>)
        tpu.yield
      }) : () -> ()
      %run_scoped3A_48 = arith.constant 7 : i32
      "tpu.region"() ({
        %run_scoped3A_62 = tpu.sem_alloc : memref<!tpu.dma_semaphore, #tpu.memory_space<semaphore_mem>>
        %dma_start3A_63 = arith.constant 896 : i32
        %dma_start3A_64 = arith.constant 0 : i32
        %dma_start3A_65 = tpu.memref_slice %arg11[%dma_start3A_63, %dma_start3A_64] : memref<1152x4xf32, #tpu.memory_space<vmem>> -> memref<128x4xf32, #tpu.memory_space<vmem>>
        %dma_start3A_66 = arith.constant 0 : i32
        %dma_start3A_67 = tpu.memref_slice %arg9[%run_scoped3A_48, %dma_start3A_66] : memref<9x128xi32, #tpu.memory_space<vmem>> -> memref<1x128xi32, #tpu.memory_space<vmem>>
        %dma_start3A_68 = tpu.memref_squeeze %dma_start3A_67 : memref<1x128xi32, #tpu.memory_space<vmem>> -> memref<128xi32, #tpu.memory_space<vmem>>
        %dma_start3A_69 = arith.constant 0 : i32
        %dma_start3A_70 = arith.constant 0 : i32
        %dma_start3A_71 = tpu.memref_slice %arg14[%dma_start3A_69, %dma_start3A_70] : memref<100352x4xf32, #tpu.memory_space<vmem_shared>> -> memref<100352x4xf32, #tpu.memory_space<vmem_shared>>
        tpu.enqueue_indirect_dma source(%dma_start3A_65 : memref<128x4xf32, #tpu.memory_space<vmem>>) target(%dma_start3A_71 : memref<100352x4xf32, #tpu.memory_space<vmem_shared>>) offsets(%dma_start3A_68 : memref<128xi32, #tpu.memory_space<vmem>>) semaphore(%run_scoped3A_62 : memref<!tpu.dma_semaphore, #tpu.memory_space<semaphore_mem>>) {add = true}
        %dma_wait3A_72 = arith.constant 896 : i32
        %dma_wait3A_73 = arith.constant 0 : i32
        %dma_wait3A_74 = tpu.memref_slice %arg11[%dma_wait3A_72, %dma_wait3A_73] : memref<1152x4xf32, #tpu.memory_space<vmem>> -> memref<128x4xf32, #tpu.memory_space<vmem>>
        %dma_wait3A_75 = arith.constant 0 : i32
        %dma_wait3A_76 = tpu.memref_slice %arg9[%run_scoped3A_48, %dma_wait3A_75] : memref<9x128xi32, #tpu.memory_space<vmem>> -> memref<1x128xi32, #tpu.memory_space<vmem>>
        %dma_wait3A_77 = tpu.memref_squeeze %dma_wait3A_76 : memref<1x128xi32, #tpu.memory_space<vmem>> -> memref<128xi32, #tpu.memory_space<vmem>>
        %dma_wait3A_78 = arith.constant 0 : i32
        %dma_wait3A_79 = arith.constant 0 : i32
        %dma_wait3A_80 = tpu.memref_slice %arg14[%dma_wait3A_78, %dma_wait3A_79] : memref<100352x4xf32, #tpu.memory_space<vmem_shared>> -> memref<100352x4xf32, #tpu.memory_space<vmem_shared>>
        tpu.wait_indirect_dma semaphore(%run_scoped3A_62 : memref<!tpu.dma_semaphore, #tpu.memory_space<semaphore_mem>>) src(%dma_wait3A_74 : memref<128x4xf32, #tpu.memory_space<vmem>>) dst(%dma_wait3A_80 : memref<100352x4xf32, #tpu.memory_space<vmem_shared>>)
        tpu.yield
      }) : () -> ()
      %run_scoped3A_49 = arith.constant 8 : i32
      "tpu.region"() ({
        %run_scoped3A_62 = tpu.sem_alloc : memref<!tpu.dma_semaphore, #tpu.memory_space<semaphore_mem>>
        %dma_start3A_63 = arith.constant 1024 : i32
        %dma_start3A_64 = arith.constant 0 : i32
        %dma_start3A_65 = tpu.memref_slice %arg11[%dma_start3A_63, %dma_start3A_64] : memref<1152x4xf32, #tpu.memory_space<vmem>> -> memref<128x4xf32, #tpu.memory_space<vmem>>
        %dma_start3A_66 = arith.constant 0 : i32
        %dma_start3A_67 = tpu.memref_slice %arg9[%run_scoped3A_49, %dma_start3A_66] : memref<9x128xi32, #tpu.memory_space<vmem>> -> memref<1x128xi32, #tpu.memory_space<vmem>>
        %dma_start3A_68 = tpu.memref_squeeze %dma_start3A_67 : memref<1x128xi32, #tpu.memory_space<vmem>> -> memref<128xi32, #tpu.memory_space<vmem>>
        %dma_start3A_69 = arith.constant 0 : i32
        %dma_start3A_70 = arith.constant 0 : i32
        %dma_start3A_71 = tpu.memref_slice %arg14[%dma_start3A_69, %dma_start3A_70] : memref<100352x4xf32, #tpu.memory_space<vmem_shared>> -> memref<100352x4xf32, #tpu.memory_space<vmem_shared>>
        tpu.enqueue_indirect_dma source(%dma_start3A_65 : memref<128x4xf32, #tpu.memory_space<vmem>>) target(%dma_start3A_71 : memref<100352x4xf32, #tpu.memory_space<vmem_shared>>) offsets(%dma_start3A_68 : memref<128xi32, #tpu.memory_space<vmem>>) semaphore(%run_scoped3A_62 : memref<!tpu.dma_semaphore, #tpu.memory_space<semaphore_mem>>) {add = true}
        %dma_wait3A_72 = arith.constant 1024 : i32
        %dma_wait3A_73 = arith.constant 0 : i32
        %dma_wait3A_74 = tpu.memref_slice %arg11[%dma_wait3A_72, %dma_wait3A_73] : memref<1152x4xf32, #tpu.memory_space<vmem>> -> memref<128x4xf32, #tpu.memory_space<vmem>>
        %dma_wait3A_75 = arith.constant 0 : i32
        %dma_wait3A_76 = tpu.memref_slice %arg9[%run_scoped3A_49, %dma_wait3A_75] : memref<9x128xi32, #tpu.memory_space<vmem>> -> memref<1x128xi32, #tpu.memory_space<vmem>>
        %dma_wait3A_77 = tpu.memref_squeeze %dma_wait3A_76 : memref<1x128xi32, #tpu.memory_space<vmem>> -> memref<128xi32, #tpu.memory_space<vmem>>
        %dma_wait3A_78 = arith.constant 0 : i32
        %dma_wait3A_79 = arith.constant 0 : i32
        %dma_wait3A_80 = tpu.memref_slice %arg14[%dma_wait3A_78, %dma_wait3A_79] : memref<100352x4xf32, #tpu.memory_space<vmem_shared>> -> memref<100352x4xf32, #tpu.memory_space<vmem_shared>>
        tpu.wait_indirect_dma semaphore(%run_scoped3A_62 : memref<!tpu.dma_semaphore, #tpu.memory_space<semaphore_mem>>) src(%dma_wait3A_74 : memref<128x4xf32, #tpu.memory_space<vmem>>) dst(%dma_wait3A_80 : memref<100352x4xf32, #tpu.memory_space<vmem_shared>>)
        tpu.yield
      }) : () -> ()
      %dma_wait3A_50 = arith.constant 0 : i32
      %dma_wait3A_51 = arith.constant 0 : i32
      %dma_wait3A_52 = tpu.memref_slice %arg13[%dma_wait3A_50, %dma_wait3A_51] : memref<100352x4xf32, #tpu.memory_space<vmem_shared>> -> memref<100352x4xf32, #tpu.memory_space<vmem_shared>>
      tpu.wait_indirect_dma semaphore(%arg15 : memref<!tpu.dma_semaphore, #tpu.memory_space<semaphore_mem>>) src(%dma_wait3A_52 : memref<100352x4xf32, #tpu.memory_space<vmem_shared>>) dst(%arg12 : memref<1152x4xf32, #tpu.memory_space<vmem>>)
      %run_scoped3A_53 = arith.constant 0 : i32
      "tpu.region"() ({
        %run_scoped3A_62 = tpu.sem_alloc : memref<!tpu.dma_semaphore, #tpu.memory_space<semaphore_mem>>
        %dma_start3A_63 = arith.constant 0 : i32
        %dma_start3A_64 = arith.constant 0 : i32
        %dma_start3A_65 = tpu.memref_slice %arg12[%dma_start3A_63, %dma_start3A_64] : memref<1152x4xf32, #tpu.memory_space<vmem>> -> memref<128x4xf32, #tpu.memory_space<vmem>>
        %dma_start3A_66 = arith.constant 0 : i32
        %dma_start3A_67 = tpu.memref_slice %arg10[%run_scoped3A_53, %dma_start3A_66] : memref<9x128xi32, #tpu.memory_space<vmem>> -> memref<1x128xi32, #tpu.memory_space<vmem>>
        %dma_start3A_68 = tpu.memref_squeeze %dma_start3A_67 : memref<1x128xi32, #tpu.memory_space<vmem>> -> memref<128xi32, #tpu.memory_space<vmem>>
        %dma_start3A_69 = arith.constant 0 : i32
        %dma_start3A_70 = arith.constant 0 : i32
        %dma_start3A_71 = tpu.memref_slice %arg14[%dma_start3A_69, %dma_start3A_70] : memref<100352x4xf32, #tpu.memory_space<vmem_shared>> -> memref<100352x4xf32, #tpu.memory_space<vmem_shared>>
        tpu.enqueue_indirect_dma source(%dma_start3A_65 : memref<128x4xf32, #tpu.memory_space<vmem>>) target(%dma_start3A_71 : memref<100352x4xf32, #tpu.memory_space<vmem_shared>>) offsets(%dma_start3A_68 : memref<128xi32, #tpu.memory_space<vmem>>) semaphore(%run_scoped3A_62 : memref<!tpu.dma_semaphore, #tpu.memory_space<semaphore_mem>>) {add = true}
        %dma_wait3A_72 = arith.constant 0 : i32
        %dma_wait3A_73 = arith.constant 0 : i32
        %dma_wait3A_74 = tpu.memref_slice %arg12[%dma_wait3A_72, %dma_wait3A_73] : memref<1152x4xf32, #tpu.memory_space<vmem>> -> memref<128x4xf32, #tpu.memory_space<vmem>>
        %dma_wait3A_75 = arith.constant 0 : i32
        %dma_wait3A_76 = tpu.memref_slice %arg10[%run_scoped3A_53, %dma_wait3A_75] : memref<9x128xi32, #tpu.memory_space<vmem>> -> memref<1x128xi32, #tpu.memory_space<vmem>>
        %dma_wait3A_77 = tpu.memref_squeeze %dma_wait3A_76 : memref<1x128xi32, #tpu.memory_space<vmem>> -> memref<128xi32, #tpu.memory_space<vmem>>
        %dma_wait3A_78 = arith.constant 0 : i32
        %dma_wait3A_79 = arith.constant 0 : i32
        %dma_wait3A_80 = tpu.memref_slice %arg14[%dma_wait3A_78, %dma_wait3A_79] : memref<100352x4xf32, #tpu.memory_space<vmem_shared>> -> memref<100352x4xf32, #tpu.memory_space<vmem_shared>>
        tpu.wait_indirect_dma semaphore(%run_scoped3A_62 : memref<!tpu.dma_semaphore, #tpu.memory_space<semaphore_mem>>) src(%dma_wait3A_74 : memref<128x4xf32, #tpu.memory_space<vmem>>) dst(%dma_wait3A_80 : memref<100352x4xf32, #tpu.memory_space<vmem_shared>>)
        tpu.yield
      }) : () -> ()
      %run_scoped3A_54 = arith.constant 1 : i32
      "tpu.region"() ({
        %run_scoped3A_62 = tpu.sem_alloc : memref<!tpu.dma_semaphore, #tpu.memory_space<semaphore_mem>>
        %dma_start3A_63 = arith.constant 128 : i32
        %dma_start3A_64 = arith.constant 0 : i32
        %dma_start3A_65 = tpu.memref_slice %arg12[%dma_start3A_63, %dma_start3A_64] : memref<1152x4xf32, #tpu.memory_space<vmem>> -> memref<128x4xf32, #tpu.memory_space<vmem>>
        %dma_start3A_66 = arith.constant 0 : i32
        %dma_start3A_67 = tpu.memref_slice %arg10[%run_scoped3A_54, %dma_start3A_66] : memref<9x128xi32, #tpu.memory_space<vmem>> -> memref<1x128xi32, #tpu.memory_space<vmem>>
        %dma_start3A_68 = tpu.memref_squeeze %dma_start3A_67 : memref<1x128xi32, #tpu.memory_space<vmem>> -> memref<128xi32, #tpu.memory_space<vmem>>
        %dma_start3A_69 = arith.constant 0 : i32
        %dma_start3A_70 = arith.constant 0 : i32
        %dma_start3A_71 = tpu.memref_slice %arg14[%dma_start3A_69, %dma_start3A_70] : memref<100352x4xf32, #tpu.memory_space<vmem_shared>> -> memref<100352x4xf32, #tpu.memory_space<vmem_shared>>
        tpu.enqueue_indirect_dma source(%dma_start3A_65 : memref<128x4xf32, #tpu.memory_space<vmem>>) target(%dma_start3A_71 : memref<100352x4xf32, #tpu.memory_space<vmem_shared>>) offsets(%dma_start3A_68 : memref<128xi32, #tpu.memory_space<vmem>>) semaphore(%run_scoped3A_62 : memref<!tpu.dma_semaphore, #tpu.memory_space<semaphore_mem>>) {add = true}
        %dma_wait3A_72 = arith.constant 128 : i32
        %dma_wait3A_73 = arith.constant 0 : i32
        %dma_wait3A_74 = tpu.memref_slice %arg12[%dma_wait3A_72, %dma_wait3A_73] : memref<1152x4xf32, #tpu.memory_space<vmem>> -> memref<128x4xf32, #tpu.memory_space<vmem>>
        %dma_wait3A_75 = arith.constant 0 : i32
        %dma_wait3A_76 = tpu.memref_slice %arg10[%run_scoped3A_54, %dma_wait3A_75] : memref<9x128xi32, #tpu.memory_space<vmem>> -> memref<1x128xi32, #tpu.memory_space<vmem>>
        %dma_wait3A_77 = tpu.memref_squeeze %dma_wait3A_76 : memref<1x128xi32, #tpu.memory_space<vmem>> -> memref<128xi32, #tpu.memory_space<vmem>>
        %dma_wait3A_78 = arith.constant 0 : i32
        %dma_wait3A_79 = arith.constant 0 : i32
        %dma_wait3A_80 = tpu.memref_slice %arg14[%dma_wait3A_78, %dma_wait3A_79] : memref<100352x4xf32, #tpu.memory_space<vmem_shared>> -> memref<100352x4xf32, #tpu.memory_space<vmem_shared>>
        tpu.wait_indirect_dma semaphore(%run_scoped3A_62 : memref<!tpu.dma_semaphore, #tpu.memory_space<semaphore_mem>>) src(%dma_wait3A_74 : memref<128x4xf32, #tpu.memory_space<vmem>>) dst(%dma_wait3A_80 : memref<100352x4xf32, #tpu.memory_space<vmem_shared>>)
        tpu.yield
      }) : () -> ()
      %run_scoped3A_55 = arith.constant 2 : i32
      "tpu.region"() ({
        %run_scoped3A_62 = tpu.sem_alloc : memref<!tpu.dma_semaphore, #tpu.memory_space<semaphore_mem>>
        %dma_start3A_63 = arith.constant 256 : i32
        %dma_start3A_64 = arith.constant 0 : i32
        %dma_start3A_65 = tpu.memref_slice %arg12[%dma_start3A_63, %dma_start3A_64] : memref<1152x4xf32, #tpu.memory_space<vmem>> -> memref<128x4xf32, #tpu.memory_space<vmem>>
        %dma_start3A_66 = arith.constant 0 : i32
        %dma_start3A_67 = tpu.memref_slice %arg10[%run_scoped3A_55, %dma_start3A_66] : memref<9x128xi32, #tpu.memory_space<vmem>> -> memref<1x128xi32, #tpu.memory_space<vmem>>
        %dma_start3A_68 = tpu.memref_squeeze %dma_start3A_67 : memref<1x128xi32, #tpu.memory_space<vmem>> -> memref<128xi32, #tpu.memory_space<vmem>>
        %dma_start3A_69 = arith.constant 0 : i32
        %dma_start3A_70 = arith.constant 0 : i32
        %dma_start3A_71 = tpu.memref_slice %arg14[%dma_start3A_69, %dma_start3A_70] : memref<100352x4xf32, #tpu.memory_space<vmem_shared>> -> memref<100352x4xf32, #tpu.memory_space<vmem_shared>>
        tpu.enqueue_indirect_dma source(%dma_start3A_65 : memref<128x4xf32, #tpu.memory_space<vmem>>) target(%dma_start3A_71 : memref<100352x4xf32, #tpu.memory_space<vmem_shared>>) offsets(%dma_start3A_68 : memref<128xi32, #tpu.memory_space<vmem>>) semaphore(%run_scoped3A_62 : memref<!tpu.dma_semaphore, #tpu.memory_space<semaphore_mem>>) {add = true}
        %dma_wait3A_72 = arith.constant 256 : i32
        %dma_wait3A_73 = arith.constant 0 : i32
        %dma_wait3A_74 = tpu.memref_slice %arg12[%dma_wait3A_72, %dma_wait3A_73] : memref<1152x4xf32, #tpu.memory_space<vmem>> -> memref<128x4xf32, #tpu.memory_space<vmem>>
        %dma_wait3A_75 = arith.constant 0 : i32
        %dma_wait3A_76 = tpu.memref_slice %arg10[%run_scoped3A_55, %dma_wait3A_75] : memref<9x128xi32, #tpu.memory_space<vmem>> -> memref<1x128xi32, #tpu.memory_space<vmem>>
        %dma_wait3A_77 = tpu.memref_squeeze %dma_wait3A_76 : memref<1x128xi32, #tpu.memory_space<vmem>> -> memref<128xi32, #tpu.memory_space<vmem>>
        %dma_wait3A_78 = arith.constant 0 : i32
        %dma_wait3A_79 = arith.constant 0 : i32
        %dma_wait3A_80 = tpu.memref_slice %arg14[%dma_wait3A_78, %dma_wait3A_79] : memref<100352x4xf32, #tpu.memory_space<vmem_shared>> -> memref<100352x4xf32, #tpu.memory_space<vmem_shared>>
        tpu.wait_indirect_dma semaphore(%run_scoped3A_62 : memref<!tpu.dma_semaphore, #tpu.memory_space<semaphore_mem>>) src(%dma_wait3A_74 : memref<128x4xf32, #tpu.memory_space<vmem>>) dst(%dma_wait3A_80 : memref<100352x4xf32, #tpu.memory_space<vmem_shared>>)
        tpu.yield
      }) : () -> ()
      %run_scoped3A_56 = arith.constant 3 : i32
      "tpu.region"() ({
        %run_scoped3A_62 = tpu.sem_alloc : memref<!tpu.dma_semaphore, #tpu.memory_space<semaphore_mem>>
        %dma_start3A_63 = arith.constant 384 : i32
        %dma_start3A_64 = arith.constant 0 : i32
        %dma_start3A_65 = tpu.memref_slice %arg12[%dma_start3A_63, %dma_start3A_64] : memref<1152x4xf32, #tpu.memory_space<vmem>> -> memref<128x4xf32, #tpu.memory_space<vmem>>
        %dma_start3A_66 = arith.constant 0 : i32
        %dma_start3A_67 = tpu.memref_slice %arg10[%run_scoped3A_56, %dma_start3A_66] : memref<9x128xi32, #tpu.memory_space<vmem>> -> memref<1x128xi32, #tpu.memory_space<vmem>>
        %dma_start3A_68 = tpu.memref_squeeze %dma_start3A_67 : memref<1x128xi32, #tpu.memory_space<vmem>> -> memref<128xi32, #tpu.memory_space<vmem>>
        %dma_start3A_69 = arith.constant 0 : i32
        %dma_start3A_70 = arith.constant 0 : i32
        %dma_start3A_71 = tpu.memref_slice %arg14[%dma_start3A_69, %dma_start3A_70] : memref<100352x4xf32, #tpu.memory_space<vmem_shared>> -> memref<100352x4xf32, #tpu.memory_space<vmem_shared>>
        tpu.enqueue_indirect_dma source(%dma_start3A_65 : memref<128x4xf32, #tpu.memory_space<vmem>>) target(%dma_start3A_71 : memref<100352x4xf32, #tpu.memory_space<vmem_shared>>) offsets(%dma_start3A_68 : memref<128xi32, #tpu.memory_space<vmem>>) semaphore(%run_scoped3A_62 : memref<!tpu.dma_semaphore, #tpu.memory_space<semaphore_mem>>) {add = true}
        %dma_wait3A_72 = arith.constant 384 : i32
        %dma_wait3A_73 = arith.constant 0 : i32
        %dma_wait3A_74 = tpu.memref_slice %arg12[%dma_wait3A_72, %dma_wait3A_73] : memref<1152x4xf32, #tpu.memory_space<vmem>> -> memref<128x4xf32, #tpu.memory_space<vmem>>
        %dma_wait3A_75 = arith.constant 0 : i32
        %dma_wait3A_76 = tpu.memref_slice %arg10[%run_scoped3A_56, %dma_wait3A_75] : memref<9x128xi32, #tpu.memory_space<vmem>> -> memref<1x128xi32, #tpu.memory_space<vmem>>
        %dma_wait3A_77 = tpu.memref_squeeze %dma_wait3A_76 : memref<1x128xi32, #tpu.memory_space<vmem>> -> memref<128xi32, #tpu.memory_space<vmem>>
        %dma_wait3A_78 = arith.constant 0 : i32
        %dma_wait3A_79 = arith.constant 0 : i32
        %dma_wait3A_80 = tpu.memref_slice %arg14[%dma_wait3A_78, %dma_wait3A_79] : memref<100352x4xf32, #tpu.memory_space<vmem_shared>> -> memref<100352x4xf32, #tpu.memory_space<vmem_shared>>
        tpu.wait_indirect_dma semaphore(%run_scoped3A_62 : memref<!tpu.dma_semaphore, #tpu.memory_space<semaphore_mem>>) src(%dma_wait3A_74 : memref<128x4xf32, #tpu.memory_space<vmem>>) dst(%dma_wait3A_80 : memref<100352x4xf32, #tpu.memory_space<vmem_shared>>)
        tpu.yield
      }) : () -> ()
      %run_scoped3A_57 = arith.constant 4 : i32
      "tpu.region"() ({
        %run_scoped3A_62 = tpu.sem_alloc : memref<!tpu.dma_semaphore, #tpu.memory_space<semaphore_mem>>
        %dma_start3A_63 = arith.constant 512 : i32
        %dma_start3A_64 = arith.constant 0 : i32
        %dma_start3A_65 = tpu.memref_slice %arg12[%dma_start3A_63, %dma_start3A_64] : memref<1152x4xf32, #tpu.memory_space<vmem>> -> memref<128x4xf32, #tpu.memory_space<vmem>>
        %dma_start3A_66 = arith.constant 0 : i32
        %dma_start3A_67 = tpu.memref_slice %arg10[%run_scoped3A_57, %dma_start3A_66] : memref<9x128xi32, #tpu.memory_space<vmem>> -> memref<1x128xi32, #tpu.memory_space<vmem>>
        %dma_start3A_68 = tpu.memref_squeeze %dma_start3A_67 : memref<1x128xi32, #tpu.memory_space<vmem>> -> memref<128xi32, #tpu.memory_space<vmem>>
        %dma_start3A_69 = arith.constant 0 : i32
        %dma_start3A_70 = arith.constant 0 : i32
        %dma_start3A_71 = tpu.memref_slice %arg14[%dma_start3A_69, %dma_start3A_70] : memref<100352x4xf32, #tpu.memory_space<vmem_shared>> -> memref<100352x4xf32, #tpu.memory_space<vmem_shared>>
        tpu.enqueue_indirect_dma source(%dma_start3A_65 : memref<128x4xf32, #tpu.memory_space<vmem>>) target(%dma_start3A_71 : memref<100352x4xf32, #tpu.memory_space<vmem_shared>>) offsets(%dma_start3A_68 : memref<128xi32, #tpu.memory_space<vmem>>) semaphore(%run_scoped3A_62 : memref<!tpu.dma_semaphore, #tpu.memory_space<semaphore_mem>>) {add = true}
        %dma_wait3A_72 = arith.constant 512 : i32
        %dma_wait3A_73 = arith.constant 0 : i32
        %dma_wait3A_74 = tpu.memref_slice %arg12[%dma_wait3A_72, %dma_wait3A_73] : memref<1152x4xf32, #tpu.memory_space<vmem>> -> memref<128x4xf32, #tpu.memory_space<vmem>>
        %dma_wait3A_75 = arith.constant 0 : i32
        %dma_wait3A_76 = tpu.memref_slice %arg10[%run_scoped3A_57, %dma_wait3A_75] : memref<9x128xi32, #tpu.memory_space<vmem>> -> memref<1x128xi32, #tpu.memory_space<vmem>>
        %dma_wait3A_77 = tpu.memref_squeeze %dma_wait3A_76 : memref<1x128xi32, #tpu.memory_space<vmem>> -> memref<128xi32, #tpu.memory_space<vmem>>
        %dma_wait3A_78 = arith.constant 0 : i32
        %dma_wait3A_79 = arith.constant 0 : i32
        %dma_wait3A_80 = tpu.memref_slice %arg14[%dma_wait3A_78, %dma_wait3A_79] : memref<100352x4xf32, #tpu.memory_space<vmem_shared>> -> memref<100352x4xf32, #tpu.memory_space<vmem_shared>>
        tpu.wait_indirect_dma semaphore(%run_scoped3A_62 : memref<!tpu.dma_semaphore, #tpu.memory_space<semaphore_mem>>) src(%dma_wait3A_74 : memref<128x4xf32, #tpu.memory_space<vmem>>) dst(%dma_wait3A_80 : memref<100352x4xf32, #tpu.memory_space<vmem_shared>>)
        tpu.yield
      }) : () -> ()
      %run_scoped3A_58 = arith.constant 5 : i32
      "tpu.region"() ({
        %run_scoped3A_62 = tpu.sem_alloc : memref<!tpu.dma_semaphore, #tpu.memory_space<semaphore_mem>>
        %dma_start3A_63 = arith.constant 640 : i32
        %dma_start3A_64 = arith.constant 0 : i32
        %dma_start3A_65 = tpu.memref_slice %arg12[%dma_start3A_63, %dma_start3A_64] : memref<1152x4xf32, #tpu.memory_space<vmem>> -> memref<128x4xf32, #tpu.memory_space<vmem>>
        %dma_start3A_66 = arith.constant 0 : i32
        %dma_start3A_67 = tpu.memref_slice %arg10[%run_scoped3A_58, %dma_start3A_66] : memref<9x128xi32, #tpu.memory_space<vmem>> -> memref<1x128xi32, #tpu.memory_space<vmem>>
        %dma_start3A_68 = tpu.memref_squeeze %dma_start3A_67 : memref<1x128xi32, #tpu.memory_space<vmem>> -> memref<128xi32, #tpu.memory_space<vmem>>
        %dma_start3A_69 = arith.constant 0 : i32
        %dma_start3A_70 = arith.constant 0 : i32
        %dma_start3A_71 = tpu.memref_slice %arg14[%dma_start3A_69, %dma_start3A_70] : memref<100352x4xf32, #tpu.memory_space<vmem_shared>> -> memref<100352x4xf32, #tpu.memory_space<vmem_shared>>
        tpu.enqueue_indirect_dma source(%dma_start3A_65 : memref<128x4xf32, #tpu.memory_space<vmem>>) target(%dma_start3A_71 : memref<100352x4xf32, #tpu.memory_space<vmem_shared>>) offsets(%dma_start3A_68 : memref<128xi32, #tpu.memory_space<vmem>>) semaphore(%run_scoped3A_62 : memref<!tpu.dma_semaphore, #tpu.memory_space<semaphore_mem>>) {add = true}
        %dma_wait3A_72 = arith.constant 640 : i32
        %dma_wait3A_73 = arith.constant 0 : i32
        %dma_wait3A_74 = tpu.memref_slice %arg12[%dma_wait3A_72, %dma_wait3A_73] : memref<1152x4xf32, #tpu.memory_space<vmem>> -> memref<128x4xf32, #tpu.memory_space<vmem>>
        %dma_wait3A_75 = arith.constant 0 : i32
        %dma_wait3A_76 = tpu.memref_slice %arg10[%run_scoped3A_58, %dma_wait3A_75] : memref<9x128xi32, #tpu.memory_space<vmem>> -> memref<1x128xi32, #tpu.memory_space<vmem>>
        %dma_wait3A_77 = tpu.memref_squeeze %dma_wait3A_76 : memref<1x128xi32, #tpu.memory_space<vmem>> -> memref<128xi32, #tpu.memory_space<vmem>>
        %dma_wait3A_78 = arith.constant 0 : i32
        %dma_wait3A_79 = arith.constant 0 : i32
        %dma_wait3A_80 = tpu.memref_slice %arg14[%dma_wait3A_78, %dma_wait3A_79] : memref<100352x4xf32, #tpu.memory_space<vmem_shared>> -> memref<100352x4xf32, #tpu.memory_space<vmem_shared>>
        tpu.wait_indirect_dma semaphore(%run_scoped3A_62 : memref<!tpu.dma_semaphore, #tpu.memory_space<semaphore_mem>>) src(%dma_wait3A_74 : memref<128x4xf32, #tpu.memory_space<vmem>>) dst(%dma_wait3A_80 : memref<100352x4xf32, #tpu.memory_space<vmem_shared>>)
        tpu.yield
      }) : () -> ()
      %run_scoped3A_59 = arith.constant 6 : i32
      "tpu.region"() ({
        %run_scoped3A_62 = tpu.sem_alloc : memref<!tpu.dma_semaphore, #tpu.memory_space<semaphore_mem>>
        %dma_start3A_63 = arith.constant 768 : i32
        %dma_start3A_64 = arith.constant 0 : i32
        %dma_start3A_65 = tpu.memref_slice %arg12[%dma_start3A_63, %dma_start3A_64] : memref<1152x4xf32, #tpu.memory_space<vmem>> -> memref<128x4xf32, #tpu.memory_space<vmem>>
        %dma_start3A_66 = arith.constant 0 : i32
        %dma_start3A_67 = tpu.memref_slice %arg10[%run_scoped3A_59, %dma_start3A_66] : memref<9x128xi32, #tpu.memory_space<vmem>> -> memref<1x128xi32, #tpu.memory_space<vmem>>
        %dma_start3A_68 = tpu.memref_squeeze %dma_start3A_67 : memref<1x128xi32, #tpu.memory_space<vmem>> -> memref<128xi32, #tpu.memory_space<vmem>>
        %dma_start3A_69 = arith.constant 0 : i32
        %dma_start3A_70 = arith.constant 0 : i32
        %dma_start3A_71 = tpu.memref_slice %arg14[%dma_start3A_69, %dma_start3A_70] : memref<100352x4xf32, #tpu.memory_space<vmem_shared>> -> memref<100352x4xf32, #tpu.memory_space<vmem_shared>>
        tpu.enqueue_indirect_dma source(%dma_start3A_65 : memref<128x4xf32, #tpu.memory_space<vmem>>) target(%dma_start3A_71 : memref<100352x4xf32, #tpu.memory_space<vmem_shared>>) offsets(%dma_start3A_68 : memref<128xi32, #tpu.memory_space<vmem>>) semaphore(%run_scoped3A_62 : memref<!tpu.dma_semaphore, #tpu.memory_space<semaphore_mem>>) {add = true}
        %dma_wait3A_72 = arith.constant 768 : i32
        %dma_wait3A_73 = arith.constant 0 : i32
        %dma_wait3A_74 = tpu.memref_slice %arg12[%dma_wait3A_72, %dma_wait3A_73] : memref<1152x4xf32, #tpu.memory_space<vmem>> -> memref<128x4xf32, #tpu.memory_space<vmem>>
        %dma_wait3A_75 = arith.constant 0 : i32
        %dma_wait3A_76 = tpu.memref_slice %arg10[%run_scoped3A_59, %dma_wait3A_75] : memref<9x128xi32, #tpu.memory_space<vmem>> -> memref<1x128xi32, #tpu.memory_space<vmem>>
        %dma_wait3A_77 = tpu.memref_squeeze %dma_wait3A_76 : memref<1x128xi32, #tpu.memory_space<vmem>> -> memref<128xi32, #tpu.memory_space<vmem>>
        %dma_wait3A_78 = arith.constant 0 : i32
        %dma_wait3A_79 = arith.constant 0 : i32
        %dma_wait3A_80 = tpu.memref_slice %arg14[%dma_wait3A_78, %dma_wait3A_79] : memref<100352x4xf32, #tpu.memory_space<vmem_shared>> -> memref<100352x4xf32, #tpu.memory_space<vmem_shared>>
        tpu.wait_indirect_dma semaphore(%run_scoped3A_62 : memref<!tpu.dma_semaphore, #tpu.memory_space<semaphore_mem>>) src(%dma_wait3A_74 : memref<128x4xf32, #tpu.memory_space<vmem>>) dst(%dma_wait3A_80 : memref<100352x4xf32, #tpu.memory_space<vmem_shared>>)
        tpu.yield
      }) : () -> ()
      %run_scoped3A_60 = arith.constant 7 : i32
      "tpu.region"() ({
        %run_scoped3A_62 = tpu.sem_alloc : memref<!tpu.dma_semaphore, #tpu.memory_space<semaphore_mem>>
        %dma_start3A_63 = arith.constant 896 : i32
        %dma_start3A_64 = arith.constant 0 : i32
        %dma_start3A_65 = tpu.memref_slice %arg12[%dma_start3A_63, %dma_start3A_64] : memref<1152x4xf32, #tpu.memory_space<vmem>> -> memref<128x4xf32, #tpu.memory_space<vmem>>
        %dma_start3A_66 = arith.constant 0 : i32
        %dma_start3A_67 = tpu.memref_slice %arg10[%run_scoped3A_60, %dma_start3A_66] : memref<9x128xi32, #tpu.memory_space<vmem>> -> memref<1x128xi32, #tpu.memory_space<vmem>>
        %dma_start3A_68 = tpu.memref_squeeze %dma_start3A_67 : memref<1x128xi32, #tpu.memory_space<vmem>> -> memref<128xi32, #tpu.memory_space<vmem>>
        %dma_start3A_69 = arith.constant 0 : i32
        %dma_start3A_70 = arith.constant 0 : i32
        %dma_start3A_71 = tpu.memref_slice %arg14[%dma_start3A_69, %dma_start3A_70] : memref<100352x4xf32, #tpu.memory_space<vmem_shared>> -> memref<100352x4xf32, #tpu.memory_space<vmem_shared>>
        tpu.enqueue_indirect_dma source(%dma_start3A_65 : memref<128x4xf32, #tpu.memory_space<vmem>>) target(%dma_start3A_71 : memref<100352x4xf32, #tpu.memory_space<vmem_shared>>) offsets(%dma_start3A_68 : memref<128xi32, #tpu.memory_space<vmem>>) semaphore(%run_scoped3A_62 : memref<!tpu.dma_semaphore, #tpu.memory_space<semaphore_mem>>) {add = true}
        %dma_wait3A_72 = arith.constant 896 : i32
        %dma_wait3A_73 = arith.constant 0 : i32
        %dma_wait3A_74 = tpu.memref_slice %arg12[%dma_wait3A_72, %dma_wait3A_73] : memref<1152x4xf32, #tpu.memory_space<vmem>> -> memref<128x4xf32, #tpu.memory_space<vmem>>
        %dma_wait3A_75 = arith.constant 0 : i32
        %dma_wait3A_76 = tpu.memref_slice %arg10[%run_scoped3A_60, %dma_wait3A_75] : memref<9x128xi32, #tpu.memory_space<vmem>> -> memref<1x128xi32, #tpu.memory_space<vmem>>
        %dma_wait3A_77 = tpu.memref_squeeze %dma_wait3A_76 : memref<1x128xi32, #tpu.memory_space<vmem>> -> memref<128xi32, #tpu.memory_space<vmem>>
        %dma_wait3A_78 = arith.constant 0 : i32
        %dma_wait3A_79 = arith.constant 0 : i32
        %dma_wait3A_80 = tpu.memref_slice %arg14[%dma_wait3A_78, %dma_wait3A_79] : memref<100352x4xf32, #tpu.memory_space<vmem_shared>> -> memref<100352x4xf32, #tpu.memory_space<vmem_shared>>
        tpu.wait_indirect_dma semaphore(%run_scoped3A_62 : memref<!tpu.dma_semaphore, #tpu.memory_space<semaphore_mem>>) src(%dma_wait3A_74 : memref<128x4xf32, #tpu.memory_space<vmem>>) dst(%dma_wait3A_80 : memref<100352x4xf32, #tpu.memory_space<vmem_shared>>)
        tpu.yield
      }) : () -> ()
      %run_scoped3A_61 = arith.constant 8 : i32
      "tpu.region"() ({
        %run_scoped3A_62 = tpu.sem_alloc : memref<!tpu.dma_semaphore, #tpu.memory_space<semaphore_mem>>
        %dma_start3A_63 = arith.constant 1024 : i32
        %dma_start3A_64 = arith.constant 0 : i32
        %dma_start3A_65 = tpu.memref_slice %arg12[%dma_start3A_63, %dma_start3A_64] : memref<1152x4xf32, #tpu.memory_space<vmem>> -> memref<128x4xf32, #tpu.memory_space<vmem>>
        %dma_start3A_66 = arith.constant 0 : i32
        %dma_start3A_67 = tpu.memref_slice %arg10[%run_scoped3A_61, %dma_start3A_66] : memref<9x128xi32, #tpu.memory_space<vmem>> -> memref<1x128xi32, #tpu.memory_space<vmem>>
        %dma_start3A_68 = tpu.memref_squeeze %dma_start3A_67 : memref<1x128xi32, #tpu.memory_space<vmem>> -> memref<128xi32, #tpu.memory_space<vmem>>
        %dma_start3A_69 = arith.constant 0 : i32
        %dma_start3A_70 = arith.constant 0 : i32
        %dma_start3A_71 = tpu.memref_slice %arg14[%dma_start3A_69, %dma_start3A_70] : memref<100352x4xf32, #tpu.memory_space<vmem_shared>> -> memref<100352x4xf32, #tpu.memory_space<vmem_shared>>
        tpu.enqueue_indirect_dma source(%dma_start3A_65 : memref<128x4xf32, #tpu.memory_space<vmem>>) target(%dma_start3A_71 : memref<100352x4xf32, #tpu.memory_space<vmem_shared>>) offsets(%dma_start3A_68 : memref<128xi32, #tpu.memory_space<vmem>>) semaphore(%run_scoped3A_62 : memref<!tpu.dma_semaphore, #tpu.memory_space<semaphore_mem>>) {add = true}
        %dma_wait3A_72 = arith.constant 1024 : i32
        %dma_wait3A_73 = arith.constant 0 : i32
        %dma_wait3A_74 = tpu.memref_slice %arg12[%dma_wait3A_72, %dma_wait3A_73] : memref<1152x4xf32, #tpu.memory_space<vmem>> -> memref<128x4xf32, #tpu.memory_space<vmem>>
        %dma_wait3A_75 = arith.constant 0 : i32
        %dma_wait3A_76 = tpu.memref_slice %arg10[%run_scoped3A_61, %dma_wait3A_75] : memref<9x128xi32, #tpu.memory_space<vmem>> -> memref<1x128xi32, #tpu.memory_space<vmem>>
        %dma_wait3A_77 = tpu.memref_squeeze %dma_wait3A_76 : memref<1x128xi32, #tpu.memory_space<vmem>> -> memref<128xi32, #tpu.memory_space<vmem>>
        %dma_wait3A_78 = arith.constant 0 : i32
        %dma_wait3A_79 = arith.constant 0 : i32
        %dma_wait3A_80 = tpu.memref_slice %arg14[%dma_wait3A_78, %dma_wait3A_79] : memref<100352x4xf32, #tpu.memory_space<vmem_shared>> -> memref<100352x4xf32, #tpu.memory_space<vmem_shared>>
        tpu.wait_indirect_dma semaphore(%run_scoped3A_62 : memref<!tpu.dma_semaphore, #tpu.memory_space<semaphore_mem>>) src(%dma_wait3A_74 : memref<128x4xf32, #tpu.memory_space<vmem>>) dst(%dma_wait3A_80 : memref<100352x4xf32, #tpu.memory_space<vmem_shared>>)
        tpu.yield
      }) : () -> ()
    }
    %scan3A_13 = arith.constant 22 : i32
    %barrier3A_14 = arith.constant 0 : index
    tpu.barrier barrier_id(%barrier3A_14)
    %mul3A_15 = arith.constant 6272 : i32
    %mul3A_16 = arith.muli %arg1, %mul3A_15 : i32
    %mul3A_17 = arith.constant 6272 : i32
    %mul3A_18 = arith.muli %arg1, %mul3A_17 : i32
    "tpu.region"() ({
      %run_scoped3A = tpu.sem_alloc : memref<!tpu.dma_semaphore, #tpu.memory_space<semaphore_mem>>
      %dma_start3A = arith.constant 0 : i32
      %dma_start3A_19 = arith.constant 0 : i32
      %dma_start3A_20 = tpu.memref_slice %arg6[%arg0, %dma_start3A, %dma_start3A_19] : memref<2x100352x4xf32, #tpu.memory_space<hbm>> -> memref<1x100352x4xf32, #tpu.memory_space<hbm>>
      %dma_start3A_21 = tpu.memref_squeeze %dma_start3A_20 : memref<1x100352x4xf32, #tpu.memory_space<hbm>> -> memref<100352x4xf32, #tpu.memory_space<hbm>>
      %dma_start3A_22 = arith.constant 0 : i32
      %dma_start3A_23 = tpu.memref_slice %dma_start3A_21[%mul3A_18, %dma_start3A_22] : memref<100352x4xf32, #tpu.memory_space<hbm>> -> memref<6272x4xf32, #tpu.memory_space<hbm>>
      %dma_start3A_24 = arith.constant 0 : i32
      %dma_start3A_25 = tpu.memref_slice %arg14[%mul3A_16, %dma_start3A_24] : memref<100352x4xf32, #tpu.memory_space<vmem_shared>> -> memref<6272x4xf32, #tpu.memory_space<vmem_shared>>
      tpu.enqueue_dma source(%dma_start3A_25 : memref<6272x4xf32, #tpu.memory_space<vmem_shared>>) target(%dma_start3A_23 : memref<6272x4xf32, #tpu.memory_space<hbm>>) target_semaphore(%run_scoped3A : memref<!tpu.dma_semaphore, #tpu.memory_space<semaphore_mem>>)
      %dma_wait3A = arith.constant 0 : i32
      %dma_wait3A_26 = arith.constant 0 : i32
      %dma_wait3A_27 = tpu.memref_slice %arg6[%arg0, %dma_wait3A, %dma_wait3A_26] : memref<2x100352x4xf32, #tpu.memory_space<hbm>> -> memref<1x100352x4xf32, #tpu.memory_space<hbm>>
      %dma_wait3A_28 = tpu.memref_squeeze %dma_wait3A_27 : memref<1x100352x4xf32, #tpu.memory_space<hbm>> -> memref<100352x4xf32, #tpu.memory_space<hbm>>
      %dma_wait3A_29 = arith.constant 0 : i32
      %dma_wait3A_30 = tpu.memref_slice %dma_wait3A_28[%mul3A_18, %dma_wait3A_29] : memref<100352x4xf32, #tpu.memory_space<hbm>> -> memref<6272x4xf32, #tpu.memory_space<hbm>>
      %dma_wait3A_31 = arith.constant 0 : i32
      %dma_wait3A_32 = tpu.memref_slice %arg14[%mul3A_16, %dma_wait3A_31] : memref<100352x4xf32, #tpu.memory_space<vmem_shared>> -> memref<6272x4xf32, #tpu.memory_space<vmem_shared>>
      tpu.wait_dma2 semaphore(%run_scoped3A : memref<!tpu.dma_semaphore, #tpu.memory_space<semaphore_mem>>) src(%dma_wait3A_32 : memref<6272x4xf32, #tpu.memory_space<vmem_shared>>) dst(%dma_wait3A_30 : memref<6272x4xf32, #tpu.memory_space<hbm>>)
      tpu.yield
    }) : () -> ()
    return
  }
}

#map = affine_map<(d0, d1) -> (0)>
#map1 = affine_map<(d0, d1) -> (0, 0)>
#map2 = affine_map<(d0, d1) -> (0, 0, 0)>
module attributes {stable_mosaic.version = 14 : i64} {
  func.func @_prop2_sc(%arg0: i32, %arg1: i32, %arg2: memref<1622016xi32, #tpu.memory_space<hbm>>, %arg3: memref<12672x128xi32, #tpu.memory_space<hbm>>, %arg4: memref<4x100352x16xf32, #tpu.memory_space<hbm>>, %arg5: memref<4x100352x16xf32, #tpu.memory_space<hbm>>, %arg6: memref<768xi32, #tpu.memory_space<vmem>>, %arg7: memref<768xi32, #tpu.memory_space<vmem>>, %arg8: memref<6x128xi32, #tpu.memory_space<vmem>>, %arg9: memref<6x128xi32, #tpu.memory_space<vmem>>, %arg10: memref<768x16xf32, #tpu.memory_space<vmem>>, %arg11: memref<768x16xf32, #tpu.memory_space<vmem>>, %arg12: memref<100352x16xf32, #tpu.memory_space<vmem_shared>>, %arg13: memref<!tpu.dma_semaphore, #tpu.memory_space<semaphore_mem>>) attributes {dimension_semantics = [#tpu.dimension_semantics<core_parallel>, #tpu.dimension_semantics<subcore_parallel>], iteration_bounds = array<i64: 2, 16>, scalar_prefetch = 0 : i64, scratch_operands = 8 : i64, tpu.core_type = #tpu.core_type<sc_vector_subcore>, window_params = [{transform_indices = #map}, {transform_indices = #map1}, {transform_indices = #map2}, {transform_indices = #map2}]} {
    %mul3A = arith.constant 2 : i32
    %mul3A_0 = arith.muli %arg0, %mul3A : i32
    %add3A = arith.constant 0 : i32
    %add3A_1 = arith.addi %mul3A_0, %add3A : i32
    %mul3A_2 = arith.constant 6272 : i32
    %mul3A_3 = arith.muli %arg1, %mul3A_2 : i32
    %mul3A_4 = arith.constant 6272 : i32
    %mul3A_5 = arith.muli %arg1, %mul3A_4 : i32
    "tpu.region"() ({
      %run_scoped3A = tpu.sem_alloc : memref<!tpu.dma_semaphore, #tpu.memory_space<semaphore_mem>>
      %dma_start3A = arith.constant 0 : i32
      %dma_start3A_38 = tpu.memref_slice %arg12[%mul3A_5, %dma_start3A] : memref<100352x16xf32, #tpu.memory_space<vmem_shared>> -> memref<6272x16xf32, #tpu.memory_space<vmem_shared>>
      %dma_start3A_39 = arith.constant 0 : i32
      %dma_start3A_40 = arith.constant 0 : i32
      %dma_start3A_41 = tpu.memref_slice %arg4[%add3A_1, %dma_start3A_39, %dma_start3A_40] : memref<4x100352x16xf32, #tpu.memory_space<hbm>> -> memref<1x100352x16xf32, #tpu.memory_space<hbm>>
      %dma_start3A_42 = tpu.memref_squeeze %dma_start3A_41 : memref<1x100352x16xf32, #tpu.memory_space<hbm>> -> memref<100352x16xf32, #tpu.memory_space<hbm>>
      %dma_start3A_43 = arith.constant 0 : i32
      %dma_start3A_44 = tpu.memref_slice %dma_start3A_42[%mul3A_3, %dma_start3A_43] : memref<100352x16xf32, #tpu.memory_space<hbm>> -> memref<6272x16xf32, #tpu.memory_space<hbm>>
      tpu.enqueue_dma source(%dma_start3A_44 : memref<6272x16xf32, #tpu.memory_space<hbm>>) target(%dma_start3A_38 : memref<6272x16xf32, #tpu.memory_space<vmem_shared>>) target_semaphore(%run_scoped3A : memref<!tpu.dma_semaphore, #tpu.memory_space<semaphore_mem>>)
      %dma_wait3A = arith.constant 0 : i32
      %dma_wait3A_45 = tpu.memref_slice %arg12[%mul3A_5, %dma_wait3A] : memref<100352x16xf32, #tpu.memory_space<vmem_shared>> -> memref<6272x16xf32, #tpu.memory_space<vmem_shared>>
      %dma_wait3A_46 = arith.constant 0 : i32
      %dma_wait3A_47 = arith.constant 0 : i32
      %dma_wait3A_48 = tpu.memref_slice %arg4[%add3A_1, %dma_wait3A_46, %dma_wait3A_47] : memref<4x100352x16xf32, #tpu.memory_space<hbm>> -> memref<1x100352x16xf32, #tpu.memory_space<hbm>>
      %dma_wait3A_49 = tpu.memref_squeeze %dma_wait3A_48 : memref<1x100352x16xf32, #tpu.memory_space<hbm>> -> memref<100352x16xf32, #tpu.memory_space<hbm>>
      %dma_wait3A_50 = arith.constant 0 : i32
      %dma_wait3A_51 = tpu.memref_slice %dma_wait3A_49[%mul3A_3, %dma_wait3A_50] : memref<100352x16xf32, #tpu.memory_space<hbm>> -> memref<6272x16xf32, #tpu.memory_space<hbm>>
      tpu.wait_dma2 semaphore(%run_scoped3A : memref<!tpu.dma_semaphore, #tpu.memory_space<semaphore_mem>>) src(%dma_wait3A_51 : memref<6272x16xf32, #tpu.memory_space<hbm>>) dst(%dma_wait3A_45 : memref<6272x16xf32, #tpu.memory_space<vmem_shared>>)
      tpu.yield
    }) : () -> ()
    %barrier3A = arith.constant 0 : index
    tpu.barrier barrier_id(%barrier3A)
    %scan3A = arith.constant 0 : i32
    %scan3A_6 = arith.constant 0 : i32
    %scan3A_7 = arith.constant 66 : i32
    %scan3A_8 = arith.addi %scan3A_6, %scan3A_7 : i32
    %scan3A_9 = arith.constant 1 : i32
    scf.for %scan3A_38 = %scan3A_6 to %scan3A_8 step %scan3A_9  : i32 {
      %mul3A_39 = arith.constant 792 : i32
      %mul3A_40 = arith.muli %arg1, %mul3A_39 : i32
      %mul3A_41 = arith.constant 2 : i32
      %mul3A_42 = arith.muli %scan3A_38, %mul3A_41 : i32
      %mul3A_43 = arith.constant 6 : i32
      %mul3A_44 = arith.muli %mul3A_42, %mul3A_43 : i32
      %add3A_45 = arith.addi %mul3A_40, %mul3A_44 : i32
      %mul3A_46 = arith.constant 128 : i32
      %mul3A_47 = arith.muli %add3A_45, %mul3A_46 : i32
      "tpu.region"() ({
        %run_scoped3A_91 = tpu.sem_alloc : memref<!tpu.dma_semaphore, #tpu.memory_space<semaphore_mem>>
        %dma_start3A_92 = tpu.memref_slice %arg2[%mul3A_47] : memref<1622016xi32, #tpu.memory_space<hbm>> -> memref<768xi32, #tpu.memory_space<hbm>>
        %dma_start3A_93 = tpu.memref_slice %arg2[%mul3A_47] : memref<1622016xi32, #tpu.memory_space<hbm>> -> memref<768xi32, #tpu.memory_space<hbm>>
        tpu.enqueue_dma source(%dma_start3A_93 : memref<768xi32, #tpu.memory_space<hbm>>) target(%arg6 : memref<768xi32, #tpu.memory_space<vmem>>) target_semaphore(%run_scoped3A_91 : memref<!tpu.dma_semaphore, #tpu.memory_space<semaphore_mem>>)
        %dma_wait3A_94 = tpu.memref_slice %arg2[%mul3A_47] : memref<1622016xi32, #tpu.memory_space<hbm>> -> memref<768xi32, #tpu.memory_space<hbm>>
        %dma_wait3A_95 = tpu.memref_slice %arg2[%mul3A_47] : memref<1622016xi32, #tpu.memory_space<hbm>> -> memref<768xi32, #tpu.memory_space<hbm>>
        tpu.wait_dma2 semaphore(%run_scoped3A_91 : memref<!tpu.dma_semaphore, #tpu.memory_space<semaphore_mem>>) src(%dma_wait3A_95 : memref<768xi32, #tpu.memory_space<hbm>>) dst(%arg6 : memref<768xi32, #tpu.memory_space<vmem>>)
        tpu.yield
      }) : () -> ()
      "tpu.region"() ({
        %run_scoped3A_91 = tpu.sem_alloc : memref<!tpu.dma_semaphore, #tpu.memory_space<semaphore_mem>>
        %dma_start3A_92 = arith.constant 0 : i32
        %dma_start3A_93 = tpu.memref_slice %arg3[%add3A_45, %dma_start3A_92] : memref<12672x128xi32, #tpu.memory_space<hbm>> -> memref<6x128xi32, #tpu.memory_space<hbm>>
        %dma_start3A_94 = arith.constant 0 : i32
        %dma_start3A_95 = tpu.memref_slice %arg3[%add3A_45, %dma_start3A_94] : memref<12672x128xi32, #tpu.memory_space<hbm>> -> memref<6x128xi32, #tpu.memory_space<hbm>>
        tpu.enqueue_dma source(%dma_start3A_95 : memref<6x128xi32, #tpu.memory_space<hbm>>) target(%arg8 : memref<6x128xi32, #tpu.memory_space<vmem>>) target_semaphore(%run_scoped3A_91 : memref<!tpu.dma_semaphore, #tpu.memory_space<semaphore_mem>>)
        %dma_wait3A_96 = arith.constant 0 : i32
        %dma_wait3A_97 = tpu.memref_slice %arg3[%add3A_45, %dma_wait3A_96] : memref<12672x128xi32, #tpu.memory_space<hbm>> -> memref<6x128xi32, #tpu.memory_space<hbm>>
        %dma_wait3A_98 = arith.constant 0 : i32
        %dma_wait3A_99 = tpu.memref_slice %arg3[%add3A_45, %dma_wait3A_98] : memref<12672x128xi32, #tpu.memory_space<hbm>> -> memref<6x128xi32, #tpu.memory_space<hbm>>
        tpu.wait_dma2 semaphore(%run_scoped3A_91 : memref<!tpu.dma_semaphore, #tpu.memory_space<semaphore_mem>>) src(%dma_wait3A_99 : memref<6x128xi32, #tpu.memory_space<hbm>>) dst(%arg8 : memref<6x128xi32, #tpu.memory_space<vmem>>)
        tpu.yield
      }) : () -> ()
      %dma_start3A = arith.constant 0 : i32
      %dma_start3A_48 = arith.constant 0 : i32
      %dma_start3A_49 = tpu.memref_slice %arg4[%add3A_1, %dma_start3A, %dma_start3A_48] : memref<4x100352x16xf32, #tpu.memory_space<hbm>> -> memref<1x100352x16xf32, #tpu.memory_space<hbm>>
      %dma_start3A_50 = tpu.memref_squeeze %dma_start3A_49 : memref<1x100352x16xf32, #tpu.memory_space<hbm>> -> memref<100352x16xf32, #tpu.memory_space<hbm>>
      %dma_start3A_51 = arith.constant 0 : i32
      %dma_start3A_52 = arith.constant 0 : i32
      %dma_start3A_53 = tpu.memref_slice %dma_start3A_50[%dma_start3A_51, %dma_start3A_52] : memref<100352x16xf32, #tpu.memory_space<hbm>> -> memref<100352x16xf32, #tpu.memory_space<hbm>>
      tpu.enqueue_indirect_dma source(%dma_start3A_53 : memref<100352x16xf32, #tpu.memory_space<hbm>>) target(%arg10 : memref<768x16xf32, #tpu.memory_space<vmem>>) offsets(%arg6 : memref<768xi32, #tpu.memory_space<vmem>>) semaphore(%arg13 : memref<!tpu.dma_semaphore, #tpu.memory_space<semaphore_mem>>)
      %add3A_54 = arith.constant 6 : i32
      %add3A_55 = arith.addi %add3A_45, %add3A_54 : i32
      %mul3A_56 = arith.constant 128 : i32
      %mul3A_57 = arith.muli %add3A_55, %mul3A_56 : i32
      "tpu.region"() ({
        %run_scoped3A_91 = tpu.sem_alloc : memref<!tpu.dma_semaphore, #tpu.memory_space<semaphore_mem>>
        %dma_start3A_92 = tpu.memref_slice %arg2[%mul3A_57] : memref<1622016xi32, #tpu.memory_space<hbm>> -> memref<768xi32, #tpu.memory_space<hbm>>
        %dma_start3A_93 = tpu.memref_slice %arg2[%mul3A_57] : memref<1622016xi32, #tpu.memory_space<hbm>> -> memref<768xi32, #tpu.memory_space<hbm>>
        tpu.enqueue_dma source(%dma_start3A_93 : memref<768xi32, #tpu.memory_space<hbm>>) target(%arg7 : memref<768xi32, #tpu.memory_space<vmem>>) target_semaphore(%run_scoped3A_91 : memref<!tpu.dma_semaphore, #tpu.memory_space<semaphore_mem>>)
        %dma_wait3A_94 = tpu.memref_slice %arg2[%mul3A_57] : memref<1622016xi32, #tpu.memory_space<hbm>> -> memref<768xi32, #tpu.memory_space<hbm>>
        %dma_wait3A_95 = tpu.memref_slice %arg2[%mul3A_57] : memref<1622016xi32, #tpu.memory_space<hbm>> -> memref<768xi32, #tpu.memory_space<hbm>>
        tpu.wait_dma2 semaphore(%run_scoped3A_91 : memref<!tpu.dma_semaphore, #tpu.memory_space<semaphore_mem>>) src(%dma_wait3A_95 : memref<768xi32, #tpu.memory_space<hbm>>) dst(%arg7 : memref<768xi32, #tpu.memory_space<vmem>>)
        tpu.yield
      }) : () -> ()
      %add3A_58 = arith.constant 6 : i32
      %add3A_59 = arith.addi %add3A_45, %add3A_58 : i32
      "tpu.region"() ({
        %run_scoped3A_91 = tpu.sem_alloc : memref<!tpu.dma_semaphore, #tpu.memory_space<semaphore_mem>>
        %dma_start3A_92 = arith.constant 0 : i32
        %dma_start3A_93 = tpu.memref_slice %arg3[%add3A_59, %dma_start3A_92] : memref<12672x128xi32, #tpu.memory_space<hbm>> -> memref<6x128xi32, #tpu.memory_space<hbm>>
        %dma_start3A_94 = arith.constant 0 : i32
        %dma_start3A_95 = tpu.memref_slice %arg3[%add3A_59, %dma_start3A_94] : memref<12672x128xi32, #tpu.memory_space<hbm>> -> memref<6x128xi32, #tpu.memory_space<hbm>>
        tpu.enqueue_dma source(%dma_start3A_95 : memref<6x128xi32, #tpu.memory_space<hbm>>) target(%arg9 : memref<6x128xi32, #tpu.memory_space<vmem>>) target_semaphore(%run_scoped3A_91 : memref<!tpu.dma_semaphore, #tpu.memory_space<semaphore_mem>>)
        %dma_wait3A_96 = arith.constant 0 : i32
        %dma_wait3A_97 = tpu.memref_slice %arg3[%add3A_59, %dma_wait3A_96] : memref<12672x128xi32, #tpu.memory_space<hbm>> -> memref<6x128xi32, #tpu.memory_space<hbm>>
        %dma_wait3A_98 = arith.constant 0 : i32
        %dma_wait3A_99 = tpu.memref_slice %arg3[%add3A_59, %dma_wait3A_98] : memref<12672x128xi32, #tpu.memory_space<hbm>> -> memref<6x128xi32, #tpu.memory_space<hbm>>
        tpu.wait_dma2 semaphore(%run_scoped3A_91 : memref<!tpu.dma_semaphore, #tpu.memory_space<semaphore_mem>>) src(%dma_wait3A_99 : memref<6x128xi32, #tpu.memory_space<hbm>>) dst(%arg9 : memref<6x128xi32, #tpu.memory_space<vmem>>)
        tpu.yield
      }) : () -> ()
      %dma_wait3A = arith.constant 0 : i32
      %dma_wait3A_60 = arith.constant 0 : i32
      %dma_wait3A_61 = tpu.memref_slice %arg4[%add3A_1, %dma_wait3A, %dma_wait3A_60] : memref<4x100352x16xf32, #tpu.memory_space<hbm>> -> memref<1x100352x16xf32, #tpu.memory_space<hbm>>
      %dma_wait3A_62 = tpu.memref_squeeze %dma_wait3A_61 : memref<1x100352x16xf32, #tpu.memory_space<hbm>> -> memref<100352x16xf32, #tpu.memory_space<hbm>>
      %dma_wait3A_63 = arith.constant 0 : i32
      %dma_wait3A_64 = arith.constant 0 : i32
      %dma_wait3A_65 = tpu.memref_slice %dma_wait3A_62[%dma_wait3A_63, %dma_wait3A_64] : memref<100352x16xf32, #tpu.memory_space<hbm>> -> memref<100352x16xf32, #tpu.memory_space<hbm>>
      tpu.wait_indirect_dma semaphore(%arg13 : memref<!tpu.dma_semaphore, #tpu.memory_space<semaphore_mem>>) src(%dma_wait3A_65 : memref<100352x16xf32, #tpu.memory_space<hbm>>) dst(%arg10 : memref<768x16xf32, #tpu.memory_space<vmem>>)
      %dma_start3A_66 = arith.constant 0 : i32
      %dma_start3A_67 = arith.constant 0 : i32
      %dma_start3A_68 = tpu.memref_slice %arg4[%add3A_1, %dma_start3A_66, %dma_start3A_67] : memref<4x100352x16xf32, #tpu.memory_space<hbm>> -> memref<1x100352x16xf32, #tpu.memory_space<hbm>>
      %dma_start3A_69 = tpu.memref_squeeze %dma_start3A_68 : memref<1x100352x16xf32, #tpu.memory_space<hbm>> -> memref<100352x16xf32, #tpu.memory_space<hbm>>
      %dma_start3A_70 = arith.constant 0 : i32
      %dma_start3A_71 = arith.constant 0 : i32
      %dma_start3A_72 = tpu.memref_slice %dma_start3A_69[%dma_start3A_70, %dma_start3A_71] : memref<100352x16xf32, #tpu.memory_space<hbm>> -> memref<100352x16xf32, #tpu.memory_space<hbm>>
      tpu.enqueue_indirect_dma source(%dma_start3A_72 : memref<100352x16xf32, #tpu.memory_space<hbm>>) target(%arg11 : memref<768x16xf32, #tpu.memory_space<vmem>>) offsets(%arg7 : memref<768xi32, #tpu.memory_space<vmem>>) semaphore(%arg13 : memref<!tpu.dma_semaphore, #tpu.memory_space<semaphore_mem>>)
      %run_scoped3A = arith.constant 0 : i32
      "tpu.region"() ({
        %run_scoped3A_91 = tpu.sem_alloc : memref<!tpu.dma_semaphore, #tpu.memory_space<semaphore_mem>>
        %dma_start3A_92 = arith.constant 0 : i32
        %dma_start3A_93 = arith.constant 0 : i32
        %dma_start3A_94 = tpu.memref_slice %arg10[%dma_start3A_92, %dma_start3A_93] : memref<768x16xf32, #tpu.memory_space<vmem>> -> memref<128x16xf32, #tpu.memory_space<vmem>>
        %dma_start3A_95 = arith.constant 0 : i32
        %dma_start3A_96 = tpu.memref_slice %arg8[%run_scoped3A, %dma_start3A_95] : memref<6x128xi32, #tpu.memory_space<vmem>> -> memref<1x128xi32, #tpu.memory_space<vmem>>
        %dma_start3A_97 = tpu.memref_squeeze %dma_start3A_96 : memref<1x128xi32, #tpu.memory_space<vmem>> -> memref<128xi32, #tpu.memory_space<vmem>>
        %dma_start3A_98 = arith.constant 0 : i32
        %dma_start3A_99 = arith.constant 0 : i32
        %dma_start3A_100 = tpu.memref_slice %arg12[%dma_start3A_98, %dma_start3A_99] : memref<100352x16xf32, #tpu.memory_space<vmem_shared>> -> memref<100352x16xf32, #tpu.memory_space<vmem_shared>>
        tpu.enqueue_indirect_dma source(%dma_start3A_94 : memref<128x16xf32, #tpu.memory_space<vmem>>) target(%dma_start3A_100 : memref<100352x16xf32, #tpu.memory_space<vmem_shared>>) offsets(%dma_start3A_97 : memref<128xi32, #tpu.memory_space<vmem>>) semaphore(%run_scoped3A_91 : memref<!tpu.dma_semaphore, #tpu.memory_space<semaphore_mem>>) {add = true}
        %dma_wait3A_101 = arith.constant 0 : i32
        %dma_wait3A_102 = arith.constant 0 : i32
        %dma_wait3A_103 = tpu.memref_slice %arg10[%dma_wait3A_101, %dma_wait3A_102] : memref<768x16xf32, #tpu.memory_space<vmem>> -> memref<128x16xf32, #tpu.memory_space<vmem>>
        %dma_wait3A_104 = arith.constant 0 : i32
        %dma_wait3A_105 = tpu.memref_slice %arg8[%run_scoped3A, %dma_wait3A_104] : memref<6x128xi32, #tpu.memory_space<vmem>> -> memref<1x128xi32, #tpu.memory_space<vmem>>
        %dma_wait3A_106 = tpu.memref_squeeze %dma_wait3A_105 : memref<1x128xi32, #tpu.memory_space<vmem>> -> memref<128xi32, #tpu.memory_space<vmem>>
        %dma_wait3A_107 = arith.constant 0 : i32
        %dma_wait3A_108 = arith.constant 0 : i32
        %dma_wait3A_109 = tpu.memref_slice %arg12[%dma_wait3A_107, %dma_wait3A_108] : memref<100352x16xf32, #tpu.memory_space<vmem_shared>> -> memref<100352x16xf32, #tpu.memory_space<vmem_shared>>
        tpu.wait_indirect_dma semaphore(%run_scoped3A_91 : memref<!tpu.dma_semaphore, #tpu.memory_space<semaphore_mem>>) src(%dma_wait3A_103 : memref<128x16xf32, #tpu.memory_space<vmem>>) dst(%dma_wait3A_109 : memref<100352x16xf32, #tpu.memory_space<vmem_shared>>)
        tpu.yield
      }) : () -> ()
      %run_scoped3A_73 = arith.constant 1 : i32
      "tpu.region"() ({
        %run_scoped3A_91 = tpu.sem_alloc : memref<!tpu.dma_semaphore, #tpu.memory_space<semaphore_mem>>
        %dma_start3A_92 = arith.constant 128 : i32
        %dma_start3A_93 = arith.constant 0 : i32
        %dma_start3A_94 = tpu.memref_slice %arg10[%dma_start3A_92, %dma_start3A_93] : memref<768x16xf32, #tpu.memory_space<vmem>> -> memref<128x16xf32, #tpu.memory_space<vmem>>
        %dma_start3A_95 = arith.constant 0 : i32
        %dma_start3A_96 = tpu.memref_slice %arg8[%run_scoped3A_73, %dma_start3A_95] : memref<6x128xi32, #tpu.memory_space<vmem>> -> memref<1x128xi32, #tpu.memory_space<vmem>>
        %dma_start3A_97 = tpu.memref_squeeze %dma_start3A_96 : memref<1x128xi32, #tpu.memory_space<vmem>> -> memref<128xi32, #tpu.memory_space<vmem>>
        %dma_start3A_98 = arith.constant 0 : i32
        %dma_start3A_99 = arith.constant 0 : i32
        %dma_start3A_100 = tpu.memref_slice %arg12[%dma_start3A_98, %dma_start3A_99] : memref<100352x16xf32, #tpu.memory_space<vmem_shared>> -> memref<100352x16xf32, #tpu.memory_space<vmem_shared>>
        tpu.enqueue_indirect_dma source(%dma_start3A_94 : memref<128x16xf32, #tpu.memory_space<vmem>>) target(%dma_start3A_100 : memref<100352x16xf32, #tpu.memory_space<vmem_shared>>) offsets(%dma_start3A_97 : memref<128xi32, #tpu.memory_space<vmem>>) semaphore(%run_scoped3A_91 : memref<!tpu.dma_semaphore, #tpu.memory_space<semaphore_mem>>) {add = true}
        %dma_wait3A_101 = arith.constant 128 : i32
        %dma_wait3A_102 = arith.constant 0 : i32
        %dma_wait3A_103 = tpu.memref_slice %arg10[%dma_wait3A_101, %dma_wait3A_102] : memref<768x16xf32, #tpu.memory_space<vmem>> -> memref<128x16xf32, #tpu.memory_space<vmem>>
        %dma_wait3A_104 = arith.constant 0 : i32
        %dma_wait3A_105 = tpu.memref_slice %arg8[%run_scoped3A_73, %dma_wait3A_104] : memref<6x128xi32, #tpu.memory_space<vmem>> -> memref<1x128xi32, #tpu.memory_space<vmem>>
        %dma_wait3A_106 = tpu.memref_squeeze %dma_wait3A_105 : memref<1x128xi32, #tpu.memory_space<vmem>> -> memref<128xi32, #tpu.memory_space<vmem>>
        %dma_wait3A_107 = arith.constant 0 : i32
        %dma_wait3A_108 = arith.constant 0 : i32
        %dma_wait3A_109 = tpu.memref_slice %arg12[%dma_wait3A_107, %dma_wait3A_108] : memref<100352x16xf32, #tpu.memory_space<vmem_shared>> -> memref<100352x16xf32, #tpu.memory_space<vmem_shared>>
        tpu.wait_indirect_dma semaphore(%run_scoped3A_91 : memref<!tpu.dma_semaphore, #tpu.memory_space<semaphore_mem>>) src(%dma_wait3A_103 : memref<128x16xf32, #tpu.memory_space<vmem>>) dst(%dma_wait3A_109 : memref<100352x16xf32, #tpu.memory_space<vmem_shared>>)
        tpu.yield
      }) : () -> ()
      %run_scoped3A_74 = arith.constant 2 : i32
      "tpu.region"() ({
        %run_scoped3A_91 = tpu.sem_alloc : memref<!tpu.dma_semaphore, #tpu.memory_space<semaphore_mem>>
        %dma_start3A_92 = arith.constant 256 : i32
        %dma_start3A_93 = arith.constant 0 : i32
        %dma_start3A_94 = tpu.memref_slice %arg10[%dma_start3A_92, %dma_start3A_93] : memref<768x16xf32, #tpu.memory_space<vmem>> -> memref<128x16xf32, #tpu.memory_space<vmem>>
        %dma_start3A_95 = arith.constant 0 : i32
        %dma_start3A_96 = tpu.memref_slice %arg8[%run_scoped3A_74, %dma_start3A_95] : memref<6x128xi32, #tpu.memory_space<vmem>> -> memref<1x128xi32, #tpu.memory_space<vmem>>
        %dma_start3A_97 = tpu.memref_squeeze %dma_start3A_96 : memref<1x128xi32, #tpu.memory_space<vmem>> -> memref<128xi32, #tpu.memory_space<vmem>>
        %dma_start3A_98 = arith.constant 0 : i32
        %dma_start3A_99 = arith.constant 0 : i32
        %dma_start3A_100 = tpu.memref_slice %arg12[%dma_start3A_98, %dma_start3A_99] : memref<100352x16xf32, #tpu.memory_space<vmem_shared>> -> memref<100352x16xf32, #tpu.memory_space<vmem_shared>>
        tpu.enqueue_indirect_dma source(%dma_start3A_94 : memref<128x16xf32, #tpu.memory_space<vmem>>) target(%dma_start3A_100 : memref<100352x16xf32, #tpu.memory_space<vmem_shared>>) offsets(%dma_start3A_97 : memref<128xi32, #tpu.memory_space<vmem>>) semaphore(%run_scoped3A_91 : memref<!tpu.dma_semaphore, #tpu.memory_space<semaphore_mem>>) {add = true}
        %dma_wait3A_101 = arith.constant 256 : i32
        %dma_wait3A_102 = arith.constant 0 : i32
        %dma_wait3A_103 = tpu.memref_slice %arg10[%dma_wait3A_101, %dma_wait3A_102] : memref<768x16xf32, #tpu.memory_space<vmem>> -> memref<128x16xf32, #tpu.memory_space<vmem>>
        %dma_wait3A_104 = arith.constant 0 : i32
        %dma_wait3A_105 = tpu.memref_slice %arg8[%run_scoped3A_74, %dma_wait3A_104] : memref<6x128xi32, #tpu.memory_space<vmem>> -> memref<1x128xi32, #tpu.memory_space<vmem>>
        %dma_wait3A_106 = tpu.memref_squeeze %dma_wait3A_105 : memref<1x128xi32, #tpu.memory_space<vmem>> -> memref<128xi32, #tpu.memory_space<vmem>>
        %dma_wait3A_107 = arith.constant 0 : i32
        %dma_wait3A_108 = arith.constant 0 : i32
        %dma_wait3A_109 = tpu.memref_slice %arg12[%dma_wait3A_107, %dma_wait3A_108] : memref<100352x16xf32, #tpu.memory_space<vmem_shared>> -> memref<100352x16xf32, #tpu.memory_space<vmem_shared>>
        tpu.wait_indirect_dma semaphore(%run_scoped3A_91 : memref<!tpu.dma_semaphore, #tpu.memory_space<semaphore_mem>>) src(%dma_wait3A_103 : memref<128x16xf32, #tpu.memory_space<vmem>>) dst(%dma_wait3A_109 : memref<100352x16xf32, #tpu.memory_space<vmem_shared>>)
        tpu.yield
      }) : () -> ()
      %run_scoped3A_75 = arith.constant 3 : i32
      "tpu.region"() ({
        %run_scoped3A_91 = tpu.sem_alloc : memref<!tpu.dma_semaphore, #tpu.memory_space<semaphore_mem>>
        %dma_start3A_92 = arith.constant 384 : i32
        %dma_start3A_93 = arith.constant 0 : i32
        %dma_start3A_94 = tpu.memref_slice %arg10[%dma_start3A_92, %dma_start3A_93] : memref<768x16xf32, #tpu.memory_space<vmem>> -> memref<128x16xf32, #tpu.memory_space<vmem>>
        %dma_start3A_95 = arith.constant 0 : i32
        %dma_start3A_96 = tpu.memref_slice %arg8[%run_scoped3A_75, %dma_start3A_95] : memref<6x128xi32, #tpu.memory_space<vmem>> -> memref<1x128xi32, #tpu.memory_space<vmem>>
        %dma_start3A_97 = tpu.memref_squeeze %dma_start3A_96 : memref<1x128xi32, #tpu.memory_space<vmem>> -> memref<128xi32, #tpu.memory_space<vmem>>
        %dma_start3A_98 = arith.constant 0 : i32
        %dma_start3A_99 = arith.constant 0 : i32
        %dma_start3A_100 = tpu.memref_slice %arg12[%dma_start3A_98, %dma_start3A_99] : memref<100352x16xf32, #tpu.memory_space<vmem_shared>> -> memref<100352x16xf32, #tpu.memory_space<vmem_shared>>
        tpu.enqueue_indirect_dma source(%dma_start3A_94 : memref<128x16xf32, #tpu.memory_space<vmem>>) target(%dma_start3A_100 : memref<100352x16xf32, #tpu.memory_space<vmem_shared>>) offsets(%dma_start3A_97 : memref<128xi32, #tpu.memory_space<vmem>>) semaphore(%run_scoped3A_91 : memref<!tpu.dma_semaphore, #tpu.memory_space<semaphore_mem>>) {add = true}
        %dma_wait3A_101 = arith.constant 384 : i32
        %dma_wait3A_102 = arith.constant 0 : i32
        %dma_wait3A_103 = tpu.memref_slice %arg10[%dma_wait3A_101, %dma_wait3A_102] : memref<768x16xf32, #tpu.memory_space<vmem>> -> memref<128x16xf32, #tpu.memory_space<vmem>>
        %dma_wait3A_104 = arith.constant 0 : i32
        %dma_wait3A_105 = tpu.memref_slice %arg8[%run_scoped3A_75, %dma_wait3A_104] : memref<6x128xi32, #tpu.memory_space<vmem>> -> memref<1x128xi32, #tpu.memory_space<vmem>>
        %dma_wait3A_106 = tpu.memref_squeeze %dma_wait3A_105 : memref<1x128xi32, #tpu.memory_space<vmem>> -> memref<128xi32, #tpu.memory_space<vmem>>
        %dma_wait3A_107 = arith.constant 0 : i32
        %dma_wait3A_108 = arith.constant 0 : i32
        %dma_wait3A_109 = tpu.memref_slice %arg12[%dma_wait3A_107, %dma_wait3A_108] : memref<100352x16xf32, #tpu.memory_space<vmem_shared>> -> memref<100352x16xf32, #tpu.memory_space<vmem_shared>>
        tpu.wait_indirect_dma semaphore(%run_scoped3A_91 : memref<!tpu.dma_semaphore, #tpu.memory_space<semaphore_mem>>) src(%dma_wait3A_103 : memref<128x16xf32, #tpu.memory_space<vmem>>) dst(%dma_wait3A_109 : memref<100352x16xf32, #tpu.memory_space<vmem_shared>>)
        tpu.yield
      }) : () -> ()
      %run_scoped3A_76 = arith.constant 4 : i32
      "tpu.region"() ({
        %run_scoped3A_91 = tpu.sem_alloc : memref<!tpu.dma_semaphore, #tpu.memory_space<semaphore_mem>>
        %dma_start3A_92 = arith.constant 512 : i32
        %dma_start3A_93 = arith.constant 0 : i32
        %dma_start3A_94 = tpu.memref_slice %arg10[%dma_start3A_92, %dma_start3A_93] : memref<768x16xf32, #tpu.memory_space<vmem>> -> memref<128x16xf32, #tpu.memory_space<vmem>>
        %dma_start3A_95 = arith.constant 0 : i32
        %dma_start3A_96 = tpu.memref_slice %arg8[%run_scoped3A_76, %dma_start3A_95] : memref<6x128xi32, #tpu.memory_space<vmem>> -> memref<1x128xi32, #tpu.memory_space<vmem>>
        %dma_start3A_97 = tpu.memref_squeeze %dma_start3A_96 : memref<1x128xi32, #tpu.memory_space<vmem>> -> memref<128xi32, #tpu.memory_space<vmem>>
        %dma_start3A_98 = arith.constant 0 : i32
        %dma_start3A_99 = arith.constant 0 : i32
        %dma_start3A_100 = tpu.memref_slice %arg12[%dma_start3A_98, %dma_start3A_99] : memref<100352x16xf32, #tpu.memory_space<vmem_shared>> -> memref<100352x16xf32, #tpu.memory_space<vmem_shared>>
        tpu.enqueue_indirect_dma source(%dma_start3A_94 : memref<128x16xf32, #tpu.memory_space<vmem>>) target(%dma_start3A_100 : memref<100352x16xf32, #tpu.memory_space<vmem_shared>>) offsets(%dma_start3A_97 : memref<128xi32, #tpu.memory_space<vmem>>) semaphore(%run_scoped3A_91 : memref<!tpu.dma_semaphore, #tpu.memory_space<semaphore_mem>>) {add = true}
        %dma_wait3A_101 = arith.constant 512 : i32
        %dma_wait3A_102 = arith.constant 0 : i32
        %dma_wait3A_103 = tpu.memref_slice %arg10[%dma_wait3A_101, %dma_wait3A_102] : memref<768x16xf32, #tpu.memory_space<vmem>> -> memref<128x16xf32, #tpu.memory_space<vmem>>
        %dma_wait3A_104 = arith.constant 0 : i32
        %dma_wait3A_105 = tpu.memref_slice %arg8[%run_scoped3A_76, %dma_wait3A_104] : memref<6x128xi32, #tpu.memory_space<vmem>> -> memref<1x128xi32, #tpu.memory_space<vmem>>
        %dma_wait3A_106 = tpu.memref_squeeze %dma_wait3A_105 : memref<1x128xi32, #tpu.memory_space<vmem>> -> memref<128xi32, #tpu.memory_space<vmem>>
        %dma_wait3A_107 = arith.constant 0 : i32
        %dma_wait3A_108 = arith.constant 0 : i32
        %dma_wait3A_109 = tpu.memref_slice %arg12[%dma_wait3A_107, %dma_wait3A_108] : memref<100352x16xf32, #tpu.memory_space<vmem_shared>> -> memref<100352x16xf32, #tpu.memory_space<vmem_shared>>
        tpu.wait_indirect_dma semaphore(%run_scoped3A_91 : memref<!tpu.dma_semaphore, #tpu.memory_space<semaphore_mem>>) src(%dma_wait3A_103 : memref<128x16xf32, #tpu.memory_space<vmem>>) dst(%dma_wait3A_109 : memref<100352x16xf32, #tpu.memory_space<vmem_shared>>)
        tpu.yield
      }) : () -> ()
      %run_scoped3A_77 = arith.constant 5 : i32
      "tpu.region"() ({
        %run_scoped3A_91 = tpu.sem_alloc : memref<!tpu.dma_semaphore, #tpu.memory_space<semaphore_mem>>
        %dma_start3A_92 = arith.constant 640 : i32
        %dma_start3A_93 = arith.constant 0 : i32
        %dma_start3A_94 = tpu.memref_slice %arg10[%dma_start3A_92, %dma_start3A_93] : memref<768x16xf32, #tpu.memory_space<vmem>> -> memref<128x16xf32, #tpu.memory_space<vmem>>
        %dma_start3A_95 = arith.constant 0 : i32
        %dma_start3A_96 = tpu.memref_slice %arg8[%run_scoped3A_77, %dma_start3A_95] : memref<6x128xi32, #tpu.memory_space<vmem>> -> memref<1x128xi32, #tpu.memory_space<vmem>>
        %dma_start3A_97 = tpu.memref_squeeze %dma_start3A_96 : memref<1x128xi32, #tpu.memory_space<vmem>> -> memref<128xi32, #tpu.memory_space<vmem>>
        %dma_start3A_98 = arith.constant 0 : i32
        %dma_start3A_99 = arith.constant 0 : i32
        %dma_start3A_100 = tpu.memref_slice %arg12[%dma_start3A_98, %dma_start3A_99] : memref<100352x16xf32, #tpu.memory_space<vmem_shared>> -> memref<100352x16xf32, #tpu.memory_space<vmem_shared>>
        tpu.enqueue_indirect_dma source(%dma_start3A_94 : memref<128x16xf32, #tpu.memory_space<vmem>>) target(%dma_start3A_100 : memref<100352x16xf32, #tpu.memory_space<vmem_shared>>) offsets(%dma_start3A_97 : memref<128xi32, #tpu.memory_space<vmem>>) semaphore(%run_scoped3A_91 : memref<!tpu.dma_semaphore, #tpu.memory_space<semaphore_mem>>) {add = true}
        %dma_wait3A_101 = arith.constant 640 : i32
        %dma_wait3A_102 = arith.constant 0 : i32
        %dma_wait3A_103 = tpu.memref_slice %arg10[%dma_wait3A_101, %dma_wait3A_102] : memref<768x16xf32, #tpu.memory_space<vmem>> -> memref<128x16xf32, #tpu.memory_space<vmem>>
        %dma_wait3A_104 = arith.constant 0 : i32
        %dma_wait3A_105 = tpu.memref_slice %arg8[%run_scoped3A_77, %dma_wait3A_104] : memref<6x128xi32, #tpu.memory_space<vmem>> -> memref<1x128xi32, #tpu.memory_space<vmem>>
        %dma_wait3A_106 = tpu.memref_squeeze %dma_wait3A_105 : memref<1x128xi32, #tpu.memory_space<vmem>> -> memref<128xi32, #tpu.memory_space<vmem>>
        %dma_wait3A_107 = arith.constant 0 : i32
        %dma_wait3A_108 = arith.constant 0 : i32
        %dma_wait3A_109 = tpu.memref_slice %arg12[%dma_wait3A_107, %dma_wait3A_108] : memref<100352x16xf32, #tpu.memory_space<vmem_shared>> -> memref<100352x16xf32, #tpu.memory_space<vmem_shared>>
        tpu.wait_indirect_dma semaphore(%run_scoped3A_91 : memref<!tpu.dma_semaphore, #tpu.memory_space<semaphore_mem>>) src(%dma_wait3A_103 : memref<128x16xf32, #tpu.memory_space<vmem>>) dst(%dma_wait3A_109 : memref<100352x16xf32, #tpu.memory_space<vmem_shared>>)
        tpu.yield
      }) : () -> ()
      %dma_wait3A_78 = arith.constant 0 : i32
      %dma_wait3A_79 = arith.constant 0 : i32
      %dma_wait3A_80 = tpu.memref_slice %arg4[%add3A_1, %dma_wait3A_78, %dma_wait3A_79] : memref<4x100352x16xf32, #tpu.memory_space<hbm>> -> memref<1x100352x16xf32, #tpu.memory_space<hbm>>
      %dma_wait3A_81 = tpu.memref_squeeze %dma_wait3A_80 : memref<1x100352x16xf32, #tpu.memory_space<hbm>> -> memref<100352x16xf32, #tpu.memory_space<hbm>>
      %dma_wait3A_82 = arith.constant 0 : i32
      %dma_wait3A_83 = arith.constant 0 : i32
      %dma_wait3A_84 = tpu.memref_slice %dma_wait3A_81[%dma_wait3A_82, %dma_wait3A_83] : memref<100352x16xf32, #tpu.memory_space<hbm>> -> memref<100352x16xf32, #tpu.memory_space<hbm>>
      tpu.wait_indirect_dma semaphore(%arg13 : memref<!tpu.dma_semaphore, #tpu.memory_space<semaphore_mem>>) src(%dma_wait3A_84 : memref<100352x16xf32, #tpu.memory_space<hbm>>) dst(%arg11 : memref<768x16xf32, #tpu.memory_space<vmem>>)
      %run_scoped3A_85 = arith.constant 0 : i32
      "tpu.region"() ({
        %run_scoped3A_91 = tpu.sem_alloc : memref<!tpu.dma_semaphore, #tpu.memory_space<semaphore_mem>>
        %dma_start3A_92 = arith.constant 0 : i32
        %dma_start3A_93 = arith.constant 0 : i32
        %dma_start3A_94 = tpu.memref_slice %arg11[%dma_start3A_92, %dma_start3A_93] : memref<768x16xf32, #tpu.memory_space<vmem>> -> memref<128x16xf32, #tpu.memory_space<vmem>>
        %dma_start3A_95 = arith.constant 0 : i32
        %dma_start3A_96 = tpu.memref_slice %arg9[%run_scoped3A_85, %dma_start3A_95] : memref<6x128xi32, #tpu.memory_space<vmem>> -> memref<1x128xi32, #tpu.memory_space<vmem>>
        %dma_start3A_97 = tpu.memref_squeeze %dma_start3A_96 : memref<1x128xi32, #tpu.memory_space<vmem>> -> memref<128xi32, #tpu.memory_space<vmem>>
        %dma_start3A_98 = arith.constant 0 : i32
        %dma_start3A_99 = arith.constant 0 : i32
        %dma_start3A_100 = tpu.memref_slice %arg12[%dma_start3A_98, %dma_start3A_99] : memref<100352x16xf32, #tpu.memory_space<vmem_shared>> -> memref<100352x16xf32, #tpu.memory_space<vmem_shared>>
        tpu.enqueue_indirect_dma source(%dma_start3A_94 : memref<128x16xf32, #tpu.memory_space<vmem>>) target(%dma_start3A_100 : memref<100352x16xf32, #tpu.memory_space<vmem_shared>>) offsets(%dma_start3A_97 : memref<128xi32, #tpu.memory_space<vmem>>) semaphore(%run_scoped3A_91 : memref<!tpu.dma_semaphore, #tpu.memory_space<semaphore_mem>>) {add = true}
        %dma_wait3A_101 = arith.constant 0 : i32
        %dma_wait3A_102 = arith.constant 0 : i32
        %dma_wait3A_103 = tpu.memref_slice %arg11[%dma_wait3A_101, %dma_wait3A_102] : memref<768x16xf32, #tpu.memory_space<vmem>> -> memref<128x16xf32, #tpu.memory_space<vmem>>
        %dma_wait3A_104 = arith.constant 0 : i32
        %dma_wait3A_105 = tpu.memref_slice %arg9[%run_scoped3A_85, %dma_wait3A_104] : memref<6x128xi32, #tpu.memory_space<vmem>> -> memref<1x128xi32, #tpu.memory_space<vmem>>
        %dma_wait3A_106 = tpu.memref_squeeze %dma_wait3A_105 : memref<1x128xi32, #tpu.memory_space<vmem>> -> memref<128xi32, #tpu.memory_space<vmem>>
        %dma_wait3A_107 = arith.constant 0 : i32
        %dma_wait3A_108 = arith.constant 0 : i32
        %dma_wait3A_109 = tpu.memref_slice %arg12[%dma_wait3A_107, %dma_wait3A_108] : memref<100352x16xf32, #tpu.memory_space<vmem_shared>> -> memref<100352x16xf32, #tpu.memory_space<vmem_shared>>
        tpu.wait_indirect_dma semaphore(%run_scoped3A_91 : memref<!tpu.dma_semaphore, #tpu.memory_space<semaphore_mem>>) src(%dma_wait3A_103 : memref<128x16xf32, #tpu.memory_space<vmem>>) dst(%dma_wait3A_109 : memref<100352x16xf32, #tpu.memory_space<vmem_shared>>)
        tpu.yield
      }) : () -> ()
      %run_scoped3A_86 = arith.constant 1 : i32
      "tpu.region"() ({
        %run_scoped3A_91 = tpu.sem_alloc : memref<!tpu.dma_semaphore, #tpu.memory_space<semaphore_mem>>
        %dma_start3A_92 = arith.constant 128 : i32
        %dma_start3A_93 = arith.constant 0 : i32
        %dma_start3A_94 = tpu.memref_slice %arg11[%dma_start3A_92, %dma_start3A_93] : memref<768x16xf32, #tpu.memory_space<vmem>> -> memref<128x16xf32, #tpu.memory_space<vmem>>
        %dma_start3A_95 = arith.constant 0 : i32
        %dma_start3A_96 = tpu.memref_slice %arg9[%run_scoped3A_86, %dma_start3A_95] : memref<6x128xi32, #tpu.memory_space<vmem>> -> memref<1x128xi32, #tpu.memory_space<vmem>>
        %dma_start3A_97 = tpu.memref_squeeze %dma_start3A_96 : memref<1x128xi32, #tpu.memory_space<vmem>> -> memref<128xi32, #tpu.memory_space<vmem>>
        %dma_start3A_98 = arith.constant 0 : i32
        %dma_start3A_99 = arith.constant 0 : i32
        %dma_start3A_100 = tpu.memref_slice %arg12[%dma_start3A_98, %dma_start3A_99] : memref<100352x16xf32, #tpu.memory_space<vmem_shared>> -> memref<100352x16xf32, #tpu.memory_space<vmem_shared>>
        tpu.enqueue_indirect_dma source(%dma_start3A_94 : memref<128x16xf32, #tpu.memory_space<vmem>>) target(%dma_start3A_100 : memref<100352x16xf32, #tpu.memory_space<vmem_shared>>) offsets(%dma_start3A_97 : memref<128xi32, #tpu.memory_space<vmem>>) semaphore(%run_scoped3A_91 : memref<!tpu.dma_semaphore, #tpu.memory_space<semaphore_mem>>) {add = true}
        %dma_wait3A_101 = arith.constant 128 : i32
        %dma_wait3A_102 = arith.constant 0 : i32
        %dma_wait3A_103 = tpu.memref_slice %arg11[%dma_wait3A_101, %dma_wait3A_102] : memref<768x16xf32, #tpu.memory_space<vmem>> -> memref<128x16xf32, #tpu.memory_space<vmem>>
        %dma_wait3A_104 = arith.constant 0 : i32
        %dma_wait3A_105 = tpu.memref_slice %arg9[%run_scoped3A_86, %dma_wait3A_104] : memref<6x128xi32, #tpu.memory_space<vmem>> -> memref<1x128xi32, #tpu.memory_space<vmem>>
        %dma_wait3A_106 = tpu.memref_squeeze %dma_wait3A_105 : memref<1x128xi32, #tpu.memory_space<vmem>> -> memref<128xi32, #tpu.memory_space<vmem>>
        %dma_wait3A_107 = arith.constant 0 : i32
        %dma_wait3A_108 = arith.constant 0 : i32
        %dma_wait3A_109 = tpu.memref_slice %arg12[%dma_wait3A_107, %dma_wait3A_108] : memref<100352x16xf32, #tpu.memory_space<vmem_shared>> -> memref<100352x16xf32, #tpu.memory_space<vmem_shared>>
        tpu.wait_indirect_dma semaphore(%run_scoped3A_91 : memref<!tpu.dma_semaphore, #tpu.memory_space<semaphore_mem>>) src(%dma_wait3A_103 : memref<128x16xf32, #tpu.memory_space<vmem>>) dst(%dma_wait3A_109 : memref<100352x16xf32, #tpu.memory_space<vmem_shared>>)
        tpu.yield
      }) : () -> ()
      %run_scoped3A_87 = arith.constant 2 : i32
      "tpu.region"() ({
        %run_scoped3A_91 = tpu.sem_alloc : memref<!tpu.dma_semaphore, #tpu.memory_space<semaphore_mem>>
        %dma_start3A_92 = arith.constant 256 : i32
        %dma_start3A_93 = arith.constant 0 : i32
        %dma_start3A_94 = tpu.memref_slice %arg11[%dma_start3A_92, %dma_start3A_93] : memref<768x16xf32, #tpu.memory_space<vmem>> -> memref<128x16xf32, #tpu.memory_space<vmem>>
        %dma_start3A_95 = arith.constant 0 : i32
        %dma_start3A_96 = tpu.memref_slice %arg9[%run_scoped3A_87, %dma_start3A_95] : memref<6x128xi32, #tpu.memory_space<vmem>> -> memref<1x128xi32, #tpu.memory_space<vmem>>
        %dma_start3A_97 = tpu.memref_squeeze %dma_start3A_96 : memref<1x128xi32, #tpu.memory_space<vmem>> -> memref<128xi32, #tpu.memory_space<vmem>>
        %dma_start3A_98 = arith.constant 0 : i32
        %dma_start3A_99 = arith.constant 0 : i32
        %dma_start3A_100 = tpu.memref_slice %arg12[%dma_start3A_98, %dma_start3A_99] : memref<100352x16xf32, #tpu.memory_space<vmem_shared>> -> memref<100352x16xf32, #tpu.memory_space<vmem_shared>>
        tpu.enqueue_indirect_dma source(%dma_start3A_94 : memref<128x16xf32, #tpu.memory_space<vmem>>) target(%dma_start3A_100 : memref<100352x16xf32, #tpu.memory_space<vmem_shared>>) offsets(%dma_start3A_97 : memref<128xi32, #tpu.memory_space<vmem>>) semaphore(%run_scoped3A_91 : memref<!tpu.dma_semaphore, #tpu.memory_space<semaphore_mem>>) {add = true}
        %dma_wait3A_101 = arith.constant 256 : i32
        %dma_wait3A_102 = arith.constant 0 : i32
        %dma_wait3A_103 = tpu.memref_slice %arg11[%dma_wait3A_101, %dma_wait3A_102] : memref<768x16xf32, #tpu.memory_space<vmem>> -> memref<128x16xf32, #tpu.memory_space<vmem>>
        %dma_wait3A_104 = arith.constant 0 : i32
        %dma_wait3A_105 = tpu.memref_slice %arg9[%run_scoped3A_87, %dma_wait3A_104] : memref<6x128xi32, #tpu.memory_space<vmem>> -> memref<1x128xi32, #tpu.memory_space<vmem>>
        %dma_wait3A_106 = tpu.memref_squeeze %dma_wait3A_105 : memref<1x128xi32, #tpu.memory_space<vmem>> -> memref<128xi32, #tpu.memory_space<vmem>>
        %dma_wait3A_107 = arith.constant 0 : i32
        %dma_wait3A_108 = arith.constant 0 : i32
        %dma_wait3A_109 = tpu.memref_slice %arg12[%dma_wait3A_107, %dma_wait3A_108] : memref<100352x16xf32, #tpu.memory_space<vmem_shared>> -> memref<100352x16xf32, #tpu.memory_space<vmem_shared>>
        tpu.wait_indirect_dma semaphore(%run_scoped3A_91 : memref<!tpu.dma_semaphore, #tpu.memory_space<semaphore_mem>>) src(%dma_wait3A_103 : memref<128x16xf32, #tpu.memory_space<vmem>>) dst(%dma_wait3A_109 : memref<100352x16xf32, #tpu.memory_space<vmem_shared>>)
        tpu.yield
      }) : () -> ()
      %run_scoped3A_88 = arith.constant 3 : i32
      "tpu.region"() ({
        %run_scoped3A_91 = tpu.sem_alloc : memref<!tpu.dma_semaphore, #tpu.memory_space<semaphore_mem>>
        %dma_start3A_92 = arith.constant 384 : i32
        %dma_start3A_93 = arith.constant 0 : i32
        %dma_start3A_94 = tpu.memref_slice %arg11[%dma_start3A_92, %dma_start3A_93] : memref<768x16xf32, #tpu.memory_space<vmem>> -> memref<128x16xf32, #tpu.memory_space<vmem>>
        %dma_start3A_95 = arith.constant 0 : i32
        %dma_start3A_96 = tpu.memref_slice %arg9[%run_scoped3A_88, %dma_start3A_95] : memref<6x128xi32, #tpu.memory_space<vmem>> -> memref<1x128xi32, #tpu.memory_space<vmem>>
        %dma_start3A_97 = tpu.memref_squeeze %dma_start3A_96 : memref<1x128xi32, #tpu.memory_space<vmem>> -> memref<128xi32, #tpu.memory_space<vmem>>
        %dma_start3A_98 = arith.constant 0 : i32
        %dma_start3A_99 = arith.constant 0 : i32
        %dma_start3A_100 = tpu.memref_slice %arg12[%dma_start3A_98, %dma_start3A_99] : memref<100352x16xf32, #tpu.memory_space<vmem_shared>> -> memref<100352x16xf32, #tpu.memory_space<vmem_shared>>
        tpu.enqueue_indirect_dma source(%dma_start3A_94 : memref<128x16xf32, #tpu.memory_space<vmem>>) target(%dma_start3A_100 : memref<100352x16xf32, #tpu.memory_space<vmem_shared>>) offsets(%dma_start3A_97 : memref<128xi32, #tpu.memory_space<vmem>>) semaphore(%run_scoped3A_91 : memref<!tpu.dma_semaphore, #tpu.memory_space<semaphore_mem>>) {add = true}
        %dma_wait3A_101 = arith.constant 384 : i32
        %dma_wait3A_102 = arith.constant 0 : i32
        %dma_wait3A_103 = tpu.memref_slice %arg11[%dma_wait3A_101, %dma_wait3A_102] : memref<768x16xf32, #tpu.memory_space<vmem>> -> memref<128x16xf32, #tpu.memory_space<vmem>>
        %dma_wait3A_104 = arith.constant 0 : i32
        %dma_wait3A_105 = tpu.memref_slice %arg9[%run_scoped3A_88, %dma_wait3A_104] : memref<6x128xi32, #tpu.memory_space<vmem>> -> memref<1x128xi32, #tpu.memory_space<vmem>>
        %dma_wait3A_106 = tpu.memref_squeeze %dma_wait3A_105 : memref<1x128xi32, #tpu.memory_space<vmem>> -> memref<128xi32, #tpu.memory_space<vmem>>
        %dma_wait3A_107 = arith.constant 0 : i32
        %dma_wait3A_108 = arith.constant 0 : i32
        %dma_wait3A_109 = tpu.memref_slice %arg12[%dma_wait3A_107, %dma_wait3A_108] : memref<100352x16xf32, #tpu.memory_space<vmem_shared>> -> memref<100352x16xf32, #tpu.memory_space<vmem_shared>>
        tpu.wait_indirect_dma semaphore(%run_scoped3A_91 : memref<!tpu.dma_semaphore, #tpu.memory_space<semaphore_mem>>) src(%dma_wait3A_103 : memref<128x16xf32, #tpu.memory_space<vmem>>) dst(%dma_wait3A_109 : memref<100352x16xf32, #tpu.memory_space<vmem_shared>>)
        tpu.yield
      }) : () -> ()
      %run_scoped3A_89 = arith.constant 4 : i32
      "tpu.region"() ({
        %run_scoped3A_91 = tpu.sem_alloc : memref<!tpu.dma_semaphore, #tpu.memory_space<semaphore_mem>>
        %dma_start3A_92 = arith.constant 512 : i32
        %dma_start3A_93 = arith.constant 0 : i32
        %dma_start3A_94 = tpu.memref_slice %arg11[%dma_start3A_92, %dma_start3A_93] : memref<768x16xf32, #tpu.memory_space<vmem>> -> memref<128x16xf32, #tpu.memory_space<vmem>>
        %dma_start3A_95 = arith.constant 0 : i32
        %dma_start3A_96 = tpu.memref_slice %arg9[%run_scoped3A_89, %dma_start3A_95] : memref<6x128xi32, #tpu.memory_space<vmem>> -> memref<1x128xi32, #tpu.memory_space<vmem>>
        %dma_start3A_97 = tpu.memref_squeeze %dma_start3A_96 : memref<1x128xi32, #tpu.memory_space<vmem>> -> memref<128xi32, #tpu.memory_space<vmem>>
        %dma_start3A_98 = arith.constant 0 : i32
        %dma_start3A_99 = arith.constant 0 : i32
        %dma_start3A_100 = tpu.memref_slice %arg12[%dma_start3A_98, %dma_start3A_99] : memref<100352x16xf32, #tpu.memory_space<vmem_shared>> -> memref<100352x16xf32, #tpu.memory_space<vmem_shared>>
        tpu.enqueue_indirect_dma source(%dma_start3A_94 : memref<128x16xf32, #tpu.memory_space<vmem>>) target(%dma_start3A_100 : memref<100352x16xf32, #tpu.memory_space<vmem_shared>>) offsets(%dma_start3A_97 : memref<128xi32, #tpu.memory_space<vmem>>) semaphore(%run_scoped3A_91 : memref<!tpu.dma_semaphore, #tpu.memory_space<semaphore_mem>>) {add = true}
        %dma_wait3A_101 = arith.constant 512 : i32
        %dma_wait3A_102 = arith.constant 0 : i32
        %dma_wait3A_103 = tpu.memref_slice %arg11[%dma_wait3A_101, %dma_wait3A_102] : memref<768x16xf32, #tpu.memory_space<vmem>> -> memref<128x16xf32, #tpu.memory_space<vmem>>
        %dma_wait3A_104 = arith.constant 0 : i32
        %dma_wait3A_105 = tpu.memref_slice %arg9[%run_scoped3A_89, %dma_wait3A_104] : memref<6x128xi32, #tpu.memory_space<vmem>> -> memref<1x128xi32, #tpu.memory_space<vmem>>
        %dma_wait3A_106 = tpu.memref_squeeze %dma_wait3A_105 : memref<1x128xi32, #tpu.memory_space<vmem>> -> memref<128xi32, #tpu.memory_space<vmem>>
        %dma_wait3A_107 = arith.constant 0 : i32
        %dma_wait3A_108 = arith.constant 0 : i32
        %dma_wait3A_109 = tpu.memref_slice %arg12[%dma_wait3A_107, %dma_wait3A_108] : memref<100352x16xf32, #tpu.memory_space<vmem_shared>> -> memref<100352x16xf32, #tpu.memory_space<vmem_shared>>
        tpu.wait_indirect_dma semaphore(%run_scoped3A_91 : memref<!tpu.dma_semaphore, #tpu.memory_space<semaphore_mem>>) src(%dma_wait3A_103 : memref<128x16xf32, #tpu.memory_space<vmem>>) dst(%dma_wait3A_109 : memref<100352x16xf32, #tpu.memory_space<vmem_shared>>)
        tpu.yield
      }) : () -> ()
      %run_scoped3A_90 = arith.constant 5 : i32
      "tpu.region"() ({
        %run_scoped3A_91 = tpu.sem_alloc : memref<!tpu.dma_semaphore, #tpu.memory_space<semaphore_mem>>
        %dma_start3A_92 = arith.constant 640 : i32
        %dma_start3A_93 = arith.constant 0 : i32
        %dma_start3A_94 = tpu.memref_slice %arg11[%dma_start3A_92, %dma_start3A_93] : memref<768x16xf32, #tpu.memory_space<vmem>> -> memref<128x16xf32, #tpu.memory_space<vmem>>
        %dma_start3A_95 = arith.constant 0 : i32
        %dma_start3A_96 = tpu.memref_slice %arg9[%run_scoped3A_90, %dma_start3A_95] : memref<6x128xi32, #tpu.memory_space<vmem>> -> memref<1x128xi32, #tpu.memory_space<vmem>>
        %dma_start3A_97 = tpu.memref_squeeze %dma_start3A_96 : memref<1x128xi32, #tpu.memory_space<vmem>> -> memref<128xi32, #tpu.memory_space<vmem>>
        %dma_start3A_98 = arith.constant 0 : i32
        %dma_start3A_99 = arith.constant 0 : i32
        %dma_start3A_100 = tpu.memref_slice %arg12[%dma_start3A_98, %dma_start3A_99] : memref<100352x16xf32, #tpu.memory_space<vmem_shared>> -> memref<100352x16xf32, #tpu.memory_space<vmem_shared>>
        tpu.enqueue_indirect_dma source(%dma_start3A_94 : memref<128x16xf32, #tpu.memory_space<vmem>>) target(%dma_start3A_100 : memref<100352x16xf32, #tpu.memory_space<vmem_shared>>) offsets(%dma_start3A_97 : memref<128xi32, #tpu.memory_space<vmem>>) semaphore(%run_scoped3A_91 : memref<!tpu.dma_semaphore, #tpu.memory_space<semaphore_mem>>) {add = true}
        %dma_wait3A_101 = arith.constant 640 : i32
        %dma_wait3A_102 = arith.constant 0 : i32
        %dma_wait3A_103 = tpu.memref_slice %arg11[%dma_wait3A_101, %dma_wait3A_102] : memref<768x16xf32, #tpu.memory_space<vmem>> -> memref<128x16xf32, #tpu.memory_space<vmem>>
        %dma_wait3A_104 = arith.constant 0 : i32
        %dma_wait3A_105 = tpu.memref_slice %arg9[%run_scoped3A_90, %dma_wait3A_104] : memref<6x128xi32, #tpu.memory_space<vmem>> -> memref<1x128xi32, #tpu.memory_space<vmem>>
        %dma_wait3A_106 = tpu.memref_squeeze %dma_wait3A_105 : memref<1x128xi32, #tpu.memory_space<vmem>> -> memref<128xi32, #tpu.memory_space<vmem>>
        %dma_wait3A_107 = arith.constant 0 : i32
        %dma_wait3A_108 = arith.constant 0 : i32
        %dma_wait3A_109 = tpu.memref_slice %arg12[%dma_wait3A_107, %dma_wait3A_108] : memref<100352x16xf32, #tpu.memory_space<vmem_shared>> -> memref<100352x16xf32, #tpu.memory_space<vmem_shared>>
        tpu.wait_indirect_dma semaphore(%run_scoped3A_91 : memref<!tpu.dma_semaphore, #tpu.memory_space<semaphore_mem>>) src(%dma_wait3A_103 : memref<128x16xf32, #tpu.memory_space<vmem>>) dst(%dma_wait3A_109 : memref<100352x16xf32, #tpu.memory_space<vmem_shared>>)
        tpu.yield
      }) : () -> ()
    }
    %scan3A_10 = arith.constant 66 : i32
    %barrier3A_11 = arith.constant 0 : index
    tpu.barrier barrier_id(%barrier3A_11)
    %mul3A_12 = arith.constant 6272 : i32
    %mul3A_13 = arith.muli %arg1, %mul3A_12 : i32
    %mul3A_14 = arith.constant 6272 : i32
    %mul3A_15 = arith.muli %arg1, %mul3A_14 : i32
    "tpu.region"() ({
      %run_scoped3A = tpu.sem_alloc : memref<!tpu.dma_semaphore, #tpu.memory_space<semaphore_mem>>
      %dma_start3A = arith.constant 0 : i32
      %dma_start3A_38 = arith.constant 0 : i32
      %dma_start3A_39 = tpu.memref_slice %arg5[%add3A_1, %dma_start3A, %dma_start3A_38] : memref<4x100352x16xf32, #tpu.memory_space<hbm>> -> memref<1x100352x16xf32, #tpu.memory_space<hbm>>
      %dma_start3A_40 = tpu.memref_squeeze %dma_start3A_39 : memref<1x100352x16xf32, #tpu.memory_space<hbm>> -> memref<100352x16xf32, #tpu.memory_space<hbm>>
      %dma_start3A_41 = arith.constant 0 : i32
      %dma_start3A_42 = tpu.memref_slice %dma_start3A_40[%mul3A_15, %dma_start3A_41] : memref<100352x16xf32, #tpu.memory_space<hbm>> -> memref<6272x16xf32, #tpu.memory_space<hbm>>
      %dma_start3A_43 = arith.constant 0 : i32
      %dma_start3A_44 = tpu.memref_slice %arg12[%mul3A_13, %dma_start3A_43] : memref<100352x16xf32, #tpu.memory_space<vmem_shared>> -> memref<6272x16xf32, #tpu.memory_space<vmem_shared>>
      tpu.enqueue_dma source(%dma_start3A_44 : memref<6272x16xf32, #tpu.memory_space<vmem_shared>>) target(%dma_start3A_42 : memref<6272x16xf32, #tpu.memory_space<hbm>>) target_semaphore(%run_scoped3A : memref<!tpu.dma_semaphore, #tpu.memory_space<semaphore_mem>>)
      %dma_wait3A = arith.constant 0 : i32
      %dma_wait3A_45 = arith.constant 0 : i32
      %dma_wait3A_46 = tpu.memref_slice %arg5[%add3A_1, %dma_wait3A, %dma_wait3A_45] : memref<4x100352x16xf32, #tpu.memory_space<hbm>> -> memref<1x100352x16xf32, #tpu.memory_space<hbm>>
      %dma_wait3A_47 = tpu.memref_squeeze %dma_wait3A_46 : memref<1x100352x16xf32, #tpu.memory_space<hbm>> -> memref<100352x16xf32, #tpu.memory_space<hbm>>
      %dma_wait3A_48 = arith.constant 0 : i32
      %dma_wait3A_49 = tpu.memref_slice %dma_wait3A_47[%mul3A_15, %dma_wait3A_48] : memref<100352x16xf32, #tpu.memory_space<hbm>> -> memref<6272x16xf32, #tpu.memory_space<hbm>>
      %dma_wait3A_50 = arith.constant 0 : i32
      %dma_wait3A_51 = tpu.memref_slice %arg12[%mul3A_13, %dma_wait3A_50] : memref<100352x16xf32, #tpu.memory_space<vmem_shared>> -> memref<6272x16xf32, #tpu.memory_space<vmem_shared>>
      tpu.wait_dma2 semaphore(%run_scoped3A : memref<!tpu.dma_semaphore, #tpu.memory_space<semaphore_mem>>) src(%dma_wait3A_51 : memref<6272x16xf32, #tpu.memory_space<vmem_shared>>) dst(%dma_wait3A_49 : memref<6272x16xf32, #tpu.memory_space<hbm>>)
      tpu.yield
    }) : () -> ()
    %barrier3A_16 = arith.constant 0 : index
    tpu.barrier barrier_id(%barrier3A_16)
    %mul3A_17 = arith.constant 2 : i32
    %mul3A_18 = arith.muli %arg0, %mul3A_17 : i32
    %add3A_19 = arith.constant 1 : i32
    %add3A_20 = arith.addi %mul3A_18, %add3A_19 : i32
    %mul3A_21 = arith.constant 6272 : i32
    %mul3A_22 = arith.muli %arg1, %mul3A_21 : i32
    %mul3A_23 = arith.constant 6272 : i32
    %mul3A_24 = arith.muli %arg1, %mul3A_23 : i32
    "tpu.region"() ({
      %run_scoped3A = tpu.sem_alloc : memref<!tpu.dma_semaphore, #tpu.memory_space<semaphore_mem>>
      %dma_start3A = arith.constant 0 : i32
      %dma_start3A_38 = tpu.memref_slice %arg12[%mul3A_24, %dma_start3A] : memref<100352x16xf32, #tpu.memory_space<vmem_shared>> -> memref<6272x16xf32, #tpu.memory_space<vmem_shared>>
      %dma_start3A_39 = arith.constant 0 : i32
      %dma_start3A_40 = arith.constant 0 : i32
      %dma_start3A_41 = tpu.memref_slice %arg4[%add3A_20, %dma_start3A_39, %dma_start3A_40] : memref<4x100352x16xf32, #tpu.memory_space<hbm>> -> memref<1x100352x16xf32, #tpu.memory_space<hbm>>
      %dma_start3A_42 = tpu.memref_squeeze %dma_start3A_41 : memref<1x100352x16xf32, #tpu.memory_space<hbm>> -> memref<100352x16xf32, #tpu.memory_space<hbm>>
      %dma_start3A_43 = arith.constant 0 : i32
      %dma_start3A_44 = tpu.memref_slice %dma_start3A_42[%mul3A_22, %dma_start3A_43] : memref<100352x16xf32, #tpu.memory_space<hbm>> -> memref<6272x16xf32, #tpu.memory_space<hbm>>
      tpu.enqueue_dma source(%dma_start3A_44 : memref<6272x16xf32, #tpu.memory_space<hbm>>) target(%dma_start3A_38 : memref<6272x16xf32, #tpu.memory_space<vmem_shared>>) target_semaphore(%run_scoped3A : memref<!tpu.dma_semaphore, #tpu.memory_space<semaphore_mem>>)
      %dma_wait3A = arith.constant 0 : i32
      %dma_wait3A_45 = tpu.memref_slice %arg12[%mul3A_24, %dma_wait3A] : memref<100352x16xf32, #tpu.memory_space<vmem_shared>> -> memref<6272x16xf32, #tpu.memory_space<vmem_shared>>
      %dma_wait3A_46 = arith.constant 0 : i32
      %dma_wait3A_47 = arith.constant 0 : i32
      %dma_wait3A_48 = tpu.memref_slice %arg4[%add3A_20, %dma_wait3A_46, %dma_wait3A_47] : memref<4x100352x16xf32, #tpu.memory_space<hbm>> -> memref<1x100352x16xf32, #tpu.memory_space<hbm>>
      %dma_wait3A_49 = tpu.memref_squeeze %dma_wait3A_48 : memref<1x100352x16xf32, #tpu.memory_space<hbm>> -> memref<100352x16xf32, #tpu.memory_space<hbm>>
      %dma_wait3A_50 = arith.constant 0 : i32
      %dma_wait3A_51 = tpu.memref_slice %dma_wait3A_49[%mul3A_22, %dma_wait3A_50] : memref<100352x16xf32, #tpu.memory_space<hbm>> -> memref<6272x16xf32, #tpu.memory_space<hbm>>
      tpu.wait_dma2 semaphore(%run_scoped3A : memref<!tpu.dma_semaphore, #tpu.memory_space<semaphore_mem>>) src(%dma_wait3A_51 : memref<6272x16xf32, #tpu.memory_space<hbm>>) dst(%dma_wait3A_45 : memref<6272x16xf32, #tpu.memory_space<vmem_shared>>)
      tpu.yield
    }) : () -> ()
    %barrier3A_25 = arith.constant 0 : index
    tpu.barrier barrier_id(%barrier3A_25)
    %scan3A_26 = arith.constant 0 : i32
    %scan3A_27 = arith.constant 0 : i32
    %scan3A_28 = arith.constant 66 : i32
    %scan3A_29 = arith.addi %scan3A_27, %scan3A_28 : i32
    %scan3A_30 = arith.constant 1 : i32
    scf.for %scan3A_38 = %scan3A_27 to %scan3A_29 step %scan3A_30  : i32 {
      %mul3A_39 = arith.constant 792 : i32
      %mul3A_40 = arith.muli %arg1, %mul3A_39 : i32
      %mul3A_41 = arith.constant 2 : i32
      %mul3A_42 = arith.muli %scan3A_38, %mul3A_41 : i32
      %mul3A_43 = arith.constant 6 : i32
      %mul3A_44 = arith.muli %mul3A_42, %mul3A_43 : i32
      %add3A_45 = arith.addi %mul3A_40, %mul3A_44 : i32
      %mul3A_46 = arith.constant 128 : i32
      %mul3A_47 = arith.muli %add3A_45, %mul3A_46 : i32
      "tpu.region"() ({
        %run_scoped3A_91 = tpu.sem_alloc : memref<!tpu.dma_semaphore, #tpu.memory_space<semaphore_mem>>
        %dma_start3A_92 = tpu.memref_slice %arg2[%mul3A_47] : memref<1622016xi32, #tpu.memory_space<hbm>> -> memref<768xi32, #tpu.memory_space<hbm>>
        %dma_start3A_93 = tpu.memref_slice %arg2[%mul3A_47] : memref<1622016xi32, #tpu.memory_space<hbm>> -> memref<768xi32, #tpu.memory_space<hbm>>
        tpu.enqueue_dma source(%dma_start3A_93 : memref<768xi32, #tpu.memory_space<hbm>>) target(%arg6 : memref<768xi32, #tpu.memory_space<vmem>>) target_semaphore(%run_scoped3A_91 : memref<!tpu.dma_semaphore, #tpu.memory_space<semaphore_mem>>)
        %dma_wait3A_94 = tpu.memref_slice %arg2[%mul3A_47] : memref<1622016xi32, #tpu.memory_space<hbm>> -> memref<768xi32, #tpu.memory_space<hbm>>
        %dma_wait3A_95 = tpu.memref_slice %arg2[%mul3A_47] : memref<1622016xi32, #tpu.memory_space<hbm>> -> memref<768xi32, #tpu.memory_space<hbm>>
        tpu.wait_dma2 semaphore(%run_scoped3A_91 : memref<!tpu.dma_semaphore, #tpu.memory_space<semaphore_mem>>) src(%dma_wait3A_95 : memref<768xi32, #tpu.memory_space<hbm>>) dst(%arg6 : memref<768xi32, #tpu.memory_space<vmem>>)
        tpu.yield
      }) : () -> ()
      "tpu.region"() ({
        %run_scoped3A_91 = tpu.sem_alloc : memref<!tpu.dma_semaphore, #tpu.memory_space<semaphore_mem>>
        %dma_start3A_92 = arith.constant 0 : i32
        %dma_start3A_93 = tpu.memref_slice %arg3[%add3A_45, %dma_start3A_92] : memref<12672x128xi32, #tpu.memory_space<hbm>> -> memref<6x128xi32, #tpu.memory_space<hbm>>
        %dma_start3A_94 = arith.constant 0 : i32
        %dma_start3A_95 = tpu.memref_slice %arg3[%add3A_45, %dma_start3A_94] : memref<12672x128xi32, #tpu.memory_space<hbm>> -> memref<6x128xi32, #tpu.memory_space<hbm>>
        tpu.enqueue_dma source(%dma_start3A_95 : memref<6x128xi32, #tpu.memory_space<hbm>>) target(%arg8 : memref<6x128xi32, #tpu.memory_space<vmem>>) target_semaphore(%run_scoped3A_91 : memref<!tpu.dma_semaphore, #tpu.memory_space<semaphore_mem>>)
        %dma_wait3A_96 = arith.constant 0 : i32
        %dma_wait3A_97 = tpu.memref_slice %arg3[%add3A_45, %dma_wait3A_96] : memref<12672x128xi32, #tpu.memory_space<hbm>> -> memref<6x128xi32, #tpu.memory_space<hbm>>
        %dma_wait3A_98 = arith.constant 0 : i32
        %dma_wait3A_99 = tpu.memref_slice %arg3[%add3A_45, %dma_wait3A_98] : memref<12672x128xi32, #tpu.memory_space<hbm>> -> memref<6x128xi32, #tpu.memory_space<hbm>>
        tpu.wait_dma2 semaphore(%run_scoped3A_91 : memref<!tpu.dma_semaphore, #tpu.memory_space<semaphore_mem>>) src(%dma_wait3A_99 : memref<6x128xi32, #tpu.memory_space<hbm>>) dst(%arg8 : memref<6x128xi32, #tpu.memory_space<vmem>>)
        tpu.yield
      }) : () -> ()
      %dma_start3A = arith.constant 0 : i32
      %dma_start3A_48 = arith.constant 0 : i32
      %dma_start3A_49 = tpu.memref_slice %arg4[%add3A_20, %dma_start3A, %dma_start3A_48] : memref<4x100352x16xf32, #tpu.memory_space<hbm>> -> memref<1x100352x16xf32, #tpu.memory_space<hbm>>
      %dma_start3A_50 = tpu.memref_squeeze %dma_start3A_49 : memref<1x100352x16xf32, #tpu.memory_space<hbm>> -> memref<100352x16xf32, #tpu.memory_space<hbm>>
      %dma_start3A_51 = arith.constant 0 : i32
      %dma_start3A_52 = arith.constant 0 : i32
      %dma_start3A_53 = tpu.memref_slice %dma_start3A_50[%dma_start3A_51, %dma_start3A_52] : memref<100352x16xf32, #tpu.memory_space<hbm>> -> memref<100352x16xf32, #tpu.memory_space<hbm>>
      tpu.enqueue_indirect_dma source(%dma_start3A_53 : memref<100352x16xf32, #tpu.memory_space<hbm>>) target(%arg10 : memref<768x16xf32, #tpu.memory_space<vmem>>) offsets(%arg6 : memref<768xi32, #tpu.memory_space<vmem>>) semaphore(%arg13 : memref<!tpu.dma_semaphore, #tpu.memory_space<semaphore_mem>>)
      %add3A_54 = arith.constant 6 : i32
      %add3A_55 = arith.addi %add3A_45, %add3A_54 : i32
      %mul3A_56 = arith.constant 128 : i32
      %mul3A_57 = arith.muli %add3A_55, %mul3A_56 : i32
      "tpu.region"() ({
        %run_scoped3A_91 = tpu.sem_alloc : memref<!tpu.dma_semaphore, #tpu.memory_space<semaphore_mem>>
        %dma_start3A_92 = tpu.memref_slice %arg2[%mul3A_57] : memref<1622016xi32, #tpu.memory_space<hbm>> -> memref<768xi32, #tpu.memory_space<hbm>>
        %dma_start3A_93 = tpu.memref_slice %arg2[%mul3A_57] : memref<1622016xi32, #tpu.memory_space<hbm>> -> memref<768xi32, #tpu.memory_space<hbm>>
        tpu.enqueue_dma source(%dma_start3A_93 : memref<768xi32, #tpu.memory_space<hbm>>) target(%arg7 : memref<768xi32, #tpu.memory_space<vmem>>) target_semaphore(%run_scoped3A_91 : memref<!tpu.dma_semaphore, #tpu.memory_space<semaphore_mem>>)
        %dma_wait3A_94 = tpu.memref_slice %arg2[%mul3A_57] : memref<1622016xi32, #tpu.memory_space<hbm>> -> memref<768xi32, #tpu.memory_space<hbm>>
        %dma_wait3A_95 = tpu.memref_slice %arg2[%mul3A_57] : memref<1622016xi32, #tpu.memory_space<hbm>> -> memref<768xi32, #tpu.memory_space<hbm>>
        tpu.wait_dma2 semaphore(%run_scoped3A_91 : memref<!tpu.dma_semaphore, #tpu.memory_space<semaphore_mem>>) src(%dma_wait3A_95 : memref<768xi32, #tpu.memory_space<hbm>>) dst(%arg7 : memref<768xi32, #tpu.memory_space<vmem>>)
        tpu.yield
      }) : () -> ()
      %add3A_58 = arith.constant 6 : i32
      %add3A_59 = arith.addi %add3A_45, %add3A_58 : i32
      "tpu.region"() ({
        %run_scoped3A_91 = tpu.sem_alloc : memref<!tpu.dma_semaphore, #tpu.memory_space<semaphore_mem>>
        %dma_start3A_92 = arith.constant 0 : i32
        %dma_start3A_93 = tpu.memref_slice %arg3[%add3A_59, %dma_start3A_92] : memref<12672x128xi32, #tpu.memory_space<hbm>> -> memref<6x128xi32, #tpu.memory_space<hbm>>
        %dma_start3A_94 = arith.constant 0 : i32
        %dma_start3A_95 = tpu.memref_slice %arg3[%add3A_59, %dma_start3A_94] : memref<12672x128xi32, #tpu.memory_space<hbm>> -> memref<6x128xi32, #tpu.memory_space<hbm>>
        tpu.enqueue_dma source(%dma_start3A_95 : memref<6x128xi32, #tpu.memory_space<hbm>>) target(%arg9 : memref<6x128xi32, #tpu.memory_space<vmem>>) target_semaphore(%run_scoped3A_91 : memref<!tpu.dma_semaphore, #tpu.memory_space<semaphore_mem>>)
        %dma_wait3A_96 = arith.constant 0 : i32
        %dma_wait3A_97 = tpu.memref_slice %arg3[%add3A_59, %dma_wait3A_96] : memref<12672x128xi32, #tpu.memory_space<hbm>> -> memref<6x128xi32, #tpu.memory_space<hbm>>
        %dma_wait3A_98 = arith.constant 0 : i32
        %dma_wait3A_99 = tpu.memref_slice %arg3[%add3A_59, %dma_wait3A_98] : memref<12672x128xi32, #tpu.memory_space<hbm>> -> memref<6x128xi32, #tpu.memory_space<hbm>>
        tpu.wait_dma2 semaphore(%run_scoped3A_91 : memref<!tpu.dma_semaphore, #tpu.memory_space<semaphore_mem>>) src(%dma_wait3A_99 : memref<6x128xi32, #tpu.memory_space<hbm>>) dst(%arg9 : memref<6x128xi32, #tpu.memory_space<vmem>>)
        tpu.yield
      }) : () -> ()
      %dma_wait3A = arith.constant 0 : i32
      %dma_wait3A_60 = arith.constant 0 : i32
      %dma_wait3A_61 = tpu.memref_slice %arg4[%add3A_20, %dma_wait3A, %dma_wait3A_60] : memref<4x100352x16xf32, #tpu.memory_space<hbm>> -> memref<1x100352x16xf32, #tpu.memory_space<hbm>>
      %dma_wait3A_62 = tpu.memref_squeeze %dma_wait3A_61 : memref<1x100352x16xf32, #tpu.memory_space<hbm>> -> memref<100352x16xf32, #tpu.memory_space<hbm>>
      %dma_wait3A_63 = arith.constant 0 : i32
      %dma_wait3A_64 = arith.constant 0 : i32
      %dma_wait3A_65 = tpu.memref_slice %dma_wait3A_62[%dma_wait3A_63, %dma_wait3A_64] : memref<100352x16xf32, #tpu.memory_space<hbm>> -> memref<100352x16xf32, #tpu.memory_space<hbm>>
      tpu.wait_indirect_dma semaphore(%arg13 : memref<!tpu.dma_semaphore, #tpu.memory_space<semaphore_mem>>) src(%dma_wait3A_65 : memref<100352x16xf32, #tpu.memory_space<hbm>>) dst(%arg10 : memref<768x16xf32, #tpu.memory_space<vmem>>)
      %dma_start3A_66 = arith.constant 0 : i32
      %dma_start3A_67 = arith.constant 0 : i32
      %dma_start3A_68 = tpu.memref_slice %arg4[%add3A_20, %dma_start3A_66, %dma_start3A_67] : memref<4x100352x16xf32, #tpu.memory_space<hbm>> -> memref<1x100352x16xf32, #tpu.memory_space<hbm>>
      %dma_start3A_69 = tpu.memref_squeeze %dma_start3A_68 : memref<1x100352x16xf32, #tpu.memory_space<hbm>> -> memref<100352x16xf32, #tpu.memory_space<hbm>>
      %dma_start3A_70 = arith.constant 0 : i32
      %dma_start3A_71 = arith.constant 0 : i32
      %dma_start3A_72 = tpu.memref_slice %dma_start3A_69[%dma_start3A_70, %dma_start3A_71] : memref<100352x16xf32, #tpu.memory_space<hbm>> -> memref<100352x16xf32, #tpu.memory_space<hbm>>
      tpu.enqueue_indirect_dma source(%dma_start3A_72 : memref<100352x16xf32, #tpu.memory_space<hbm>>) target(%arg11 : memref<768x16xf32, #tpu.memory_space<vmem>>) offsets(%arg7 : memref<768xi32, #tpu.memory_space<vmem>>) semaphore(%arg13 : memref<!tpu.dma_semaphore, #tpu.memory_space<semaphore_mem>>)
      %run_scoped3A = arith.constant 0 : i32
      "tpu.region"() ({
        %run_scoped3A_91 = tpu.sem_alloc : memref<!tpu.dma_semaphore, #tpu.memory_space<semaphore_mem>>
        %dma_start3A_92 = arith.constant 0 : i32
        %dma_start3A_93 = arith.constant 0 : i32
        %dma_start3A_94 = tpu.memref_slice %arg10[%dma_start3A_92, %dma_start3A_93] : memref<768x16xf32, #tpu.memory_space<vmem>> -> memref<128x16xf32, #tpu.memory_space<vmem>>
        %dma_start3A_95 = arith.constant 0 : i32
        %dma_start3A_96 = tpu.memref_slice %arg8[%run_scoped3A, %dma_start3A_95] : memref<6x128xi32, #tpu.memory_space<vmem>> -> memref<1x128xi32, #tpu.memory_space<vmem>>
        %dma_start3A_97 = tpu.memref_squeeze %dma_start3A_96 : memref<1x128xi32, #tpu.memory_space<vmem>> -> memref<128xi32, #tpu.memory_space<vmem>>
        %dma_start3A_98 = arith.constant 0 : i32
        %dma_start3A_99 = arith.constant 0 : i32
        %dma_start3A_100 = tpu.memref_slice %arg12[%dma_start3A_98, %dma_start3A_99] : memref<100352x16xf32, #tpu.memory_space<vmem_shared>> -> memref<100352x16xf32, #tpu.memory_space<vmem_shared>>
        tpu.enqueue_indirect_dma source(%dma_start3A_94 : memref<128x16xf32, #tpu.memory_space<vmem>>) target(%dma_start3A_100 : memref<100352x16xf32, #tpu.memory_space<vmem_shared>>) offsets(%dma_start3A_97 : memref<128xi32, #tpu.memory_space<vmem>>) semaphore(%run_scoped3A_91 : memref<!tpu.dma_semaphore, #tpu.memory_space<semaphore_mem>>) {add = true}
        %dma_wait3A_101 = arith.constant 0 : i32
        %dma_wait3A_102 = arith.constant 0 : i32
        %dma_wait3A_103 = tpu.memref_slice %arg10[%dma_wait3A_101, %dma_wait3A_102] : memref<768x16xf32, #tpu.memory_space<vmem>> -> memref<128x16xf32, #tpu.memory_space<vmem>>
        %dma_wait3A_104 = arith.constant 0 : i32
        %dma_wait3A_105 = tpu.memref_slice %arg8[%run_scoped3A, %dma_wait3A_104] : memref<6x128xi32, #tpu.memory_space<vmem>> -> memref<1x128xi32, #tpu.memory_space<vmem>>
        %dma_wait3A_106 = tpu.memref_squeeze %dma_wait3A_105 : memref<1x128xi32, #tpu.memory_space<vmem>> -> memref<128xi32, #tpu.memory_space<vmem>>
        %dma_wait3A_107 = arith.constant 0 : i32
        %dma_wait3A_108 = arith.constant 0 : i32
        %dma_wait3A_109 = tpu.memref_slice %arg12[%dma_wait3A_107, %dma_wait3A_108] : memref<100352x16xf32, #tpu.memory_space<vmem_shared>> -> memref<100352x16xf32, #tpu.memory_space<vmem_shared>>
        tpu.wait_indirect_dma semaphore(%run_scoped3A_91 : memref<!tpu.dma_semaphore, #tpu.memory_space<semaphore_mem>>) src(%dma_wait3A_103 : memref<128x16xf32, #tpu.memory_space<vmem>>) dst(%dma_wait3A_109 : memref<100352x16xf32, #tpu.memory_space<vmem_shared>>)
        tpu.yield
      }) : () -> ()
      %run_scoped3A_73 = arith.constant 1 : i32
      "tpu.region"() ({
        %run_scoped3A_91 = tpu.sem_alloc : memref<!tpu.dma_semaphore, #tpu.memory_space<semaphore_mem>>
        %dma_start3A_92 = arith.constant 128 : i32
        %dma_start3A_93 = arith.constant 0 : i32
        %dma_start3A_94 = tpu.memref_slice %arg10[%dma_start3A_92, %dma_start3A_93] : memref<768x16xf32, #tpu.memory_space<vmem>> -> memref<128x16xf32, #tpu.memory_space<vmem>>
        %dma_start3A_95 = arith.constant 0 : i32
        %dma_start3A_96 = tpu.memref_slice %arg8[%run_scoped3A_73, %dma_start3A_95] : memref<6x128xi32, #tpu.memory_space<vmem>> -> memref<1x128xi32, #tpu.memory_space<vmem>>
        %dma_start3A_97 = tpu.memref_squeeze %dma_start3A_96 : memref<1x128xi32, #tpu.memory_space<vmem>> -> memref<128xi32, #tpu.memory_space<vmem>>
        %dma_start3A_98 = arith.constant 0 : i32
        %dma_start3A_99 = arith.constant 0 : i32
        %dma_start3A_100 = tpu.memref_slice %arg12[%dma_start3A_98, %dma_start3A_99] : memref<100352x16xf32, #tpu.memory_space<vmem_shared>> -> memref<100352x16xf32, #tpu.memory_space<vmem_shared>>
        tpu.enqueue_indirect_dma source(%dma_start3A_94 : memref<128x16xf32, #tpu.memory_space<vmem>>) target(%dma_start3A_100 : memref<100352x16xf32, #tpu.memory_space<vmem_shared>>) offsets(%dma_start3A_97 : memref<128xi32, #tpu.memory_space<vmem>>) semaphore(%run_scoped3A_91 : memref<!tpu.dma_semaphore, #tpu.memory_space<semaphore_mem>>) {add = true}
        %dma_wait3A_101 = arith.constant 128 : i32
        %dma_wait3A_102 = arith.constant 0 : i32
        %dma_wait3A_103 = tpu.memref_slice %arg10[%dma_wait3A_101, %dma_wait3A_102] : memref<768x16xf32, #tpu.memory_space<vmem>> -> memref<128x16xf32, #tpu.memory_space<vmem>>
        %dma_wait3A_104 = arith.constant 0 : i32
        %dma_wait3A_105 = tpu.memref_slice %arg8[%run_scoped3A_73, %dma_wait3A_104] : memref<6x128xi32, #tpu.memory_space<vmem>> -> memref<1x128xi32, #tpu.memory_space<vmem>>
        %dma_wait3A_106 = tpu.memref_squeeze %dma_wait3A_105 : memref<1x128xi32, #tpu.memory_space<vmem>> -> memref<128xi32, #tpu.memory_space<vmem>>
        %dma_wait3A_107 = arith.constant 0 : i32
        %dma_wait3A_108 = arith.constant 0 : i32
        %dma_wait3A_109 = tpu.memref_slice %arg12[%dma_wait3A_107, %dma_wait3A_108] : memref<100352x16xf32, #tpu.memory_space<vmem_shared>> -> memref<100352x16xf32, #tpu.memory_space<vmem_shared>>
        tpu.wait_indirect_dma semaphore(%run_scoped3A_91 : memref<!tpu.dma_semaphore, #tpu.memory_space<semaphore_mem>>) src(%dma_wait3A_103 : memref<128x16xf32, #tpu.memory_space<vmem>>) dst(%dma_wait3A_109 : memref<100352x16xf32, #tpu.memory_space<vmem_shared>>)
        tpu.yield
      }) : () -> ()
      %run_scoped3A_74 = arith.constant 2 : i32
      "tpu.region"() ({
        %run_scoped3A_91 = tpu.sem_alloc : memref<!tpu.dma_semaphore, #tpu.memory_space<semaphore_mem>>
        %dma_start3A_92 = arith.constant 256 : i32
        %dma_start3A_93 = arith.constant 0 : i32
        %dma_start3A_94 = tpu.memref_slice %arg10[%dma_start3A_92, %dma_start3A_93] : memref<768x16xf32, #tpu.memory_space<vmem>> -> memref<128x16xf32, #tpu.memory_space<vmem>>
        %dma_start3A_95 = arith.constant 0 : i32
        %dma_start3A_96 = tpu.memref_slice %arg8[%run_scoped3A_74, %dma_start3A_95] : memref<6x128xi32, #tpu.memory_space<vmem>> -> memref<1x128xi32, #tpu.memory_space<vmem>>
        %dma_start3A_97 = tpu.memref_squeeze %dma_start3A_96 : memref<1x128xi32, #tpu.memory_space<vmem>> -> memref<128xi32, #tpu.memory_space<vmem>>
        %dma_start3A_98 = arith.constant 0 : i32
        %dma_start3A_99 = arith.constant 0 : i32
        %dma_start3A_100 = tpu.memref_slice %arg12[%dma_start3A_98, %dma_start3A_99] : memref<100352x16xf32, #tpu.memory_space<vmem_shared>> -> memref<100352x16xf32, #tpu.memory_space<vmem_shared>>
        tpu.enqueue_indirect_dma source(%dma_start3A_94 : memref<128x16xf32, #tpu.memory_space<vmem>>) target(%dma_start3A_100 : memref<100352x16xf32, #tpu.memory_space<vmem_shared>>) offsets(%dma_start3A_97 : memref<128xi32, #tpu.memory_space<vmem>>) semaphore(%run_scoped3A_91 : memref<!tpu.dma_semaphore, #tpu.memory_space<semaphore_mem>>) {add = true}
        %dma_wait3A_101 = arith.constant 256 : i32
        %dma_wait3A_102 = arith.constant 0 : i32
        %dma_wait3A_103 = tpu.memref_slice %arg10[%dma_wait3A_101, %dma_wait3A_102] : memref<768x16xf32, #tpu.memory_space<vmem>> -> memref<128x16xf32, #tpu.memory_space<vmem>>
        %dma_wait3A_104 = arith.constant 0 : i32
        %dma_wait3A_105 = tpu.memref_slice %arg8[%run_scoped3A_74, %dma_wait3A_104] : memref<6x128xi32, #tpu.memory_space<vmem>> -> memref<1x128xi32, #tpu.memory_space<vmem>>
        %dma_wait3A_106 = tpu.memref_squeeze %dma_wait3A_105 : memref<1x128xi32, #tpu.memory_space<vmem>> -> memref<128xi32, #tpu.memory_space<vmem>>
        %dma_wait3A_107 = arith.constant 0 : i32
        %dma_wait3A_108 = arith.constant 0 : i32
        %dma_wait3A_109 = tpu.memref_slice %arg12[%dma_wait3A_107, %dma_wait3A_108] : memref<100352x16xf32, #tpu.memory_space<vmem_shared>> -> memref<100352x16xf32, #tpu.memory_space<vmem_shared>>
        tpu.wait_indirect_dma semaphore(%run_scoped3A_91 : memref<!tpu.dma_semaphore, #tpu.memory_space<semaphore_mem>>) src(%dma_wait3A_103 : memref<128x16xf32, #tpu.memory_space<vmem>>) dst(%dma_wait3A_109 : memref<100352x16xf32, #tpu.memory_space<vmem_shared>>)
        tpu.yield
      }) : () -> ()
      %run_scoped3A_75 = arith.constant 3 : i32
      "tpu.region"() ({
        %run_scoped3A_91 = tpu.sem_alloc : memref<!tpu.dma_semaphore, #tpu.memory_space<semaphore_mem>>
        %dma_start3A_92 = arith.constant 384 : i32
        %dma_start3A_93 = arith.constant 0 : i32
        %dma_start3A_94 = tpu.memref_slice %arg10[%dma_start3A_92, %dma_start3A_93] : memref<768x16xf32, #tpu.memory_space<vmem>> -> memref<128x16xf32, #tpu.memory_space<vmem>>
        %dma_start3A_95 = arith.constant 0 : i32
        %dma_start3A_96 = tpu.memref_slice %arg8[%run_scoped3A_75, %dma_start3A_95] : memref<6x128xi32, #tpu.memory_space<vmem>> -> memref<1x128xi32, #tpu.memory_space<vmem>>
        %dma_start3A_97 = tpu.memref_squeeze %dma_start3A_96 : memref<1x128xi32, #tpu.memory_space<vmem>> -> memref<128xi32, #tpu.memory_space<vmem>>
        %dma_start3A_98 = arith.constant 0 : i32
        %dma_start3A_99 = arith.constant 0 : i32
        %dma_start3A_100 = tpu.memref_slice %arg12[%dma_start3A_98, %dma_start3A_99] : memref<100352x16xf32, #tpu.memory_space<vmem_shared>> -> memref<100352x16xf32, #tpu.memory_space<vmem_shared>>
        tpu.enqueue_indirect_dma source(%dma_start3A_94 : memref<128x16xf32, #tpu.memory_space<vmem>>) target(%dma_start3A_100 : memref<100352x16xf32, #tpu.memory_space<vmem_shared>>) offsets(%dma_start3A_97 : memref<128xi32, #tpu.memory_space<vmem>>) semaphore(%run_scoped3A_91 : memref<!tpu.dma_semaphore, #tpu.memory_space<semaphore_mem>>) {add = true}
        %dma_wait3A_101 = arith.constant 384 : i32
        %dma_wait3A_102 = arith.constant 0 : i32
        %dma_wait3A_103 = tpu.memref_slice %arg10[%dma_wait3A_101, %dma_wait3A_102] : memref<768x16xf32, #tpu.memory_space<vmem>> -> memref<128x16xf32, #tpu.memory_space<vmem>>
        %dma_wait3A_104 = arith.constant 0 : i32
        %dma_wait3A_105 = tpu.memref_slice %arg8[%run_scoped3A_75, %dma_wait3A_104] : memref<6x128xi32, #tpu.memory_space<vmem>> -> memref<1x128xi32, #tpu.memory_space<vmem>>
        %dma_wait3A_106 = tpu.memref_squeeze %dma_wait3A_105 : memref<1x128xi32, #tpu.memory_space<vmem>> -> memref<128xi32, #tpu.memory_space<vmem>>
        %dma_wait3A_107 = arith.constant 0 : i32
        %dma_wait3A_108 = arith.constant 0 : i32
        %dma_wait3A_109 = tpu.memref_slice %arg12[%dma_wait3A_107, %dma_wait3A_108] : memref<100352x16xf32, #tpu.memory_space<vmem_shared>> -> memref<100352x16xf32, #tpu.memory_space<vmem_shared>>
        tpu.wait_indirect_dma semaphore(%run_scoped3A_91 : memref<!tpu.dma_semaphore, #tpu.memory_space<semaphore_mem>>) src(%dma_wait3A_103 : memref<128x16xf32, #tpu.memory_space<vmem>>) dst(%dma_wait3A_109 : memref<100352x16xf32, #tpu.memory_space<vmem_shared>>)
        tpu.yield
      }) : () -> ()
      %run_scoped3A_76 = arith.constant 4 : i32
      "tpu.region"() ({
        %run_scoped3A_91 = tpu.sem_alloc : memref<!tpu.dma_semaphore, #tpu.memory_space<semaphore_mem>>
        %dma_start3A_92 = arith.constant 512 : i32
        %dma_start3A_93 = arith.constant 0 : i32
        %dma_start3A_94 = tpu.memref_slice %arg10[%dma_start3A_92, %dma_start3A_93] : memref<768x16xf32, #tpu.memory_space<vmem>> -> memref<128x16xf32, #tpu.memory_space<vmem>>
        %dma_start3A_95 = arith.constant 0 : i32
        %dma_start3A_96 = tpu.memref_slice %arg8[%run_scoped3A_76, %dma_start3A_95] : memref<6x128xi32, #tpu.memory_space<vmem>> -> memref<1x128xi32, #tpu.memory_space<vmem>>
        %dma_start3A_97 = tpu.memref_squeeze %dma_start3A_96 : memref<1x128xi32, #tpu.memory_space<vmem>> -> memref<128xi32, #tpu.memory_space<vmem>>
        %dma_start3A_98 = arith.constant 0 : i32
        %dma_start3A_99 = arith.constant 0 : i32
        %dma_start3A_100 = tpu.memref_slice %arg12[%dma_start3A_98, %dma_start3A_99] : memref<100352x16xf32, #tpu.memory_space<vmem_shared>> -> memref<100352x16xf32, #tpu.memory_space<vmem_shared>>
        tpu.enqueue_indirect_dma source(%dma_start3A_94 : memref<128x16xf32, #tpu.memory_space<vmem>>) target(%dma_start3A_100 : memref<100352x16xf32, #tpu.memory_space<vmem_shared>>) offsets(%dma_start3A_97 : memref<128xi32, #tpu.memory_space<vmem>>) semaphore(%run_scoped3A_91 : memref<!tpu.dma_semaphore, #tpu.memory_space<semaphore_mem>>) {add = true}
        %dma_wait3A_101 = arith.constant 512 : i32
        %dma_wait3A_102 = arith.constant 0 : i32
        %dma_wait3A_103 = tpu.memref_slice %arg10[%dma_wait3A_101, %dma_wait3A_102] : memref<768x16xf32, #tpu.memory_space<vmem>> -> memref<128x16xf32, #tpu.memory_space<vmem>>
        %dma_wait3A_104 = arith.constant 0 : i32
        %dma_wait3A_105 = tpu.memref_slice %arg8[%run_scoped3A_76, %dma_wait3A_104] : memref<6x128xi32, #tpu.memory_space<vmem>> -> memref<1x128xi32, #tpu.memory_space<vmem>>
        %dma_wait3A_106 = tpu.memref_squeeze %dma_wait3A_105 : memref<1x128xi32, #tpu.memory_space<vmem>> -> memref<128xi32, #tpu.memory_space<vmem>>
        %dma_wait3A_107 = arith.constant 0 : i32
        %dma_wait3A_108 = arith.constant 0 : i32
        %dma_wait3A_109 = tpu.memref_slice %arg12[%dma_wait3A_107, %dma_wait3A_108] : memref<100352x16xf32, #tpu.memory_space<vmem_shared>> -> memref<100352x16xf32, #tpu.memory_space<vmem_shared>>
        tpu.wait_indirect_dma semaphore(%run_scoped3A_91 : memref<!tpu.dma_semaphore, #tpu.memory_space<semaphore_mem>>) src(%dma_wait3A_103 : memref<128x16xf32, #tpu.memory_space<vmem>>) dst(%dma_wait3A_109 : memref<100352x16xf32, #tpu.memory_space<vmem_shared>>)
        tpu.yield
      }) : () -> ()
      %run_scoped3A_77 = arith.constant 5 : i32
      "tpu.region"() ({
        %run_scoped3A_91 = tpu.sem_alloc : memref<!tpu.dma_semaphore, #tpu.memory_space<semaphore_mem>>
        %dma_start3A_92 = arith.constant 640 : i32
        %dma_start3A_93 = arith.constant 0 : i32
        %dma_start3A_94 = tpu.memref_slice %arg10[%dma_start3A_92, %dma_start3A_93] : memref<768x16xf32, #tpu.memory_space<vmem>> -> memref<128x16xf32, #tpu.memory_space<vmem>>
        %dma_start3A_95 = arith.constant 0 : i32
        %dma_start3A_96 = tpu.memref_slice %arg8[%run_scoped3A_77, %dma_start3A_95] : memref<6x128xi32, #tpu.memory_space<vmem>> -> memref<1x128xi32, #tpu.memory_space<vmem>>
        %dma_start3A_97 = tpu.memref_squeeze %dma_start3A_96 : memref<1x128xi32, #tpu.memory_space<vmem>> -> memref<128xi32, #tpu.memory_space<vmem>>
        %dma_start3A_98 = arith.constant 0 : i32
        %dma_start3A_99 = arith.constant 0 : i32
        %dma_start3A_100 = tpu.memref_slice %arg12[%dma_start3A_98, %dma_start3A_99] : memref<100352x16xf32, #tpu.memory_space<vmem_shared>> -> memref<100352x16xf32, #tpu.memory_space<vmem_shared>>
        tpu.enqueue_indirect_dma source(%dma_start3A_94 : memref<128x16xf32, #tpu.memory_space<vmem>>) target(%dma_start3A_100 : memref<100352x16xf32, #tpu.memory_space<vmem_shared>>) offsets(%dma_start3A_97 : memref<128xi32, #tpu.memory_space<vmem>>) semaphore(%run_scoped3A_91 : memref<!tpu.dma_semaphore, #tpu.memory_space<semaphore_mem>>) {add = true}
        %dma_wait3A_101 = arith.constant 640 : i32
        %dma_wait3A_102 = arith.constant 0 : i32
        %dma_wait3A_103 = tpu.memref_slice %arg10[%dma_wait3A_101, %dma_wait3A_102] : memref<768x16xf32, #tpu.memory_space<vmem>> -> memref<128x16xf32, #tpu.memory_space<vmem>>
        %dma_wait3A_104 = arith.constant 0 : i32
        %dma_wait3A_105 = tpu.memref_slice %arg8[%run_scoped3A_77, %dma_wait3A_104] : memref<6x128xi32, #tpu.memory_space<vmem>> -> memref<1x128xi32, #tpu.memory_space<vmem>>
        %dma_wait3A_106 = tpu.memref_squeeze %dma_wait3A_105 : memref<1x128xi32, #tpu.memory_space<vmem>> -> memref<128xi32, #tpu.memory_space<vmem>>
        %dma_wait3A_107 = arith.constant 0 : i32
        %dma_wait3A_108 = arith.constant 0 : i32
        %dma_wait3A_109 = tpu.memref_slice %arg12[%dma_wait3A_107, %dma_wait3A_108] : memref<100352x16xf32, #tpu.memory_space<vmem_shared>> -> memref<100352x16xf32, #tpu.memory_space<vmem_shared>>
        tpu.wait_indirect_dma semaphore(%run_scoped3A_91 : memref<!tpu.dma_semaphore, #tpu.memory_space<semaphore_mem>>) src(%dma_wait3A_103 : memref<128x16xf32, #tpu.memory_space<vmem>>) dst(%dma_wait3A_109 : memref<100352x16xf32, #tpu.memory_space<vmem_shared>>)
        tpu.yield
      }) : () -> ()
      %dma_wait3A_78 = arith.constant 0 : i32
      %dma_wait3A_79 = arith.constant 0 : i32
      %dma_wait3A_80 = tpu.memref_slice %arg4[%add3A_20, %dma_wait3A_78, %dma_wait3A_79] : memref<4x100352x16xf32, #tpu.memory_space<hbm>> -> memref<1x100352x16xf32, #tpu.memory_space<hbm>>
      %dma_wait3A_81 = tpu.memref_squeeze %dma_wait3A_80 : memref<1x100352x16xf32, #tpu.memory_space<hbm>> -> memref<100352x16xf32, #tpu.memory_space<hbm>>
      %dma_wait3A_82 = arith.constant 0 : i32
      %dma_wait3A_83 = arith.constant 0 : i32
      %dma_wait3A_84 = tpu.memref_slice %dma_wait3A_81[%dma_wait3A_82, %dma_wait3A_83] : memref<100352x16xf32, #tpu.memory_space<hbm>> -> memref<100352x16xf32, #tpu.memory_space<hbm>>
      tpu.wait_indirect_dma semaphore(%arg13 : memref<!tpu.dma_semaphore, #tpu.memory_space<semaphore_mem>>) src(%dma_wait3A_84 : memref<100352x16xf32, #tpu.memory_space<hbm>>) dst(%arg11 : memref<768x16xf32, #tpu.memory_space<vmem>>)
      %run_scoped3A_85 = arith.constant 0 : i32
      "tpu.region"() ({
        %run_scoped3A_91 = tpu.sem_alloc : memref<!tpu.dma_semaphore, #tpu.memory_space<semaphore_mem>>
        %dma_start3A_92 = arith.constant 0 : i32
        %dma_start3A_93 = arith.constant 0 : i32
        %dma_start3A_94 = tpu.memref_slice %arg11[%dma_start3A_92, %dma_start3A_93] : memref<768x16xf32, #tpu.memory_space<vmem>> -> memref<128x16xf32, #tpu.memory_space<vmem>>
        %dma_start3A_95 = arith.constant 0 : i32
        %dma_start3A_96 = tpu.memref_slice %arg9[%run_scoped3A_85, %dma_start3A_95] : memref<6x128xi32, #tpu.memory_space<vmem>> -> memref<1x128xi32, #tpu.memory_space<vmem>>
        %dma_start3A_97 = tpu.memref_squeeze %dma_start3A_96 : memref<1x128xi32, #tpu.memory_space<vmem>> -> memref<128xi32, #tpu.memory_space<vmem>>
        %dma_start3A_98 = arith.constant 0 : i32
        %dma_start3A_99 = arith.constant 0 : i32
        %dma_start3A_100 = tpu.memref_slice %arg12[%dma_start3A_98, %dma_start3A_99] : memref<100352x16xf32, #tpu.memory_space<vmem_shared>> -> memref<100352x16xf32, #tpu.memory_space<vmem_shared>>
        tpu.enqueue_indirect_dma source(%dma_start3A_94 : memref<128x16xf32, #tpu.memory_space<vmem>>) target(%dma_start3A_100 : memref<100352x16xf32, #tpu.memory_space<vmem_shared>>) offsets(%dma_start3A_97 : memref<128xi32, #tpu.memory_space<vmem>>) semaphore(%run_scoped3A_91 : memref<!tpu.dma_semaphore, #tpu.memory_space<semaphore_mem>>) {add = true}
        %dma_wait3A_101 = arith.constant 0 : i32
        %dma_wait3A_102 = arith.constant 0 : i32
        %dma_wait3A_103 = tpu.memref_slice %arg11[%dma_wait3A_101, %dma_wait3A_102] : memref<768x16xf32, #tpu.memory_space<vmem>> -> memref<128x16xf32, #tpu.memory_space<vmem>>
        %dma_wait3A_104 = arith.constant 0 : i32
        %dma_wait3A_105 = tpu.memref_slice %arg9[%run_scoped3A_85, %dma_wait3A_104] : memref<6x128xi32, #tpu.memory_space<vmem>> -> memref<1x128xi32, #tpu.memory_space<vmem>>
        %dma_wait3A_106 = tpu.memref_squeeze %dma_wait3A_105 : memref<1x128xi32, #tpu.memory_space<vmem>> -> memref<128xi32, #tpu.memory_space<vmem>>
        %dma_wait3A_107 = arith.constant 0 : i32
        %dma_wait3A_108 = arith.constant 0 : i32
        %dma_wait3A_109 = tpu.memref_slice %arg12[%dma_wait3A_107, %dma_wait3A_108] : memref<100352x16xf32, #tpu.memory_space<vmem_shared>> -> memref<100352x16xf32, #tpu.memory_space<vmem_shared>>
        tpu.wait_indirect_dma semaphore(%run_scoped3A_91 : memref<!tpu.dma_semaphore, #tpu.memory_space<semaphore_mem>>) src(%dma_wait3A_103 : memref<128x16xf32, #tpu.memory_space<vmem>>) dst(%dma_wait3A_109 : memref<100352x16xf32, #tpu.memory_space<vmem_shared>>)
        tpu.yield
      }) : () -> ()
      %run_scoped3A_86 = arith.constant 1 : i32
      "tpu.region"() ({
        %run_scoped3A_91 = tpu.sem_alloc : memref<!tpu.dma_semaphore, #tpu.memory_space<semaphore_mem>>
        %dma_start3A_92 = arith.constant 128 : i32
        %dma_start3A_93 = arith.constant 0 : i32
        %dma_start3A_94 = tpu.memref_slice %arg11[%dma_start3A_92, %dma_start3A_93] : memref<768x16xf32, #tpu.memory_space<vmem>> -> memref<128x16xf32, #tpu.memory_space<vmem>>
        %dma_start3A_95 = arith.constant 0 : i32
        %dma_start3A_96 = tpu.memref_slice %arg9[%run_scoped3A_86, %dma_start3A_95] : memref<6x128xi32, #tpu.memory_space<vmem>> -> memref<1x128xi32, #tpu.memory_space<vmem>>
        %dma_start3A_97 = tpu.memref_squeeze %dma_start3A_96 : memref<1x128xi32, #tpu.memory_space<vmem>> -> memref<128xi32, #tpu.memory_space<vmem>>
        %dma_start3A_98 = arith.constant 0 : i32
        %dma_start3A_99 = arith.constant 0 : i32
        %dma_start3A_100 = tpu.memref_slice %arg12[%dma_start3A_98, %dma_start3A_99] : memref<100352x16xf32, #tpu.memory_space<vmem_shared>> -> memref<100352x16xf32, #tpu.memory_space<vmem_shared>>
        tpu.enqueue_indirect_dma source(%dma_start3A_94 : memref<128x16xf32, #tpu.memory_space<vmem>>) target(%dma_start3A_100 : memref<100352x16xf32, #tpu.memory_space<vmem_shared>>) offsets(%dma_start3A_97 : memref<128xi32, #tpu.memory_space<vmem>>) semaphore(%run_scoped3A_91 : memref<!tpu.dma_semaphore, #tpu.memory_space<semaphore_mem>>) {add = true}
        %dma_wait3A_101 = arith.constant 128 : i32
        %dma_wait3A_102 = arith.constant 0 : i32
        %dma_wait3A_103 = tpu.memref_slice %arg11[%dma_wait3A_101, %dma_wait3A_102] : memref<768x16xf32, #tpu.memory_space<vmem>> -> memref<128x16xf32, #tpu.memory_space<vmem>>
        %dma_wait3A_104 = arith.constant 0 : i32
        %dma_wait3A_105 = tpu.memref_slice %arg9[%run_scoped3A_86, %dma_wait3A_104] : memref<6x128xi32, #tpu.memory_space<vmem>> -> memref<1x128xi32, #tpu.memory_space<vmem>>
        %dma_wait3A_106 = tpu.memref_squeeze %dma_wait3A_105 : memref<1x128xi32, #tpu.memory_space<vmem>> -> memref<128xi32, #tpu.memory_space<vmem>>
        %dma_wait3A_107 = arith.constant 0 : i32
        %dma_wait3A_108 = arith.constant 0 : i32
        %dma_wait3A_109 = tpu.memref_slice %arg12[%dma_wait3A_107, %dma_wait3A_108] : memref<100352x16xf32, #tpu.memory_space<vmem_shared>> -> memref<100352x16xf32, #tpu.memory_space<vmem_shared>>
        tpu.wait_indirect_dma semaphore(%run_scoped3A_91 : memref<!tpu.dma_semaphore, #tpu.memory_space<semaphore_mem>>) src(%dma_wait3A_103 : memref<128x16xf32, #tpu.memory_space<vmem>>) dst(%dma_wait3A_109 : memref<100352x16xf32, #tpu.memory_space<vmem_shared>>)
        tpu.yield
      }) : () -> ()
      %run_scoped3A_87 = arith.constant 2 : i32
      "tpu.region"() ({
        %run_scoped3A_91 = tpu.sem_alloc : memref<!tpu.dma_semaphore, #tpu.memory_space<semaphore_mem>>
        %dma_start3A_92 = arith.constant 256 : i32
        %dma_start3A_93 = arith.constant 0 : i32
        %dma_start3A_94 = tpu.memref_slice %arg11[%dma_start3A_92, %dma_start3A_93] : memref<768x16xf32, #tpu.memory_space<vmem>> -> memref<128x16xf32, #tpu.memory_space<vmem>>
        %dma_start3A_95 = arith.constant 0 : i32
        %dma_start3A_96 = tpu.memref_slice %arg9[%run_scoped3A_87, %dma_start3A_95] : memref<6x128xi32, #tpu.memory_space<vmem>> -> memref<1x128xi32, #tpu.memory_space<vmem>>
        %dma_start3A_97 = tpu.memref_squeeze %dma_start3A_96 : memref<1x128xi32, #tpu.memory_space<vmem>> -> memref<128xi32, #tpu.memory_space<vmem>>
        %dma_start3A_98 = arith.constant 0 : i32
        %dma_start3A_99 = arith.constant 0 : i32
        %dma_start3A_100 = tpu.memref_slice %arg12[%dma_start3A_98, %dma_start3A_99] : memref<100352x16xf32, #tpu.memory_space<vmem_shared>> -> memref<100352x16xf32, #tpu.memory_space<vmem_shared>>
        tpu.enqueue_indirect_dma source(%dma_start3A_94 : memref<128x16xf32, #tpu.memory_space<vmem>>) target(%dma_start3A_100 : memref<100352x16xf32, #tpu.memory_space<vmem_shared>>) offsets(%dma_start3A_97 : memref<128xi32, #tpu.memory_space<vmem>>) semaphore(%run_scoped3A_91 : memref<!tpu.dma_semaphore, #tpu.memory_space<semaphore_mem>>) {add = true}
        %dma_wait3A_101 = arith.constant 256 : i32
        %dma_wait3A_102 = arith.constant 0 : i32
        %dma_wait3A_103 = tpu.memref_slice %arg11[%dma_wait3A_101, %dma_wait3A_102] : memref<768x16xf32, #tpu.memory_space<vmem>> -> memref<128x16xf32, #tpu.memory_space<vmem>>
        %dma_wait3A_104 = arith.constant 0 : i32
        %dma_wait3A_105 = tpu.memref_slice %arg9[%run_scoped3A_87, %dma_wait3A_104] : memref<6x128xi32, #tpu.memory_space<vmem>> -> memref<1x128xi32, #tpu.memory_space<vmem>>
        %dma_wait3A_106 = tpu.memref_squeeze %dma_wait3A_105 : memref<1x128xi32, #tpu.memory_space<vmem>> -> memref<128xi32, #tpu.memory_space<vmem>>
        %dma_wait3A_107 = arith.constant 0 : i32
        %dma_wait3A_108 = arith.constant 0 : i32
        %dma_wait3A_109 = tpu.memref_slice %arg12[%dma_wait3A_107, %dma_wait3A_108] : memref<100352x16xf32, #tpu.memory_space<vmem_shared>> -> memref<100352x16xf32, #tpu.memory_space<vmem_shared>>
        tpu.wait_indirect_dma semaphore(%run_scoped3A_91 : memref<!tpu.dma_semaphore, #tpu.memory_space<semaphore_mem>>) src(%dma_wait3A_103 : memref<128x16xf32, #tpu.memory_space<vmem>>) dst(%dma_wait3A_109 : memref<100352x16xf32, #tpu.memory_space<vmem_shared>>)
        tpu.yield
      }) : () -> ()
      %run_scoped3A_88 = arith.constant 3 : i32
      "tpu.region"() ({
        %run_scoped3A_91 = tpu.sem_alloc : memref<!tpu.dma_semaphore, #tpu.memory_space<semaphore_mem>>
        %dma_start3A_92 = arith.constant 384 : i32
        %dma_start3A_93 = arith.constant 0 : i32
        %dma_start3A_94 = tpu.memref_slice %arg11[%dma_start3A_92, %dma_start3A_93] : memref<768x16xf32, #tpu.memory_space<vmem>> -> memref<128x16xf32, #tpu.memory_space<vmem>>
        %dma_start3A_95 = arith.constant 0 : i32
        %dma_start3A_96 = tpu.memref_slice %arg9[%run_scoped3A_88, %dma_start3A_95] : memref<6x128xi32, #tpu.memory_space<vmem>> -> memref<1x128xi32, #tpu.memory_space<vmem>>
        %dma_start3A_97 = tpu.memref_squeeze %dma_start3A_96 : memref<1x128xi32, #tpu.memory_space<vmem>> -> memref<128xi32, #tpu.memory_space<vmem>>
        %dma_start3A_98 = arith.constant 0 : i32
        %dma_start3A_99 = arith.constant 0 : i32
        %dma_start3A_100 = tpu.memref_slice %arg12[%dma_start3A_98, %dma_start3A_99] : memref<100352x16xf32, #tpu.memory_space<vmem_shared>> -> memref<100352x16xf32, #tpu.memory_space<vmem_shared>>
        tpu.enqueue_indirect_dma source(%dma_start3A_94 : memref<128x16xf32, #tpu.memory_space<vmem>>) target(%dma_start3A_100 : memref<100352x16xf32, #tpu.memory_space<vmem_shared>>) offsets(%dma_start3A_97 : memref<128xi32, #tpu.memory_space<vmem>>) semaphore(%run_scoped3A_91 : memref<!tpu.dma_semaphore, #tpu.memory_space<semaphore_mem>>) {add = true}
        %dma_wait3A_101 = arith.constant 384 : i32
        %dma_wait3A_102 = arith.constant 0 : i32
        %dma_wait3A_103 = tpu.memref_slice %arg11[%dma_wait3A_101, %dma_wait3A_102] : memref<768x16xf32, #tpu.memory_space<vmem>> -> memref<128x16xf32, #tpu.memory_space<vmem>>
        %dma_wait3A_104 = arith.constant 0 : i32
        %dma_wait3A_105 = tpu.memref_slice %arg9[%run_scoped3A_88, %dma_wait3A_104] : memref<6x128xi32, #tpu.memory_space<vmem>> -> memref<1x128xi32, #tpu.memory_space<vmem>>
        %dma_wait3A_106 = tpu.memref_squeeze %dma_wait3A_105 : memref<1x128xi32, #tpu.memory_space<vmem>> -> memref<128xi32, #tpu.memory_space<vmem>>
        %dma_wait3A_107 = arith.constant 0 : i32
        %dma_wait3A_108 = arith.constant 0 : i32
        %dma_wait3A_109 = tpu.memref_slice %arg12[%dma_wait3A_107, %dma_wait3A_108] : memref<100352x16xf32, #tpu.memory_space<vmem_shared>> -> memref<100352x16xf32, #tpu.memory_space<vmem_shared>>
        tpu.wait_indirect_dma semaphore(%run_scoped3A_91 : memref<!tpu.dma_semaphore, #tpu.memory_space<semaphore_mem>>) src(%dma_wait3A_103 : memref<128x16xf32, #tpu.memory_space<vmem>>) dst(%dma_wait3A_109 : memref<100352x16xf32, #tpu.memory_space<vmem_shared>>)
        tpu.yield
      }) : () -> ()
      %run_scoped3A_89 = arith.constant 4 : i32
      "tpu.region"() ({
        %run_scoped3A_91 = tpu.sem_alloc : memref<!tpu.dma_semaphore, #tpu.memory_space<semaphore_mem>>
        %dma_start3A_92 = arith.constant 512 : i32
        %dma_start3A_93 = arith.constant 0 : i32
        %dma_start3A_94 = tpu.memref_slice %arg11[%dma_start3A_92, %dma_start3A_93] : memref<768x16xf32, #tpu.memory_space<vmem>> -> memref<128x16xf32, #tpu.memory_space<vmem>>
        %dma_start3A_95 = arith.constant 0 : i32
        %dma_start3A_96 = tpu.memref_slice %arg9[%run_scoped3A_89, %dma_start3A_95] : memref<6x128xi32, #tpu.memory_space<vmem>> -> memref<1x128xi32, #tpu.memory_space<vmem>>
        %dma_start3A_97 = tpu.memref_squeeze %dma_start3A_96 : memref<1x128xi32, #tpu.memory_space<vmem>> -> memref<128xi32, #tpu.memory_space<vmem>>
        %dma_start3A_98 = arith.constant 0 : i32
        %dma_start3A_99 = arith.constant 0 : i32
        %dma_start3A_100 = tpu.memref_slice %arg12[%dma_start3A_98, %dma_start3A_99] : memref<100352x16xf32, #tpu.memory_space<vmem_shared>> -> memref<100352x16xf32, #tpu.memory_space<vmem_shared>>
        tpu.enqueue_indirect_dma source(%dma_start3A_94 : memref<128x16xf32, #tpu.memory_space<vmem>>) target(%dma_start3A_100 : memref<100352x16xf32, #tpu.memory_space<vmem_shared>>) offsets(%dma_start3A_97 : memref<128xi32, #tpu.memory_space<vmem>>) semaphore(%run_scoped3A_91 : memref<!tpu.dma_semaphore, #tpu.memory_space<semaphore_mem>>) {add = true}
        %dma_wait3A_101 = arith.constant 512 : i32
        %dma_wait3A_102 = arith.constant 0 : i32
        %dma_wait3A_103 = tpu.memref_slice %arg11[%dma_wait3A_101, %dma_wait3A_102] : memref<768x16xf32, #tpu.memory_space<vmem>> -> memref<128x16xf32, #tpu.memory_space<vmem>>
        %dma_wait3A_104 = arith.constant 0 : i32
        %dma_wait3A_105 = tpu.memref_slice %arg9[%run_scoped3A_89, %dma_wait3A_104] : memref<6x128xi32, #tpu.memory_space<vmem>> -> memref<1x128xi32, #tpu.memory_space<vmem>>
        %dma_wait3A_106 = tpu.memref_squeeze %dma_wait3A_105 : memref<1x128xi32, #tpu.memory_space<vmem>> -> memref<128xi32, #tpu.memory_space<vmem>>
        %dma_wait3A_107 = arith.constant 0 : i32
        %dma_wait3A_108 = arith.constant 0 : i32
        %dma_wait3A_109 = tpu.memref_slice %arg12[%dma_wait3A_107, %dma_wait3A_108] : memref<100352x16xf32, #tpu.memory_space<vmem_shared>> -> memref<100352x16xf32, #tpu.memory_space<vmem_shared>>
        tpu.wait_indirect_dma semaphore(%run_scoped3A_91 : memref<!tpu.dma_semaphore, #tpu.memory_space<semaphore_mem>>) src(%dma_wait3A_103 : memref<128x16xf32, #tpu.memory_space<vmem>>) dst(%dma_wait3A_109 : memref<100352x16xf32, #tpu.memory_space<vmem_shared>>)
        tpu.yield
      }) : () -> ()
      %run_scoped3A_90 = arith.constant 5 : i32
      "tpu.region"() ({
        %run_scoped3A_91 = tpu.sem_alloc : memref<!tpu.dma_semaphore, #tpu.memory_space<semaphore_mem>>
        %dma_start3A_92 = arith.constant 640 : i32
        %dma_start3A_93 = arith.constant 0 : i32
        %dma_start3A_94 = tpu.memref_slice %arg11[%dma_start3A_92, %dma_start3A_93] : memref<768x16xf32, #tpu.memory_space<vmem>> -> memref<128x16xf32, #tpu.memory_space<vmem>>
        %dma_start3A_95 = arith.constant 0 : i32
        %dma_start3A_96 = tpu.memref_slice %arg9[%run_scoped3A_90, %dma_start3A_95] : memref<6x128xi32, #tpu.memory_space<vmem>> -> memref<1x128xi32, #tpu.memory_space<vmem>>
        %dma_start3A_97 = tpu.memref_squeeze %dma_start3A_96 : memref<1x128xi32, #tpu.memory_space<vmem>> -> memref<128xi32, #tpu.memory_space<vmem>>
        %dma_start3A_98 = arith.constant 0 : i32
        %dma_start3A_99 = arith.constant 0 : i32
        %dma_start3A_100 = tpu.memref_slice %arg12[%dma_start3A_98, %dma_start3A_99] : memref<100352x16xf32, #tpu.memory_space<vmem_shared>> -> memref<100352x16xf32, #tpu.memory_space<vmem_shared>>
        tpu.enqueue_indirect_dma source(%dma_start3A_94 : memref<128x16xf32, #tpu.memory_space<vmem>>) target(%dma_start3A_100 : memref<100352x16xf32, #tpu.memory_space<vmem_shared>>) offsets(%dma_start3A_97 : memref<128xi32, #tpu.memory_space<vmem>>) semaphore(%run_scoped3A_91 : memref<!tpu.dma_semaphore, #tpu.memory_space<semaphore_mem>>) {add = true}
        %dma_wait3A_101 = arith.constant 640 : i32
        %dma_wait3A_102 = arith.constant 0 : i32
        %dma_wait3A_103 = tpu.memref_slice %arg11[%dma_wait3A_101, %dma_wait3A_102] : memref<768x16xf32, #tpu.memory_space<vmem>> -> memref<128x16xf32, #tpu.memory_space<vmem>>
        %dma_wait3A_104 = arith.constant 0 : i32
        %dma_wait3A_105 = tpu.memref_slice %arg9[%run_scoped3A_90, %dma_wait3A_104] : memref<6x128xi32, #tpu.memory_space<vmem>> -> memref<1x128xi32, #tpu.memory_space<vmem>>
        %dma_wait3A_106 = tpu.memref_squeeze %dma_wait3A_105 : memref<1x128xi32, #tpu.memory_space<vmem>> -> memref<128xi32, #tpu.memory_space<vmem>>
        %dma_wait3A_107 = arith.constant 0 : i32
        %dma_wait3A_108 = arith.constant 0 : i32
        %dma_wait3A_109 = tpu.memref_slice %arg12[%dma_wait3A_107, %dma_wait3A_108] : memref<100352x16xf32, #tpu.memory_space<vmem_shared>> -> memref<100352x16xf32, #tpu.memory_space<vmem_shared>>
        tpu.wait_indirect_dma semaphore(%run_scoped3A_91 : memref<!tpu.dma_semaphore, #tpu.memory_space<semaphore_mem>>) src(%dma_wait3A_103 : memref<128x16xf32, #tpu.memory_space<vmem>>) dst(%dma_wait3A_109 : memref<100352x16xf32, #tpu.memory_space<vmem_shared>>)
        tpu.yield
      }) : () -> ()
    }
    %scan3A_31 = arith.constant 66 : i32
    %barrier3A_32 = arith.constant 0 : index
    tpu.barrier barrier_id(%barrier3A_32)
    %mul3A_33 = arith.constant 6272 : i32
    %mul3A_34 = arith.muli %arg1, %mul3A_33 : i32
    %mul3A_35 = arith.constant 6272 : i32
    %mul3A_36 = arith.muli %arg1, %mul3A_35 : i32
    "tpu.region"() ({
      %run_scoped3A = tpu.sem_alloc : memref<!tpu.dma_semaphore, #tpu.memory_space<semaphore_mem>>
      %dma_start3A = arith.constant 0 : i32
      %dma_start3A_38 = arith.constant 0 : i32
      %dma_start3A_39 = tpu.memref_slice %arg5[%add3A_20, %dma_start3A, %dma_start3A_38] : memref<4x100352x16xf32, #tpu.memory_space<hbm>> -> memref<1x100352x16xf32, #tpu.memory_space<hbm>>
      %dma_start3A_40 = tpu.memref_squeeze %dma_start3A_39 : memref<1x100352x16xf32, #tpu.memory_space<hbm>> -> memref<100352x16xf32, #tpu.memory_space<hbm>>
      %dma_start3A_41 = arith.constant 0 : i32
      %dma_start3A_42 = tpu.memref_slice %dma_start3A_40[%mul3A_36, %dma_start3A_41] : memref<100352x16xf32, #tpu.memory_space<hbm>> -> memref<6272x16xf32, #tpu.memory_space<hbm>>
      %dma_start3A_43 = arith.constant 0 : i32
      %dma_start3A_44 = tpu.memref_slice %arg12[%mul3A_34, %dma_start3A_43] : memref<100352x16xf32, #tpu.memory_space<vmem_shared>> -> memref<6272x16xf32, #tpu.memory_space<vmem_shared>>
      tpu.enqueue_dma source(%dma_start3A_44 : memref<6272x16xf32, #tpu.memory_space<vmem_shared>>) target(%dma_start3A_42 : memref<6272x16xf32, #tpu.memory_space<hbm>>) target_semaphore(%run_scoped3A : memref<!tpu.dma_semaphore, #tpu.memory_space<semaphore_mem>>)
      %dma_wait3A = arith.constant 0 : i32
      %dma_wait3A_45 = arith.constant 0 : i32
      %dma_wait3A_46 = tpu.memref_slice %arg5[%add3A_20, %dma_wait3A, %dma_wait3A_45] : memref<4x100352x16xf32, #tpu.memory_space<hbm>> -> memref<1x100352x16xf32, #tpu.memory_space<hbm>>
      %dma_wait3A_47 = tpu.memref_squeeze %dma_wait3A_46 : memref<1x100352x16xf32, #tpu.memory_space<hbm>> -> memref<100352x16xf32, #tpu.memory_space<hbm>>
      %dma_wait3A_48 = arith.constant 0 : i32
      %dma_wait3A_49 = tpu.memref_slice %dma_wait3A_47[%mul3A_36, %dma_wait3A_48] : memref<100352x16xf32, #tpu.memory_space<hbm>> -> memref<6272x16xf32, #tpu.memory_space<hbm>>
      %dma_wait3A_50 = arith.constant 0 : i32
      %dma_wait3A_51 = tpu.memref_slice %arg12[%mul3A_34, %dma_wait3A_50] : memref<100352x16xf32, #tpu.memory_space<vmem_shared>> -> memref<6272x16xf32, #tpu.memory_space<vmem_shared>>
      tpu.wait_dma2 semaphore(%run_scoped3A : memref<!tpu.dma_semaphore, #tpu.memory_space<semaphore_mem>>) src(%dma_wait3A_51 : memref<6272x16xf32, #tpu.memory_space<vmem_shared>>) dst(%dma_wait3A_49 : memref<6272x16xf32, #tpu.memory_space<hbm>>)
      tpu.yield
    }) : () -> ()
    %barrier3A_37 = arith.constant 0 : index
    tpu.barrier barrier_id(%barrier3A_37)
    return
  }
}

module attributes {stable_mosaic.version = 14 : i64} {
  func.func @_t1_body(%arg0: i32, %arg1: memref<32x56x128xf32, #tpu.memory_space<vmem>>, %arg2: memref<2x56x128xf32, #tpu.memory_space<vmem>>, %arg3: memref<56x128xf32, #tpu.memory_space<vmem>>, %arg4: memref<2x56x128xf32, #tpu.memory_space<vmem>>) attributes {dimension_semantics = [#tpu.dimension_semantics<arbitrary>], iteration_bounds = array<i64: 14>, scalar_prefetch = 0 : i64, scratch_operands = 0 : i64, tpu.core_type = #tpu.core_type<tc>, window_params = [{transform_indices = @transform_0, window_bounds = array<i64: 32, 56, 128>}, {transform_indices = @transform_1, window_bounds = array<i64: 2, 56, 128>}, {transform_indices = @transform_2, window_bounds = array<i64: 56, 128>}, {transform_indices = @transform_3, window_bounds = array<i64: 2, 56, 128>}]} {
    %get3A = arith.constant 0 : index
    %get3A_0 = arith.constant 0 : index
    %get3A_1 = arith.constant 0 : index
    %get3A_2 = vector.load %arg1[%get3A, %get3A_0, %get3A_1] : memref<32x56x128xf32, #tpu.memory_space<vmem>>, vector<32x56x128xf32>
    %reduce_sum3A = arith.constant dense<0.000000e+00> : vector<56x128xf32>
    %reduce_sum3A_3 = vector.multi_reduction <add>, %get3A_2, %reduce_sum3A [0] : vector<32x56x128xf32> to vector<56x128xf32>
    %add3A = arith.constant 1.000000e+00 : f32
    %add3A_4 = vector.broadcast %add3A : f32 to vector<56x128xf32>
    %add3A_5 = arith.addf %reduce_sum3A_3, %add3A_4 : vector<56x128xf32>
    %rsqrt3A = math.rsqrt %add3A_5 : vector<56x128xf32>
    %swap3A = arith.constant 0 : index
    %swap3A_6 = arith.constant 0 : index
    %swap3A_7 = vector.load %arg3[%swap3A, %swap3A_6] : memref<56x128xf32, #tpu.memory_space<vmem>>, vector<56x128xf32>
    tpu.vector_store %arg3[%swap3A, %swap3A_6], %rsqrt3A {strides = array<i32>} : memref<56x128xf32, #tpu.memory_space<vmem>>, vector<56x128xf32>,
    %get3A_8 = arith.constant 0 : index
    %get3A_9 = arith.constant 0 : index
    %get3A_10 = arith.constant 0 : index
    %get3A_11 = vector.load %arg2[%get3A_8, %get3A_9, %get3A_10] : memref<2x56x128xf32, #tpu.memory_space<vmem>>, vector<2x56x128xf32>
    %broadcast_in_dim3A = vector.shape_cast %rsqrt3A : vector<56x128xf32> to vector<1x56x128xf32>
    %mul3A = vector.broadcast %broadcast_in_dim3A : vector<1x56x128xf32> to vector<2x56x128xf32>
    %mul3A_12 = arith.mulf %get3A_11, %mul3A : vector<2x56x128xf32>
    %swap3A_13 = arith.constant 0 : index
    %swap3A_14 = arith.constant 0 : index
    %swap3A_15 = arith.constant 0 : index
    %swap3A_16 = vector.load %arg4[%swap3A_13, %swap3A_14, %swap3A_15] : memref<2x56x128xf32, #tpu.memory_space<vmem>>, vector<2x56x128xf32>
    tpu.vector_store %arg4[%swap3A_13, %swap3A_14, %swap3A_15], %mul3A_12 {strides = array<i32>} : memref<2x56x128xf32, #tpu.memory_space<vmem>>, vector<2x56x128xf32>,
    return
  }
  func.func @transform_0(%arg0: i32) -> (i32, i32, i32) {
    %c0_i32 = arith.constant 0 : i32
    %c0_i32_0 = arith.constant 0 : i32
    %c0_i32_1 = arith.constant 0 : i32
    return %c0_i32, %arg0, %c0_i32_0 : i32, i32, i32
  }
  func.func @transform_1(%arg0: i32) -> (i32, i32, i32) {
    %c0_i32 = arith.constant 0 : i32
    %c0_i32_0 = arith.constant 0 : i32
    %c0_i32_1 = arith.constant 0 : i32
    return %c0_i32, %arg0, %c0_i32_0 : i32, i32, i32
  }
  func.func @transform_2(%arg0: i32) -> (i32, i32) {
    %c0_i32 = arith.constant 0 : i32
    %c0_i32_0 = arith.constant 0 : i32
    return %arg0, %c0_i32 : i32, i32
  }
  func.func @transform_3(%arg0: i32) -> (i32, i32, i32) {
    %c0_i32 = arith.constant 0 : i32
    %c0_i32_0 = arith.constant 0 : i32
    %c0_i32_1 = arith.constant 0 : i32
    return %c0_i32, %arg0, %c0_i32_0 : i32, i32, i32
  }
}

module attributes {stable_mosaic.version = 14 : i64} {
  func.func @_t2_body(%arg0: i32, %arg1: memref<2x1024x4xf32, #tpu.memory_space<vmem>>, %arg2: memref<1024x1xf32, #tpu.memory_space<vmem>>, %arg3: memref<2x128xf32, #tpu.memory_space<vmem>>, %arg4: memref<1x128xf32, #tpu.memory_space<vmem>>, %arg5: memref<128x64xf32, #tpu.memory_space<vmem>>, %arg6: memref<1024x64xf32, #tpu.memory_space<vmem>>) attributes {dimension_semantics = [#tpu.dimension_semantics<arbitrary>], iteration_bounds = array<i64: 98>, scalar_prefetch = 0 : i64, scratch_operands = 0 : i64, tpu.core_type = #tpu.core_type<tc>, window_params = [{transform_indices = @transform_0, window_bounds = array<i64: 2, 1024, 4>}, {transform_indices = @transform_1, window_bounds = array<i64: 1024, 1>}, {pipeline_mode = #tpu.pipeline_mode<synchronous>, transform_indices = @transform_2, window_bounds = array<i64: 2, 128>}, {pipeline_mode = #tpu.pipeline_mode<synchronous>, transform_indices = @transform_3, window_bounds = array<i64: 1, 128>}, {pipeline_mode = #tpu.pipeline_mode<synchronous>, transform_indices = @transform_4, window_bounds = array<i64: 128, 64>}, {transform_indices = @transform_5, window_bounds = array<i64: 1024, 64>}]} {
    %get3A = arith.constant 0 : index
    %get3A_0 = arith.constant 0 : index
    %get3A_1 = vector.load %arg2[%get3A, %get3A_0] : memref<1024x1xf32, #tpu.memory_space<vmem>>, vector<1024x1xf32>
    %get3A_2 = arith.constant 0 : index
    %get3A_3 = arith.constant 0 : index
    %get3A_4 = arith.constant 0 : index
    %get3A_5 = vector.load %arg1[%get3A_2, %get3A_3, %get3A_4] : memref<2x1024x4xf32, #tpu.memory_space<vmem>>, vector<1x1024x4xf32>
    %get3A_6 = vector.shape_cast %get3A_5 : vector<1x1024x4xf32> to vector<1024x4xf32>
    %get3A_7 = arith.constant 1 : index
    %get3A_8 = arith.constant 0 : index
    %get3A_9 = arith.constant 0 : index
    %get3A_10 = vector.load %arg1[%get3A_7, %get3A_8, %get3A_9] : memref<2x1024x4xf32, #tpu.memory_space<vmem>>, vector<1x1024x4xf32>
    %get3A_11 = vector.shape_cast %get3A_10 : vector<1x1024x4xf32> to vector<1024x4xf32>
    %add3A = arith.addf %get3A_6, %get3A_11 : vector<1024x4xf32>
    %mul3A = vector.broadcast %get3A_1 : vector<1024x1xf32> to vector<1024x4xf32>
    %mul3A_12 = arith.mulf %add3A, %mul3A : vector<1024x4xf32>
    %slice3A = vector.extract_strided_slice %mul3A_12 {offsets = [0, 0], sizes = [1024, 1], strides = [1, 1]} : vector<1024x4xf32> to vector<1024x1xf32>
    %get3A_13 = arith.constant 0 : index
    %get3A_14 = arith.constant 0 : index
    %get3A_15 = vector.load %arg3[%get3A_13, %get3A_14] : memref<2x128xf32, #tpu.memory_space<vmem>>, vector<1x128xf32>
    %mul3A_16 = vector.broadcast %slice3A : vector<1024x1xf32> to vector<1024x128xf32>
    %mul3A_17 = vector.broadcast %get3A_15 : vector<1x128xf32> to vector<1024x128xf32>
    %mul3A_18 = arith.mulf %mul3A_16, %mul3A_17 : vector<1024x128xf32>
    %slice3A_19 = vector.extract_strided_slice %mul3A_12 {offsets = [0, 1], sizes = [1024, 1], strides = [1, 1]} : vector<1024x4xf32> to vector<1024x1xf32>
    %get3A_20 = arith.constant 1 : index
    %get3A_21 = arith.constant 0 : index
    %get3A_22 = vector.load %arg3[%get3A_20, %get3A_21] : memref<2x128xf32, #tpu.memory_space<vmem>>, vector<1x128xf32>
    %mul3A_23 = vector.broadcast %slice3A_19 : vector<1024x1xf32> to vector<1024x128xf32>
    %mul3A_24 = vector.broadcast %get3A_22 : vector<1x128xf32> to vector<1024x128xf32>
    %mul3A_25 = arith.mulf %mul3A_23, %mul3A_24 : vector<1024x128xf32>
    %add3A_26 = arith.addf %mul3A_18, %mul3A_25 : vector<1024x128xf32>
    %get3A_27 = arith.constant 0 : index
    %get3A_28 = arith.constant 0 : index
    %get3A_29 = vector.load %arg4[%get3A_27, %get3A_28] : memref<1x128xf32, #tpu.memory_space<vmem>>, vector<1x128xf32>
    %add3A_30 = vector.broadcast %get3A_29 : vector<1x128xf32> to vector<1024x128xf32>
    %add3A_31 = arith.addf %add3A_26, %add3A_30 : vector<1024x128xf32>
    %max3A = arith.constant 0.000000e+00 : f32
    %max3A_32 = vector.broadcast %max3A : f32 to vector<1024x128xf32>
    %max3A_33 = arith.maximumf %add3A_31, %max3A_32 : vector<1024x128xf32>
    %get3A_34 = arith.constant 0 : index
    %get3A_35 = arith.constant 0 : index
    %get3A_36 = vector.load %arg5[%get3A_34, %get3A_35] : memref<128x64xf32, #tpu.memory_space<vmem>>, vector<128x64xf32>
    %dot_general3A = arith.constant dense<0.000000e+00> : vector<1024x64xf32>
    %dot_general3A_37 = tpu.matmul %max3A_33, %get3A_36, %dot_general3A {dimension_numbers = #tpu.dot_dimension_numbers<[1], [0], [0], [1], [0, 0, 1, 1], [], []>, transpose_lhs_hint = false} : vector<1024x128xf32>, vector<128x64xf32>, vector<1024x64xf32> -> vector<1024x64xf32>
    %mul3A_38 = vector.broadcast %get3A_1 : vector<1024x1xf32> to vector<1024x64xf32>
    %mul3A_39 = arith.mulf %dot_general3A_37, %mul3A_38 : vector<1024x64xf32>
    %swap3A = arith.constant 0 : index
    %swap3A_40 = arith.constant 0 : index
    %swap3A_41 = vector.load %arg6[%swap3A, %swap3A_40] : memref<1024x64xf32, #tpu.memory_space<vmem>>, vector<1024x64xf32>
    tpu.vector_store %arg6[%swap3A, %swap3A_40], %mul3A_39 {strides = array<i32>} : memref<1024x64xf32, #tpu.memory_space<vmem>>, vector<1024x64xf32>,
    return
  }
  func.func @transform_0(%arg0: i32) -> (i32, i32, i32) {
    %c0_i32 = arith.constant 0 : i32
    %c0_i32_0 = arith.constant 0 : i32
    %c0_i32_1 = arith.constant 0 : i32
    return %c0_i32, %arg0, %c0_i32_0 : i32, i32, i32
  }
  func.func @transform_1(%arg0: i32) -> (i32, i32) {
    %c0_i32 = arith.constant 0 : i32
    %c0_i32_0 = arith.constant 0 : i32
    return %arg0, %c0_i32 : i32, i32
  }
  func.func @transform_2(%arg0: i32) -> (i32, i32) {
    %c0_i32 = arith.constant 0 : i32
    %c0_i32_0 = arith.constant 0 : i32
    %c0_i32_1 = arith.constant 0 : i32
    return %c0_i32, %c0_i32_0 : i32, i32
  }
  func.func @transform_3(%arg0: i32) -> (i32, i32) {
    %c0_i32 = arith.constant 0 : i32
    %c0_i32_0 = arith.constant 0 : i32
    %c0_i32_1 = arith.constant 0 : i32
    return %c0_i32, %c0_i32_0 : i32, i32
  }
  func.func @transform_4(%arg0: i32) -> (i32, i32) {
    %c0_i32 = arith.constant 0 : i32
    %c0_i32_0 = arith.constant 0 : i32
    %c0_i32_1 = arith.constant 0 : i32
    return %c0_i32, %c0_i32_0 : i32, i32
  }
  func.func @transform_5(%arg0: i32) -> (i32, i32) {
    %c0_i32 = arith.constant 0 : i32
    %c0_i32_0 = arith.constant 0 : i32
    return %arg0, %c0_i32 : i32, i32
  }
}

module attributes {stable_mosaic.version = 14 : i64} {
  func.func @_t3_body(%arg0: i32, %arg1: memref<1024x64xf32, #tpu.memory_space<vmem>>, %arg2: memref<1024x1xf32, #tpu.memory_space<vmem>>, %arg3: memref<1x64xf32, #tpu.memory_space<vmem>>, %arg4: memref<64x1xf32, #tpu.memory_space<vmem>>, %arg5: memref<1x1xf32, #tpu.memory_space<vmem>>, %arg6: memref<1024x1xf32, #tpu.memory_space<vmem>>) attributes {dimension_semantics = [#tpu.dimension_semantics<arbitrary>], iteration_bounds = array<i64: 98>, scalar_prefetch = 0 : i64, scratch_operands = 0 : i64, tpu.core_type = #tpu.core_type<tc>, window_params = [{transform_indices = @transform_0, window_bounds = array<i64: 1024, 64>}, {transform_indices = @transform_1, window_bounds = array<i64: 1024, 1>}, {pipeline_mode = #tpu.pipeline_mode<synchronous>, transform_indices = @transform_2, window_bounds = array<i64: 1, 64>}, {pipeline_mode = #tpu.pipeline_mode<synchronous>, transform_indices = @transform_3, window_bounds = array<i64: 64, 1>}, {pipeline_mode = #tpu.pipeline_mode<synchronous>, transform_indices = @transform_4, window_bounds = array<i64: 1, 1>}, {transform_indices = @transform_5, window_bounds = array<i64: 1024, 1>}]} {
    %get3A = arith.constant 0 : index
    %get3A_0 = arith.constant 0 : index
    %get3A_1 = vector.load %arg1[%get3A, %get3A_0] : memref<1024x64xf32, #tpu.memory_space<vmem>>, vector<1024x64xf32>
    %get3A_2 = arith.constant 0 : index
    %get3A_3 = arith.constant 0 : index
    %get3A_4 = vector.load %arg2[%get3A_2, %get3A_3] : memref<1024x1xf32, #tpu.memory_space<vmem>>, vector<1024x1xf32>
    %mul3A = vector.broadcast %get3A_4 : vector<1024x1xf32> to vector<1024x64xf32>
    %mul3A_5 = arith.mulf %get3A_1, %mul3A : vector<1024x64xf32>
    %get3A_6 = arith.constant 0 : index
    %get3A_7 = arith.constant 0 : index
    %get3A_8 = vector.load %arg3[%get3A_6, %get3A_7] : memref<1x64xf32, #tpu.memory_space<vmem>>, vector<1x64xf32>
    %add3A = vector.broadcast %get3A_8 : vector<1x64xf32> to vector<1024x64xf32>
    %add3A_9 = arith.addf %mul3A_5, %add3A : vector<1024x64xf32>
    %max3A = arith.constant 0.000000e+00 : f32
    %max3A_10 = vector.broadcast %max3A : f32 to vector<1024x64xf32>
    %max3A_11 = arith.maximumf %add3A_9, %max3A_10 : vector<1024x64xf32>
    %get3A_12 = arith.constant 0 : index
    %get3A_13 = arith.constant 0 : index
    %get3A_14 = vector.load %arg4[%get3A_12, %get3A_13] : memref<64x1xf32, #tpu.memory_space<vmem>>, vector<64x1xf32>
    %dot_general3A = arith.constant dense<0.000000e+00> : vector<1024x1xf32>
    %dot_general3A_15 = tpu.matmul %max3A_11, %get3A_14, %dot_general3A {dimension_numbers = #tpu.dot_dimension_numbers<[1], [0], [0], [1], [0, 0, 1, 1], [], []>, transpose_lhs_hint = false} : vector<1024x64xf32>, vector<64x1xf32>, vector<1024x1xf32> -> vector<1024x1xf32>
    %get3A_16 = arith.constant 0 : index
    %get3A_17 = arith.constant 0 : index
    %get3A_18 = vector.load %arg5[%get3A_16, %get3A_17] : memref<1x1xf32, #tpu.memory_space<vmem>>, vector<1x1xf32>
    %add3A_19 = vector.broadcast %get3A_18 : vector<1x1xf32> to vector<1024x1xf32>
    %add3A_20 = arith.addf %dot_general3A_15, %add3A_19 : vector<1024x1xf32>
    %neg3A = arith.constant 0.000000e+00 : f32
    %neg3A_21 = vector.broadcast %neg3A : f32 to vector<1024x1xf32>
    %neg3A_22 = arith.subf %neg3A_21, %add3A_20 : vector<1024x1xf32>
    %exp3A = math.exp %neg3A_22 : vector<1024x1xf32>
    %add3A_23 = arith.constant 1.000000e+00 : f32
    %add3A_24 = vector.broadcast %add3A_23 : f32 to vector<1024x1xf32>
    %add3A_25 = arith.addf %add3A_24, %exp3A : vector<1024x1xf32>
    %div3A = arith.constant 1.000000e+00 : f32
    %div3A_26 = vector.broadcast %div3A : f32 to vector<1024x1xf32>
    %div3A_27 = arith.divf %div3A_26, %add3A_25 : vector<1024x1xf32>
    %swap3A = arith.constant 0 : index
    %swap3A_28 = arith.constant 0 : index
    %swap3A_29 = vector.load %arg6[%swap3A, %swap3A_28] : memref<1024x1xf32, #tpu.memory_space<vmem>>, vector<1024x1xf32>
    tpu.vector_store %arg6[%swap3A, %swap3A_28], %div3A_27 {strides = array<i32>} : memref<1024x1xf32, #tpu.memory_space<vmem>>, vector<1024x1xf32>,
    return
  }
  func.func @transform_0(%arg0: i32) -> (i32, i32) {
    %c0_i32 = arith.constant 0 : i32
    %c0_i32_0 = arith.constant 0 : i32
    return %arg0, %c0_i32 : i32, i32
  }
  func.func @transform_1(%arg0: i32) -> (i32, i32) {
    %c0_i32 = arith.constant 0 : i32
    %c0_i32_0 = arith.constant 0 : i32
    return %arg0, %c0_i32 : i32, i32
  }
  func.func @transform_2(%arg0: i32) -> (i32, i32) {
    %c0_i32 = arith.constant 0 : i32
    %c0_i32_0 = arith.constant 0 : i32
    %c0_i32_1 = arith.constant 0 : i32
    return %c0_i32, %c0_i32_0 : i32, i32
  }
  func.func @transform_3(%arg0: i32) -> (i32, i32) {
    %c0_i32 = arith.constant 0 : i32
    %c0_i32_0 = arith.constant 0 : i32
    %c0_i32_1 = arith.constant 0 : i32
    return %c0_i32, %c0_i32_0 : i32, i32
  }
  func.func @transform_4(%arg0: i32) -> (i32, i32) {
    %c0_i32 = arith.constant 0 : i32
    %c0_i32_0 = arith.constant 0 : i32
    %c0_i32_1 = arith.constant 0 : i32
    return %c0_i32, %c0_i32_0 : i32, i32
  }
  func.func @transform_5(%arg0: i32) -> (i32, i32) {
    %c0_i32 = arith.constant 0 : i32
    %c0_i32_0 = arith.constant 0 : i32
    return %arg0, %c0_i32 : i32, i32
  }
}

</mosaic_0001>

<sc_bundles>
// kernel: kernel.11.cloned.1.call-start
scs
__scs_entry_jumppad:
0x0: {  	(pc) =	sbr.rel $0x88, $3  }
0x1: {  	(tag) =	ssettag $0x0;
	lr =	simm.s32 $0x1  }
0x2: {  	[smem:$0x3F99] =	sst lr;
	_ =	strace $0xD0000000  }
0x3: {  	_ = 	snop  }
0x4: {  	_ = 	snop  }
0x5: {  	_ = 	snop  }
0x6: {  	_ = 	snop  }
0x7: {  	_ = 	snop  }
__scs_overlays_trampoline_lowered:
0x8: {  	[smem:$0x3FA8] =	sst s0  }
0x9: {  	[smem:$0x3FA9] =	sst s1  }
0xa: {  	[smem:$0x3FAA] =	sst s2  }
0xb: {  	[smem:$0x3FAB] =	sst s3  }
0xc: {  	[smem:$0x3FAC] =	sst s4  }
0xd: {  	[smem:$0x3FAD] =	sst s5  }
0xe: {  	[smem:$0x3FAE] =	sst s6  }
0xf: {  	[smem:$0x3FAF] =	sst s7  }
0x10: {  	[smem:$0x3FB0] =	sst s8  }
0x11: {  	[smem:$0x3FB1] =	sst s9;
	s0 =	simm.s32 @!p0 $0x0  }
0x12: {  	s1 =	sld [smem:$0x3F97];
	s0 =	simm.s32 @p0 $0x1  }
0x13: {  	[smem:$0x3FB2] =	sst s0;
	s0 =	simm.s32 @!p1 $0x0  }
0x14: {  	s2 =	sld [smem:$0x3F96];
	s0 =	simm.s32 @p1 $0x1  }
0x15: {  	[smem:$0x3FB3] =	sst s0;
	s0 =	simm.s32 @!p2 $0x0  }
0x16: {  	s3 =	sld [smem:$0x3FDB];
	s0 =	simm.s32 @p2 $0x1  }
0x17: {  	s4 =	simm.s32 $0x1BF5;
	[smem:$0x3FB5] =	sst s0  }
0x18: {  	s0 =	sld [smem:$0x3F98];
	_ =	swait.ge [sflag:s4], $0x0  }
0x19: {  	s7 =	sld [smem:$0x3F99]  }
0x1a: {  	s8 =	sadd.s32 $0xFFFFE003, lr  }
0x1b: {  	s9 =	sadd.s32 $0xFFFFFEF7, lr;
	s5 =	simm.s32 $0xFFFFFFFF;
	p2 =	slt.u32 s8, $0xFFFFF086  }
0x1c: {  	p1 =	slt.u32 s9, $0xF7A;
	s5 =	simm.s32 @!p2 $0x0  }
0x1d: {  	s5 =	simm.s32 @p1 $0x1;
	p0 =	seq.s32 s7, s2  }
0x1e: {  	s7 =	smul.u32 @!p0 $0xF7A, s2;
	p2 =	seq.s32 @!p0 s5, $0x0  }
0x1f: {  	s9 =	smul.u32 $0xF7A, s1;
	s8 =	simm.s32 @!p0 $0x1BF5;
	p2 =	por !p2, p0  }
0x20: {  	[sflag:s8] =	ssyncset.s32 @!p0 $0xFFFFF086;
	s6 =	sadd.s32 @!p0 s3, s7;
	s7 =	simm.s32 @!p0 $0x108  }
0x21: {  	s3 =	sadd.s32 s3, s9;
	s6 =	sadd.s32 @!p0 $0x88, s6;
	s7 =	simm.s32 @p2 $0x1082  }
0x22: {  	[simem:s7], [sflag:s8] =	dma.local @!p0 [hbm:s6], $0xF7A  }
0x23: {  	s9 =	sor.u32 $0xD0000000, s2;
	s6 =	simm.s32 $0x108;
	_ =	swait.ge @!p0 [sflag:s8], $0x0  }
0x24: {  	s3 =	sadd.s32 $0x88, s3;
	s6 =	simm.s32 @!p1 $0x1082;
	[sflag:s4] =	ssyncset.s32 $0xFFFFF086  }
0x25: {  	[simem:s6], [sflag:s4] =	dma.local [hbm:s3], $0xF7A  }
0x26: {  	[smem:$0x3F99] =	sst s1;
	(tag) =	ssettag s2;
	_ =	strace s9  }
0x27: {  	s1 =	sld [smem:$0x3FA9]  }
0x28: {  	s2 =	sld [smem:$0x3FAA]  }
0x29: {  	s4 =	sld [smem:$0x3FAC]  }
0x2a: {  	p0 =	seq.s32 s5, $0x0;
	s5 =	sld [smem:$0x3FAD]  }
0x2b: {  	s6 =	sld [smem:$0x3FAE]  }
0x2c: {  	s7 =	sld [smem:$0x3FAF]  }
0x2d: {  	s3 =	simm.s32 $0x108;
	s8 =	sld [smem:$0x3FB0]  }
0x2e: {  	s3 =	simm.s32 @!p0 $0x1082;
	s9 =	sld [smem:$0x3FB1]  }
0x2f: {  	lr =	sadd.s32 s0, s3;
	s0 =	sld [smem:$0x3FA8]  }
0x30: {  	s3 =	sld [smem:$0x3FAB]  }
0x31: {  	[smem:$0x3FB4] =	sst s10  }
0x32: {  	s10 =	sld [smem:$0x3FB2];
	_ =	sdelay $0x3  }
0x33: {  	p0 =	seq.s32 s10, $0x1;
	s10 =	sld [smem:$0x3FB4];
	_ =	sdelay $0x3  }
0x34: {  	[smem:$0x3FB4] =	sst s10  }
0x35: {  	s10 =	sld [smem:$0x3FB3];
	_ =	sdelay $0x3  }
0x36: {  	p1 =	seq.s32 s10, $0x1;
	s10 =	sld [smem:$0x3FB4];
	_ =	sdelay $0x3  }
0x37: {  	[smem:$0x3FB4] =	sst s10  }
0x38: {  	s10 =	sld [smem:$0x3FB5]  }
0x39: {  	_ = 	snop;
	(pc) =	sbr.ind lr, $3  }
0x3a: {  	_ = 	snop  }
0x3b: {  	_ = 	snop  }
0x3c: {  	p2 =	seq.s32 s10, $0x1;
	s10 =	sld [smem:$0x3FB4]  }
0x3d: {  	_ =	shalt  }
0x3e: {  	_ =	shalt  }
0x3f: {  	_ =	shalt  }
0x40: {  	_ =	shalt  }
0x41: {  	_ =	shalt  }
0x42: {  	_ =	shalt  }
0x43: {  	_ =	shalt  }
0x44: {  	_ =	shalt  }
0x45: {  	_ =	shalt  }
0x46: {  	_ =	shalt  }
0x47: {  	_ =	shalt  }
0x48: {  	_ =	shalt  }
0x49: {  	_ =	shalt  }
0x4a: {  	_ =	shalt  }
0x4b: {  	_ =	shalt  }
0x4c: {  	_ =	shalt  }
0x4d: {  	_ =	shalt  }
0x4e: {  	_ =	shalt  }
0x4f: {  	_ =	shalt  }
0x50: {  	_ =	shalt  }
0x51: {  	_ =	shalt  }
0x52: {  	_ =	shalt  }
0x53: {  	_ =	shalt  }
0x54: {  	_ =	shalt  }
0x55: {  	_ =	shalt  }
0x56: {  	_ =	shalt  }
0x57: {  	_ =	shalt  }
0x58: {  	_ =	shalt  }
0x59: {  	_ =	shalt  }
0x5a: {  	_ =	shalt  }
0x5b: {  	_ =	shalt  }
0x5c: {  	_ =	shalt  }
0x5d: {  	_ =	shalt  }
0x5e: {  	_ =	shalt  }
0x5f: {  	_ =	shalt  }
0x60: {  	_ =	shalt  }
0x61: {  	_ =	shalt  }
0x62: {  	_ =	shalt  }
0x63: {  	_ =	shalt  }
0x64: {  	_ =	shalt  }
0x65: {  	_ =	shalt  }
0x66: {  	_ =	shalt  }
0x67: {  	_ =	shalt  }
0x68: {  	_ =	shalt  }
0x69: {  	_ =	shalt  }
0x6a: {  	_ =	shalt  }
0x6b: {  	_ =	shalt  }
0x6c: {  	_ =	shalt  }
0x6d: {  	_ =	shalt  }
0x6e: {  	_ =	shalt  }
0x6f: {  	_ =	shalt  }
0x70: {  	_ =	shalt  }
0x71: {  	_ =	shalt  }
0x72: {  	_ =	shalt  }
0x73: {  	_ =	shalt  }
0x74: {  	_ =	shalt  }
0x75: {  	_ =	shalt  }
0x76: {  	_ =	shalt  }
0x77: {  	_ =	shalt  }
0x78: {  	_ =	shalt  }
0x79: {  	_ =	shalt  }
0x7a: {  	_ =	shalt  }
0x7b: {  	_ =	shalt  }
0x7c: {  	_ =	shalt  }
0x7d: {  	_ =	shalt  }
0x7e: {  	_ =	shalt  }
0x7f: {  	_ =	shalt  }
0x80: {  	_ =	shalt  }
0x81: {  	_ =	shalt  }
0x82: {  	_ =	shalt  }
0x83: {  	_ =	shalt  }
0x84: {  	_ =	shalt  }
0x85: {  	_ =	shalt  }
0x86: {  	_ =	shalt  }
0x87: {  	_ =	shalt  }
.Lfunc_end0:
.L_simem_size_0:
called_computation.1_lowered:
.L_overlay_start_0:
0x88: {  	s2 =	sld [smem:$0x3FD9]  }
0x89: {  	s3 =	sld [smem:$0x3FFE];
	_ =	sdelay $0x1  }
0x8a: {  	s1 =	srdreg.scid  }
0x8b: {  	s0 =	sand.u32 $0x1, s1  }
0x8c: {  	s16 =	sshll.u32 s0, $0xA;
	s2 =	sadd.s32 s3, s2  }
0x8d: {  	s2 =	sadd.s32 s2, s16  }
0x8e: {  	[smem:$0x3FC0] =	sst s2  }
0x8f: {  	_ = 	snop  }
0x90: {  	(tm) =	ssettm $0x1  }
0x91: {  	s17 =	sld [smem:$0x3FFB];
	_ =	sdelay $0x3  }
0x92: {  	_ =	strace s17  }
0x93: {  	s2 =	sld [smem:$0x3FFC];
	_ =	sdelay $0x3  }
0x94: {  	_ =	strace s2  }
0x95: {  	s2 =	sld [smem:$0x3FFD];
	_ =	sdelay $0x3  }
0x96: {  	_ =	strace s2  }
0x97: {  	_ =	strace $0x8FFFFFFF  }
0x98: {  	s18 =	sld [smem:$0x3FDB];
	_ =	sdelay $0x1  }
0x99: {  	s19 =	simm.s32 $_scs_section_size  }
0x9a: {  	s4 =	simm.s32 $_size__tile_overlayer_lowered;
	s5 =	simm.s32 $_tile_overlayer_lowered  }
0x9b: {  	s22 =	simm.s32 $0x1BFF;
	s21 =	sshll.u32 s5, $0x1;
	s2 =	sadd.s32 s19, s18  }
0x9c: {  	s6 =	simm.s32 $0x0;
	s20 =	sshll.u32 s4, $0x1;
	s4 =	sadd.s32 s21, s2  }
0x9d: {  	[timem:s6], [sflag:s22] =	dma.local [hbm:s4], s20  }
0x9e: {  	_ =	swait.ge [sflag:s22], s20  }
0x9f: {  	s3 =	ssub.s32 $0x0, s20;
	[sflag:s22] =	ssyncset.done $0x0  }
0xa0: {  	[sflag:s22] =	ssyncadd.s32 s3;
	_ =	sdelay $0x1  }
0xa1: {  	s23 =	simm.s32 $0x1B8B  }
0xa2: {  	_ =	swait.ge [sflag:s23], $0x1  }
0xa3: {  	[sflag:s23] =	ssyncset.done $0x0  }
0xa4: {  	s25 =	simm.s32 $0x1B8E;
	s24 =	sld [smem:$0x3FFE];
	[sflag:s23] =	ssyncadd.s32 $0xFFFFFFFF  }
0xa5: {  	s26 =	simm.s32 $execute0_lowered;
	[smem:$0x3FD2] =	sst s25  }
0xa6: {  	s4 =	sshll.u32 s26, $0x1;
	_ =	strace $0x80000049;
	[dreg:$0x1] =	wrdreg $0xFFFFFFFF  }
0xa7: {  	s28 =	simm.s32 $_size_execute0_lowered;
	s2 =	sadd.s32 s2, s4;
	[dreg:$0x0] =	wrdreg $0x0  }
0xa8: {  	s4 =	sshll.u32 s28, $0x1;
	[dreg:$0x2] =	wrdreg s2  }
0xa9: {  	[dreg:$0x3] =	wrdreg s4  }
0xaa: {  	[dreg:$0x4] =	wrdreg $0xC0  }
0xab: {  	_ =	task [dreg:s6], $0x5FFFF  }
0xac: {  	[dreg:$0x1] =	wrdreg $0xFFFFFFFF  }
0xad: {  	[dreg:$0x0] =	wrdreg $0x60  }
0xae: {  	[dreg:$0x2] =	wrdreg s24  }
0xaf: {  	[dreg:$0x3] =	wrdreg $0x5A000  }
0xb0: {  	[dreg:$0x4] =	wrdreg $0xBC000  }
0xb1: {  	[dreg:$0x5] =	wrdreg $0x9  }
0xb2: {  	_ =	task.clear_ibuf [dreg:s6], $0x6FFFF;
	_ =	strace $0x90000049  }
0xb3: {  	s29 =	simm.s32 $0x9;
	_ =	strace $0x8000004B  }
0xb4: {  	_ =	swait.ge [sflag:s29], $0x1  }
0xb5: {  	[sflag:s29] =	ssyncadd.s32 $0xFFFFFFFF  }
0xb6: {  	_ =	strace $0x9000004B  }
0xb7: {  	_ =	sfence  }
0xb8: {  	s30 =	sld [smem:$0x0];
	_ =	sdelay $0x2  }
0xb9: {  	s31 =	sshll.u32 s1, $0xD;
	s1 =	sshrl.u32 s1, $0x2  }
0xba: {  	s3 =	sand.u32 $0x4000, s31;
	s1 =	sadd.s32 s1, s30  }
0xbb: {  	s0 =	sor.u32 s3, s0;
	s1 =	sshll.u32 s1, $0x11  }
0xbc: {  	s0 =	sor.u32 s1, s0  }
0xbd: {  	s0 =	sadd.s32 $0x8F2B, s0  }
0xbe: {  	[sflag:s0] =	ssyncadd.remote.s32 $0x1  }
0xbf: {  	_ =	sfence.sel $0xFFFF  }
0xc0: {  	[dreg:$0x0] =	wrdreg $0xFFFFFFFF;
	(pc) =	sbr.abs _section_cstart, $3  }
0xc1: {  	[dreg:$0x1] =	wrdreg $0xFFFFFFFF  }
0xc2: {  	_ =	task.clear_ibuf [dreg:s6], $0x2FFFF;
	_ =	strace $0x9FFFFFFF  }
0xc3: {  	(tm) =	ssettm $0x7FFFFFFF  }
tec
execute0_lowered:
.L_overlay_start_1:
0x0: {  	(tag) =	ssettag $0x1  }
0x1: {  	s1 =	rddreg [dreg:$0x0]  }
0x2: {  	s2 =	rddreg [dreg:$0x1]  }
0x3: {  	s3 =	rddreg [dreg:$0x2]  }
0x4: {  	s11 =	stileid.u32;
	s4 =	simm.s32 $0x0;
	s5 =	srdreg.scid  }
0x5: {  	s22 =	simm.s32 $0x980;
	s24 =	simm.s32 $0x1600;
	s26 =	simm.s32 $0xA00  }
0x6: {  	s13 =	simm.s32 $0x1E00;
	s14 =	simm.s32 $0xB00;
	[smem:$0x7FF] =	sst s4  }
0x7: {  	s0 =	smul.u32 $0x3180, s11;
	_ =	strace $0x8000004A;
	[dreg:$0x6] =	wrdreg s22  }
0x8: {  	s15 =	simm.s32 $0x2200;
	s7 =	smul.u32 $0xC400, s11;
	[dreg:$0x7] =	wrdreg s24  }
0x9: {  	s25 =	sshll.u32 s11, $0x6;
	s11 =	simm.s32 $0xA80;
	[dreg:$0x8] =	wrdreg s26  }
0xa: {  	s16 =	simm.s32 $0xB80;
	s17 =	simm.s32 $0x2600;
	[dreg:$0xa] =	wrdreg s11  }
0xb: {  	s28 =	simm.s32 $0x4A00;
	s29 =	simm.s32 $0x1080;
	[dreg:$0xb] =	wrdreg s13  }
0xc: {  	s30 =	simm.s32 $0x4E00;
	s5 =	sand.u32 $0x1, s5;
	[dreg:$0xc] =	wrdreg s14  }
0xd: {  	s31 =	simm.s32 $0x1100;
	s6 =	smul.u32 $0x18C0, s5;
	[dreg:$0xd] =	wrdreg s15  }
0xe: {  	s9 =	smul.u32 $0x18800, s5;
	s5 =	ssub.s32 $0x2, s5;
	[dreg:$0xe] =	wrdreg s16  }
0xf: {  	[dreg:$0xf] =	wrdreg s17;
	s13 =	simm.s32 $0x480;
	s22 =	simm.s32 $0x2E00  }
0x10: {  	s14 =	simm.s32 $0x1200;
	s15 =	simm.s32 $0xD80;
	s24 =	simm.s32 $0x3200  }
0x11: {  	s16 =	simm.s32 $0x1;
	s17 =	simm.s32 $0x3600;
	s26 =	simm.s32 $0x3A00  }
0x12: {  	s8 =	sadd.s32 s0, s1;
	s0 =	sshrl.u32 s7, $0x3;
	[dreg:$0x13] =	wrdreg s22  }
0x13: {  	s19 =	sshrl.u32 s5, $0x1;
	s21 =	sadd.s32 s7, s2;
	[dreg:$0x15] =	wrdreg s24  }
0x14: {  	s7 =	sadd.s32 s7, s3;
	[dreg:$0x17] =	wrdreg s26;
	s22 =	simm.s32 $0x4200  }
0x15: {  	s26 =	simm.s32 $0x1000;
	s6 =	sadd.s32 s6, s8;
	s8 =	sshrl.u32 s21, $0x3  }
0x16: {  	s5 =	ssub.s32 s5, s19;
	s19 =	simm.s32 $0xC00;
	[dreg:$0x1a] =	wrdreg s8  }
0x17: {  	s10 =	sadd.s32 s0, s1;
	s21 =	simm.s32 $0xC80;
	[dreg:$0x10] =	wrdreg s19  }
0x18: {  	s1 =	sadd.s32 s9, s1;
	s11 =	sshrl.u32 s7, $0x3;
	[dreg:$0x12] =	wrdreg s21  }
0x19: {  	s9 =	simm.s32 $0x2;
	s20 =	sadd.s32 $0x33000, s6;
	[dreg:$0x1c] =	wrdreg s11  }
0x1a: {  	s7 =	simm.s32 $0x0;
	s6 =	sadd.s32 $0x1800, s6;
	[dreg:$0x4] =	wrdreg s20  }
0x1b: {  	s23 =	sadd.s32 $0x21D800, s10;
	s10 =	simm.s32 $0x1A00;
	[dreg:$0x5] =	wrdreg s6  }
0x1c: {  	s12 =	sadd.s32 $0x64800, s1;
	s1 =	sadd.s32 $0x95800, s1;
	[dreg:$0x18] =	wrdreg s23  }
0x1d: {  	s5 =	smax.u32 s5, $0x1;
	s19 =	simm.s32 $0xE80;
	[dreg:$0x9] =	wrdreg s10  }
0x1e: {  	s21 =	simm.s32 $0xF00;
	[dreg:$0x19] =	wrdreg s5;
	s18 =	sadd.s32 s0, s12  }
0x1f: {  	s6 =	sor.u32 $0x1C02, s25;
	s20 =	simm.s32 $0x2A00;
	[dreg:$0x1b] =	wrdreg s18  }
0x20: {  	s12 =	simm.s32 $0x900;
	s23 =	simm.s32 $0xD00;
	[dreg:$0x11] =	wrdreg s20  }
0x21: {  	s25 =	simm.s32 $0xE00;
	s0 =	sadd.s32 s0, s1;
	[dreg:$0x14] =	wrdreg s23  }
0x22: {  	s1 =	simm.s32 $0x1180;
	s5 =	simm.s32 $0x5600;
	[dreg:$0x16] =	wrdreg s25  }
0x23: {  	s18 =	simm.s32 $0x80;
	s20 =	simm.s32 $0x3E00;
	s23 =	simm.s32 $0xF80  }
0x24: {  	[dreg:$0x1d] =	wrdreg s0;
	s25 =	simm.s32 $0x4600;
	s0 =	simm.s32 $0x5200  }
.LBB2_1:
0x25: {  	s8 =	rddreg [dreg:$0x18]  }
0x26: {  	s10 =	rddreg [dreg:$0x1a]  }
0x27: {  	[spmem:s10], [sflag:s6] =	dma.local [hbm:s8], $0x1880  }
0x28: {  	_ =	swait.ge [sflag:s9], $0x1880  }
0x29: {  	[sflag:s9] =	ssyncset.done $0x0  }
0x2a: {  	s10 =	rddreg [dreg:$0x1b];
	[sflag:s9] =	ssyncadd.s32 $0xFFFFE780  }
0x2b: {  	[spmem:s11], [sflag:s6] =	dma.local [hbm:s10], $0x1880  }
0x2c: {  	_ =	swait.ge [sflag:s9], $0x1880  }
0x2d: {  	[sflag:s9] =	ssyncset.done $0x0  }
0x2e: {  	[sflag:s9] =	ssyncadd.s32 $0xFFFFE780  }
0x2f: {  	[bflag:$0x0] =	sbarrier.arrive $0xFFFF  }
0x30: {  	s11 =	rddreg [dreg:$0x4]  }
0x31: {  	s8 =	sadd.s32 $0x0, s11  }
0x32: {  	[tilespmem:s4], [sflag:$0x2] =	stream.linear.gather [hbm4b:s8+s4], $0x480, $0x38;
	[tilespmem:$0x11E00] =	vst v63  }
0x33: {  	_ =	swait.ge [sflag:s9], $0x480  }
0x34: {  	s24 =	rddreg [dreg:$0x5];
	[sflag:s9] =	ssyncset.done $0x0  }
0x35: {  	[sflag:s9] =	ssyncadd.s32 $0xFFFFFB80;
	s10 =	sadd.s32 $0x0, s24  }
0x36: {  	[tilespmem:s12], [sflag:$0x2] =	stream.linear.gather [hbm4b:s10+s4], $0x480, $0x38;
	[tilespmem:$0x11E00] =	vst v63  }
0x37: {  	_ =	swait.ge [sflag:s9], $0x480  }
0x38: {  	[sflag:s9] =	ssyncset.done $0x0  }
0x39: {  	[sflag:s9] =	ssyncadd.s32 $0xFFFFFB80  }
0x3a: {  	[tilespmem:s14], [sflag:$0x1] =	stream.indirect.gather [spmem:s2], $0x4, s4, s13, $0xb8;
	[tilespmem:$0x11E00] =	vst v63  }
0x3b: {  	s8 =	sadd.s32 $0x90, s8  }
0x3c: {  	[tilespmem:s13], [sflag:$0x2] =	stream.linear.gather [hbm4b:s8+s4], $0x480, $0x38;
	[tilespmem:$0x11E00] =	vst v63  }
0x3d: {  	_ =	swait.ge [sflag:s9], $0x480  }
0x3e: {  	[sflag:s9] =	ssyncset.done $0x0  }
0x3f: {  	s10 =	sadd.s32 $0x90, s10;
	[sflag:s9] =	ssyncadd.s32 $0xFFFFFB80  }
0x40: {  	[tilespmem:s15], [sflag:$0x2] =	stream.linear.gather [hbm4b:s10+s4], $0x480, $0x38;
	[tilespmem:$0x11E00] =	vst v63  }
0x41: {  	_ =	swait.ge [sflag:s9], $0x480  }
0x42: {  	[sflag:s9] =	ssyncset.done $0x0  }
0x43: {  	[sflag:s9] =	ssyncadd.s32 $0xFFFFFB80  }
0x44: {  	_ =	swait.ge [sflag:s16], $0x1200  }
0x45: {  	[sflag:s16] =	ssyncset.done $0x0  }
0x46: {  	[sflag:s16] =	ssyncadd.s32 $0xFFFFEE00  }
0x47: {  	[tilespmem:s17], [sflag:$0x1] =	stream.indirect.gather [spmem:s2], $0x4, s13, s13, $0xb8;
	[tilespmem:$0x11E00] =	vst v63  }
0x48: {  	_ = 	snop  }
0x49: {  	[spmem:s3] =	stream.indirect.scatter.add.f32 [tilespmem:s14], [sflag:$0x2], $0x4, s12, s18, $0xb8;
	[tilespmem:$0x11E00] =	vst v63  }
0x4a: {  	_ =	swait.ge [sflag:s9], $0x200  }
0x4b: {  	s11 =	rddreg [dreg:$0x6];
	[sflag:s9] =	ssyncset.done $0x0  }
0x4c: {  	s24 =	rddreg [dreg:$0x7];
	[sflag:s9] =	ssyncadd.s32 $0xFFFFFE00  }
0x4d: {  	[spmem:s3] =	stream.indirect.scatter.add.f32 [tilespmem:s24], [sflag:$0x2], $0x4, s11, s18, $0xb8;
	[tilespmem:$0x11E00] =	vst v63  }
0x4e: {  	_ =	swait.ge [sflag:s9], $0x200  }
0x4f: {  	s11 =	rddreg [dreg:$0x8];
	[sflag:s9] =	ssyncset.done $0x0  }
0x50: {  	s24 =	rddreg [dreg:$0x9];
	[sflag:s9] =	ssyncadd.s32 $0xFFFFFE00  }
0x51: {  	[spmem:s3] =	stream.indirect.scatter.add.f32 [tilespmem:s24], [sflag:$0x2], $0x4, s11, s18, $0xb8;
	[tilespmem:$0x11E00] =	vst v63  }
0x52: {  	_ =	swait.ge [sflag:s9], $0x200  }
0x53: {  	s11 =	rddreg [dreg:$0xa];
	[sflag:s9] =	ssyncset.done $0x0  }
0x54: {  	s24 =	rddreg [dreg:$0xb];
	[sflag:s9] =	ssyncadd.s32 $0xFFFFFE00  }
0x55: {  	[spmem:s3] =	stream.indirect.scatter.add.f32 [tilespmem:s24], [sflag:$0x2], $0x4, s11, s18, $0xb8;
	[tilespmem:$0x11E00] =	vst v63  }
0x56: {  	_ =	swait.ge [sflag:s9], $0x200  }
0x57: {  	s11 =	rddreg [dreg:$0xc];
	[sflag:s9] =	ssyncset.done $0x0  }
0x58: {  	s24 =	rddreg [dreg:$0xd];
	[sflag:s9] =	ssyncadd.s32 $0xFFFFFE00  }
0x59: {  	[spmem:s3] =	stream.indirect.scatter.add.f32 [tilespmem:s24], [sflag:$0x2], $0x4, s11, s18, $0xb8;
	[tilespmem:$0x11E00] =	vst v63  }
0x5a: {  	_ =	swait.ge [sflag:s9], $0x200  }
0x5b: {  	s11 =	rddreg [dreg:$0xe];
	[sflag:s9] =	ssyncset.done $0x0  }
0x5c: {  	s24 =	rddreg [dreg:$0xf];
	[sflag:s9] =	ssyncadd.s32 $0xFFFFFE00  }
0x5d: {  	[spmem:s3] =	stream.indirect.scatter.add.f32 [tilespmem:s24], [sflag:$0x2], $0x4, s11, s18, $0xb8;
	[tilespmem:$0x11E00] =	vst v63  }
0x5e: {  	_ =	swait.ge [sflag:s9], $0x200  }
0x5f: {  	s11 =	rddreg [dreg:$0x10];
	[sflag:s9] =	ssyncset.done $0x0  }
0x60: {  	s24 =	rddreg [dreg:$0x11];
	[sflag:s9] =	ssyncadd.s32 $0xFFFFFE00  }
0x61: {  	[spmem:s3] =	stream.indirect.scatter.add.f32 [tilespmem:s24], [sflag:$0x2], $0x4, s11, s18, $0xb8;
	[tilespmem:$0x11E00] =	vst v63  }
0x62: {  	_ =	swait.ge [sflag:s9], $0x200  }
0x63: {  	s11 =	rddreg [dreg:$0x12];
	[sflag:s9] =	ssyncset.done $0x0  }
0x64: {  	s24 =	rddreg [dreg:$0x13];
	[sflag:s9] =	ssyncadd.s32 $0xFFFFFE00  }
0x65: {  	[spmem:s3] =	stream.indirect.scatter.add.f32 [tilespmem:s24], [sflag:$0x2], $0x4, s11, s18, $0xb8;
	[tilespmem:$0x11E00] =	vst v63  }
0x66: {  	_ =	swait.ge [sflag:s9], $0x200  }
0x67: {  	s11 =	rddreg [dreg:$0x14];
	[sflag:s9] =	ssyncset.done $0x0  }
0x68: {  	s24 =	rddreg [dreg:$0x15];
	[sflag:s9] =	ssyncadd.s32 $0xFFFFFE00  }
0x69: {  	[spmem:s3] =	stream.indirect.scatter.add.f32 [tilespmem:s24], [sflag:$0x2], $0x4, s11, s18, $0xb8;
	[tilespmem:$0x11E00] =	vst v63  }
0x6a: {  	_ =	swait.ge [sflag:s9], $0x200  }
0x6b: {  	[sflag:s9] =	ssyncset.done $0x0  }
0x6c: {  	[sflag:s9] =	ssyncadd.s32 $0xFFFFFE00  }
0x6d: {  	_ =	swait.ge [sflag:s16], $0x1200  }
0x6e: {  	[sflag:s16] =	ssyncset.done $0x0  }
0x6f: {  	[sflag:s16] =	ssyncadd.s32 $0xFFFFEE00  }
0x70: {  	[spmem:s3] =	stream.indirect.scatter.add.f32 [tilespmem:s17], [sflag:$0x2], $0x4, s15, s18, $0xb8;
	[tilespmem:$0x11E00] =	vst v63  }
0x71: {  	_ =	swait.ge [sflag:s9], $0x200  }
0x72: {  	s11 =	rddreg [dreg:$0x16];
	[sflag:s9] =	ssyncset.done $0x0  }
0x73: {  	s24 =	rddreg [dreg:$0x17];
	[sflag:s9] =	ssyncadd.s32 $0xFFFFFE00  }
0x74: {  	[spmem:s3] =	stream.indirect.scatter.add.f32 [tilespmem:s24], [sflag:$0x2], $0x4, s11, s18, $0xb8;
	[tilespmem:$0x11E00] =	vst v63  }
0x75: {  	_ =	swait.ge [sflag:s9], $0x200  }
0x76: {  	[sflag:s9] =	ssyncset.done $0x0  }
0x77: {  	[sflag:s9] =	ssyncadd.s32 $0xFFFFFE00  }
0x78: {  	[spmem:s3] =	stream.indirect.scatter.add.f32 [tilespmem:s20], [sflag:$0x2], $0x4, s19, s18, $0xb8;
	[tilespmem:$0x11E00] =	vst v63  }
0x79: {  	_ =	swait.ge [sflag:s9], $0x200  }
0x7a: {  	[sflag:s9] =	ssyncset.done $0x0  }
0x7b: {  	[sflag:s9] =	ssyncadd.s32 $0xFFFFFE00  }
0x7c: {  	[spmem:s3] =	stream.indirect.scatter.add.f32 [tilespmem:s22], [sflag:$0x2], $0x4, s21, s18, $0xb8;
	[tilespmem:$0x11E00] =	vst v63  }
0x7d: {  	_ =	swait.ge [sflag:s9], $0x200  }
0x7e: {  	[sflag:s9] =	ssyncset.done $0x0  }
0x7f: {  	[sflag:s9] =	ssyncadd.s32 $0xFFFFFE00  }
0x80: {  	[spmem:s3] =	stream.indirect.scatter.add.f32 [tilespmem:s25], [sflag:$0x2], $0x4, s23, s18, $0xb8;
	[tilespmem:$0x11E00] =	vst v63  }
0x81: {  	_ =	swait.ge [sflag:s9], $0x200  }
0x82: {  	[sflag:s9] =	ssyncset.done $0x0  }
0x83: {  	[sflag:s9] =	ssyncadd.s32 $0xFFFFFE00  }
0x84: {  	[spmem:s3] =	stream.indirect.scatter.add.f32 [tilespmem:s28], [sflag:$0x2], $0x4, s26, s18, $0xb8;
	[tilespmem:$0x11E00] =	vst v63  }
0x85: {  	_ =	swait.ge [sflag:s9], $0x200  }
0x86: {  	[sflag:s9] =	ssyncset.done $0x0  }
0x87: {  	[sflag:s9] =	ssyncadd.s32 $0xFFFFFE00  }
0x88: {  	[spmem:s3] =	stream.indirect.scatter.add.f32 [tilespmem:s30], [sflag:$0x2], $0x4, s29, s18, $0xb8;
	[tilespmem:$0x11E00] =	vst v63  }
0x89: {  	s8 =	simm.s32 $0x120;
	_ =	swait.ge [sflag:s9], $0x200  }
.LBB2_2:
0x8a: {  	[sflag:s9] =	ssyncset.done $0x0  }
0x8b: {  	[sflag:s9] =	ssyncadd.s32 $0xFFFFFE00  }
0x8c: {  	[spmem:s3] =	stream.indirect.scatter.add.f32 [tilespmem:s0], [sflag:$0x2], $0x4, s31, s18, $0xb8;
	[tilespmem:$0x11E00] =	vst v63  }
0x8d: {  	_ =	swait.ge [sflag:s9], $0x200  }
0x8e: {  	[sflag:s9] =	ssyncset.done $0x0  }
0x8f: {  	[sflag:s9] =	ssyncadd.s32 $0xFFFFFE00  }
0x90: {  	[spmem:s3] =	stream.indirect.scatter.add.f32 [tilespmem:s5], [sflag:$0x2], $0x4, s1, s18, $0xb8;
	[tilespmem:$0x11E00] =	vst v63  }
0x91: {  	_ =	swait.ge [sflag:s9], $0x200  }
0x92: {  	s10 =	smov.u32 s8;
	s24 =	rddreg [dreg:$0x4];
	[sflag:s9] =	ssyncset.done $0x0  }
0x93: {  	[sflag:s9] =	ssyncadd.s32 $0xFFFFFE00;
	s24 =	sadd.s32 s10, s24  }
0x94: {  	[tilespmem:s4], [sflag:$0x2] =	stream.linear.gather [hbm4b:s24+s4], $0x480, $0x38;
	[tilespmem:$0x11E00] =	vst v63  }
0x95: {  	_ =	swait.ge [sflag:s9], $0x480  }
0x96: {  	s11 =	rddreg [dreg:$0x5];
	[sflag:s9] =	ssyncset.done $0x0  }
0x97: {  	[sflag:s9] =	ssyncadd.s32 $0xFFFFFB80;
	s10 =	sadd.s32 s10, s11  }
0x98: {  	[tilespmem:s12], [sflag:$0x2] =	stream.linear.gather [hbm4b:s10+s4], $0x480, $0x38;
	[tilespmem:$0x11E00] =	vst v63  }
0x99: {  	_ =	swait.ge [sflag:s9], $0x480  }
0x9a: {  	[sflag:s9] =	ssyncset.done $0x0  }
0x9b: {  	[sflag:s9] =	ssyncadd.s32 $0xFFFFFB80  }
0x9c: {  	[tilespmem:s14], [sflag:$0x1] =	stream.indirect.gather [spmem:s2], $0x4, s4, s13, $0xb8;
	[tilespmem:$0x11E00] =	vst v63  }
0x9d: {  	s24 =	sadd.s32 $0x90, s24  }
0x9e: {  	[tilespmem:s13], [sflag:$0x2] =	stream.linear.gather [hbm4b:s24+s4], $0x480, $0x38;
	[tilespmem:$0x11E00] =	vst v63  }
0x9f: {  	_ =	swait.ge [sflag:s9], $0x480  }
0xa0: {  	[sflag:s9] =	ssyncset.done $0x0  }
0xa1: {  	s10 =	sadd.s32 $0x90, s10;
	[sflag:s9] =	ssyncadd.s32 $0xFFFFFB80  }
0xa2: {  	[tilespmem:s15], [sflag:$0x2] =	stream.linear.gather [hbm4b:s10+s4], $0x480, $0x38;
	[tilespmem:$0x11E00] =	vst v63  }
0xa3: {  	_ =	swait.ge [sflag:s9], $0x480  }
0xa4: {  	[sflag:s9] =	ssyncset.done $0x0  }
0xa5: {  	[sflag:s9] =	ssyncadd.s32 $0xFFFFFB80  }
0xa6: {  	_ =	swait.ge [sflag:s16], $0x1200  }
0xa7: {  	[sflag:s16] =	ssyncset.done $0x0  }
0xa8: {  	[sflag:s16] =	ssyncadd.s32 $0xFFFFEE00  }
0xa9: {  	[tilespmem:s17], [sflag:$0x1] =	stream.indirect.gather [spmem:s2], $0x4, s13, s13, $0xb8;
	[tilespmem:$0x11E00] =	vst v63  }
0xaa: {  	_ = 	snop  }
0xab: {  	[spmem:s3] =	stream.indirect.scatter.add.f32 [tilespmem:s14], [sflag:$0x2], $0x4, s12, s18, $0xb8;
	[tilespmem:$0x11E00] =	vst v63  }
0xac: {  	_ =	swait.ge [sflag:s9], $0x200  }
0xad: {  	s11 =	rddreg [dreg:$0x6];
	[sflag:s9] =	ssyncset.done $0x0  }
0xae: {  	s24 =	rddreg [dreg:$0x7];
	[sflag:s9] =	ssyncadd.s32 $0xFFFFFE00  }
0xaf: {  	[spmem:s3] =	stream.indirect.scatter.add.f32 [tilespmem:s24], [sflag:$0x2], $0x4, s11, s18, $0xb8;
	[tilespmem:$0x11E00] =	vst v63  }
0xb0: {  	_ =	swait.ge [sflag:s9], $0x200  }
0xb1: {  	[sflag:s9] =	ssyncset.done $0x0;
	s11 =	rddreg [dreg:$0x8]  }
0xb2: {  	s24 =	rddreg [dreg:$0x9];
	[sflag:s9] =	ssyncadd.s32 $0xFFFFFE00  }
0xb3: {  	[spmem:s3] =	stream.indirect.scatter.add.f32 [tilespmem:s24], [sflag:$0x2], $0x4, s11, s18, $0xb8;
	[tilespmem:$0x11E00] =	vst v63  }
0xb4: {  	_ =	swait.ge [sflag:s9], $0x200  }
0xb5: {  	[sflag:s9] =	ssyncset.done $0x0;
	s11 =	rddreg [dreg:$0xa]  }
0xb6: {  	s24 =	rddreg [dreg:$0xb];
	[sflag:s9] =	ssyncadd.s32 $0xFFFFFE00  }
0xb7: {  	[spmem:s3] =	stream.indirect.scatter.add.f32 [tilespmem:s24], [sflag:$0x2], $0x4, s11, s18, $0xb8;
	[tilespmem:$0x11E00] =	vst v63  }
0xb8: {  	_ =	swait.ge [sflag:s9], $0x200  }
0xb9: {  	[sflag:s9] =	ssyncset.done $0x0;
	s11 =	rddreg [dreg:$0xc]  }
0xba: {  	s24 =	rddreg [dreg:$0xd];
	[sflag:s9] =	ssyncadd.s32 $0xFFFFFE00  }
0xbb: {  	[spmem:s3] =	stream.indirect.scatter.add.f32 [tilespmem:s24], [sflag:$0x2], $0x4, s11, s18, $0xb8;
	[tilespmem:$0x11E00] =	vst v63  }
0xbc: {  	_ =	swait.ge [sflag:s9], $0x200  }
0xbd: {  	[sflag:s9] =	ssyncset.done $0x0;
	s11 =	rddreg [dreg:$0xe]  }
0xbe: {  	s24 =	rddreg [dreg:$0xf];
	[sflag:s9] =	ssyncadd.s32 $0xFFFFFE00  }
0xbf: {  	[spmem:s3] =	stream.indirect.scatter.add.f32 [tilespmem:s24], [sflag:$0x2], $0x4, s11, s18, $0xb8;
	[tilespmem:$0x11E00] =	vst v63  }
0xc0: {  	_ =	swait.ge [sflag:s9], $0x200  }
0xc1: {  	[sflag:s9] =	ssyncset.done $0x0;
	s11 =	rddreg [dreg:$0x10]  }
0xc2: {  	s24 =	rddreg [dreg:$0x11];
	[sflag:s9] =	ssyncadd.s32 $0xFFFFFE00  }
0xc3: {  	[spmem:s3] =	stream.indirect.scatter.add.f32 [tilespmem:s24], [sflag:$0x2], $0x4, s11, s18, $0xb8;
	[tilespmem:$0x11E00] =	vst v63  }
0xc4: {  	_ =	swait.ge [sflag:s9], $0x200  }
0xc5: {  	[sflag:s9] =	ssyncset.done $0x0;
	s11 =	rddreg [dreg:$0x12]  }
0xc6: {  	s24 =	rddreg [dreg:$0x13];
	[sflag:s9] =	ssyncadd.s32 $0xFFFFFE00  }
0xc7: {  	[spmem:s3] =	stream.indirect.scatter.add.f32 [tilespmem:s24], [sflag:$0x2], $0x4, s11, s18, $0xb8;
	[tilespmem:$0x11E00] =	vst v63  }
0xc8: {  	_ =	swait.ge [sflag:s9], $0x200  }
0xc9: {  	[sflag:s9] =	ssyncset.done $0x0;
	s11 =	rddreg [dreg:$0x14]  }
0xca: {  	s24 =	rddreg [dreg:$0x15];
	[sflag:s9] =	ssyncadd.s32 $0xFFFFFE00  }
0xcb: {  	[spmem:s3] =	stream.indirect.scatter.add.f32 [tilespmem:s24], [sflag:$0x2], $0x4, s11, s18, $0xb8;
	[tilespmem:$0x11E00] =	vst v63  }
0xcc: {  	_ =	swait.ge [sflag:s9], $0x200  }
0xcd: {  	[sflag:s9] =	ssyncset.done $0x0  }
0xce: {  	[sflag:s9] =	ssyncadd.s32 $0xFFFFFE00  }
0xcf: {  	_ =	swait.ge [sflag:s16], $0x1200  }
0xd0: {  	[sflag:s16] =	ssyncset.done $0x0  }
0xd1: {  	[sflag:s16] =	ssyncadd.s32 $0xFFFFEE00  }
0xd2: {  	[spmem:s3] =	stream.indirect.scatter.add.f32 [tilespmem:s17], [sflag:$0x2], $0x4, s15, s18, $0xb8;
	[tilespmem:$0x11E00] =	vst v63  }
0xd3: {  	_ =	swait.ge [sflag:s9], $0x200  }
0xd4: {  	[sflag:s9] =	ssyncset.done $0x0;
	s11 =	rddreg [dreg:$0x16]  }
0xd5: {  	s24 =	rddreg [dreg:$0x17];
	[sflag:s9] =	ssyncadd.s32 $0xFFFFFE00  }
0xd6: {  	[spmem:s3] =	stream.indirect.scatter.add.f32 [tilespmem:s24], [sflag:$0x2], $0x4, s11, s18, $0xb8;
	[tilespmem:$0x11E00] =	vst v63  }
0xd7: {  	_ =	swait.ge [sflag:s9], $0x200  }
0xd8: {  	[sflag:s9] =	ssyncset.done $0x0  }
0xd9: {  	[sflag:s9] =	ssyncadd.s32 $0xFFFFFE00  }
0xda: {  	[spmem:s3] =	stream.indirect.scatter.add.f32 [tilespmem:s20], [sflag:$0x2], $0x4, s19, s18, $0xb8;
	[tilespmem:$0x11E00] =	vst v63  }
0xdb: {  	_ =	swait.ge [sflag:s9], $0x200  }
0xdc: {  	[sflag:s9] =	ssyncset.done $0x0  }
0xdd: {  	[sflag:s9] =	ssyncadd.s32 $0xFFFFFE00  }
0xde: {  	[spmem:s3] =	stream.indirect.scatter.add.f32 [tilespmem:s22], [sflag:$0x2], $0x4, s21, s18, $0xb8;
	[tilespmem:$0x11E00] =	vst v63  }
0xdf: {  	_ =	swait.ge [sflag:s9], $0x200  }
0xe0: {  	[sflag:s9] =	ssyncset.done $0x0  }
0xe1: {  	[sflag:s9] =	ssyncadd.s32 $0xFFFFFE00  }
0xe2: {  	[spmem:s3] =	stream.indirect.scatter.add.f32 [tilespmem:s25], [sflag:$0x2], $0x4, s23, s18, $0xb8;
	[tilespmem:$0x11E00] =	vst v63  }
0xe3: {  	_ =	swait.ge [sflag:s9], $0x200  }
0xe4: {  	[sflag:s9] =	ssyncset.done $0x0  }
0xe5: {  	p0 =	sne.s32 s8, $0x17A0;
	[sflag:s9] =	ssyncadd.s32 $0xFFFFFE00  }
0xe6: {  	[spmem:s3] =	stream.indirect.scatter.add.f32 [tilespmem:s28], [sflag:$0x2], $0x4, s26, s18, $0xb8;
	[tilespmem:$0x11E00] =	vst v63  }
.Ltmp0:
0xe7: {  	_ =	swait.ge [sflag:s9], $0x200;
	(pc) =	sbr.rel @p0 .LBB2_2-.Ltmp0, $4  }
0xe8: {  	[sflag:s9] =	ssyncset.done $0x0  }
0xe9: {  	[sflag:s9] =	ssyncadd.s32 $0xFFFFFE00  }
0xea: {  	[spmem:s3] =	stream.indirect.scatter.add.f32 [tilespmem:s30], [sflag:$0x2], $0x4, s29, s18, $0xb8;
	[tilespmem:$0x11E00] =	vst v63  }
0xeb: {  	s8 =	sadd.s32 $0x120, s8;
	_ =	swait.ge [sflag:s9], $0x200  }
0xec: {  	[sflag:s9] =	ssyncset.done $0x0  }
0xed: {  	[sflag:s9] =	ssyncadd.s32 $0xFFFFFE00  }
0xee: {  	[spmem:s3] =	stream.indirect.scatter.add.f32 [tilespmem:s0], [sflag:$0x2], $0x4, s31, s18, $0xb8;
	[tilespmem:$0x11E00] =	vst v63  }
0xef: {  	_ =	swait.ge [sflag:s9], $0x200  }
0xf0: {  	[sflag:s9] =	ssyncset.done $0x0  }
0xf1: {  	[sflag:s9] =	ssyncadd.s32 $0xFFFFFE00  }
0xf2: {  	[spmem:s3] =	stream.indirect.scatter.add.f32 [tilespmem:s5], [sflag:$0x2], $0x4, s1, s18, $0xb8;
	[tilespmem:$0x11E00] =	vst v63  }
0xf3: {  	_ =	swait.ge [sflag:s9], $0x200  }
0xf4: {  	[sflag:s9] =	ssyncset.done $0x0  }
0xf5: {  	[sflag:s9] =	ssyncadd.s32 $0xFFFFFE00  }
0xf6: {  	[bflag:$0x0] =	sbarrier.arrive $0xFFFF  }
0xf7: {  	s11 =	rddreg [dreg:$0x1c]  }
0xf8: {  	s8 =	rddreg [dreg:$0x1d]  }
0xf9: {  	[hbm:s8], [sflag:s6] =	dma.local [spmem:s11], $0x1880  }
0xfa: {  	_ =	swait.ge [sflag:s9], $0x1880  }
0xfb: {  	s7 =	sadd.s32 $0x1, s7;
	s24 =	rddreg [dreg:$0x19]  }
0xfc: {  	p0 =	sne.s32 s7, s24  }
.Ltmp1:
0xfd: {  	_ = 	snop;
	(pc) =	sbr.rel @p0 .LBB2_1-.Ltmp1, $3  }
0xfe: {  	_ =	sdelay $0x1  }
0xff: {  	[sflag:s9] =	ssyncset.done $0x0  }
0x100: {  	[sflag:s9] =	ssyncadd.s32 $0xFFFFE780  }
0x101: {  	_ =	sfence.sel $0x180000  }
0x102: {  	[bflag:$0x0] =	sbarrier.arrive $0xFFFF  }
0x103: {  	_ =	strace $0x9000004A  }
0x104: {  	s0 =	stileid.u32;
	[bflag:$0x2] =	sbarrier.arrive $0xFFFF  }
0x105: {  	p0 =	sne.s32 s0, $0x0;
	s0 =	rddreg [dreg:$0x3]  }
0x106: {  	s0 =	sadd.s32 @!p0 $0x100000, s0  }
0x107: {  	[sflag:s0] =	ssyncadd.tile.s32 @!p0 $0x1;
	_ =	shalt  }
.Lfunc_end2:
_tile_overlayer_lowered:
.L_overlay_start_2:
0x108: {  	(tag) =	ssettag $0x2  }
0x109: {  	s0 =	rddreg [dreg:$0x0];
	s2 =	stileid.u32  }
0x10a: {  	s1 =	rddreg [dreg:$0x1];
	p0 =	sne.s32 s2, $0x0  }
0x10b: {  	s3 =	rddreg [dreg:$0x2];
	[bflag:$0x3] =	sbarrier.arrive $0xFFFF;
	s2 =	simm.s32 @!p0 $0x1C02  }
0x10c: {  	[timem:s3], [sflag:s2] =	dma.local @!p0 [hbm:s0], s1  }
0x10d: {  	s0 =	simm.s32 @!p0 $0x2  }
0x10e: {  	_ =	swait.ge @!p0 [sflag:s0], s1  }
0x10f: {  	s1 =	ssub.s32 @!p0 $0x0, s1;
	[sflag:s0] =	ssyncset.done @!p0 $0x0  }
0x110: {  	[sflag:s0] =	ssyncadd.s32 @!p0 s1  }
0x111: {  	[bflag:$0x3] =	sbarrier.arrive $0xFFFF  }
0x112: {  	_ =	shalt  }

// kernel: kernel.14.cloned.1.call-start
scs
__scs_entry_jumppad:
0x0: {  	(pc) =	sbr.rel $0x88, $3  }
0x1: {  	(tag) =	ssettag $0x0;
	lr =	simm.s32 $0x1  }
0x2: {  	[smem:$0x3F99] =	sst lr;
	_ =	strace $0xD0000000  }
0x3: {  	_ = 	snop  }
0x4: {  	_ = 	snop  }
0x5: {  	_ = 	snop  }
0x6: {  	_ = 	snop  }
0x7: {  	_ = 	snop  }
__scs_overlays_trampoline_lowered:
0x8: {  	[smem:$0x3FA8] =	sst s0  }
0x9: {  	[smem:$0x3FA9] =	sst s1  }
0xa: {  	[smem:$0x3FAA] =	sst s2  }
0xb: {  	[smem:$0x3FAB] =	sst s3  }
0xc: {  	[smem:$0x3FAC] =	sst s4  }
0xd: {  	[smem:$0x3FAD] =	sst s5  }
0xe: {  	[smem:$0x3FAE] =	sst s6  }
0xf: {  	[smem:$0x3FAF] =	sst s7  }
0x10: {  	[smem:$0x3FB0] =	sst s8  }
0x11: {  	[smem:$0x3FB1] =	sst s9;
	s0 =	simm.s32 @!p0 $0x0  }
0x12: {  	s1 =	sld [smem:$0x3F97];
	s0 =	simm.s32 @p0 $0x1  }
0x13: {  	[smem:$0x3FB2] =	sst s0;
	s0 =	simm.s32 @!p1 $0x0  }
0x14: {  	s2 =	sld [smem:$0x3F96];
	s0 =	simm.s32 @p1 $0x1  }
0x15: {  	[smem:$0x3FB3] =	sst s0;
	s0 =	simm.s32 @!p2 $0x0  }
0x16: {  	s3 =	sld [smem:$0x3FDB];
	s0 =	simm.s32 @p2 $0x1  }
0x17: {  	s4 =	simm.s32 $0x1BF5;
	[smem:$0x3FB5] =	sst s0  }
0x18: {  	s0 =	sld [smem:$0x3F98];
	_ =	swait.ge [sflag:s4], $0x0  }
0x19: {  	s7 =	sld [smem:$0x3F99]  }
0x1a: {  	s8 =	sadd.s32 $0xFFFFE003, lr  }
0x1b: {  	s9 =	sadd.s32 $0xFFFFFEF7, lr;
	s5 =	simm.s32 $0xFFFFFFFF;
	p2 =	slt.u32 s8, $0xFFFFF086  }
0x1c: {  	p1 =	slt.u32 s9, $0xF7A;
	s5 =	simm.s32 @!p2 $0x0  }
0x1d: {  	s5 =	simm.s32 @p1 $0x1;
	p0 =	seq.s32 s7, s2  }
0x1e: {  	s7 =	smul.u32 @!p0 $0xF7A, s2;
	p2 =	seq.s32 @!p0 s5, $0x0  }
0x1f: {  	s9 =	smul.u32 $0xF7A, s1;
	s8 =	simm.s32 @!p0 $0x1BF5;
	p2 =	por !p2, p0  }
0x20: {  	[sflag:s8] =	ssyncset.s32 @!p0 $0xFFFFF086;
	s6 =	sadd.s32 @!p0 s3, s7;
	s7 =	simm.s32 @!p0 $0x108  }
0x21: {  	s3 =	sadd.s32 s3, s9;
	s6 =	sadd.s32 @!p0 $0x88, s6;
	s7 =	simm.s32 @p2 $0x1082  }
0x22: {  	[simem:s7], [sflag:s8] =	dma.local @!p0 [hbm:s6], $0xF7A  }
0x23: {  	s9 =	sor.u32 $0xD0000000, s2;
	s6 =	simm.s32 $0x108;
	_ =	swait.ge @!p0 [sflag:s8], $0x0  }
0x24: {  	s3 =	sadd.s32 $0x88, s3;
	s6 =	simm.s32 @!p1 $0x1082;
	[sflag:s4] =	ssyncset.s32 $0xFFFFF086  }
0x25: {  	[simem:s6], [sflag:s4] =	dma.local [hbm:s3], $0xF7A  }
0x26: {  	[smem:$0x3F99] =	sst s1;
	(tag) =	ssettag s2;
	_ =	strace s9  }
0x27: {  	s1 =	sld [smem:$0x3FA9]  }
0x28: {  	s2 =	sld [smem:$0x3FAA]  }
0x29: {  	s4 =	sld [smem:$0x3FAC]  }
0x2a: {  	p0 =	seq.s32 s5, $0x0;
	s5 =	sld [smem:$0x3FAD]  }
0x2b: {  	s6 =	sld [smem:$0x3FAE]  }
0x2c: {  	s7 =	sld [smem:$0x3FAF]  }
0x2d: {  	s3 =	simm.s32 $0x108;
	s8 =	sld [smem:$0x3FB0]  }
0x2e: {  	s3 =	simm.s32 @!p0 $0x1082;
	s9 =	sld [smem:$0x3FB1]  }
0x2f: {  	lr =	sadd.s32 s0, s3;
	s0 =	sld [smem:$0x3FA8]  }
0x30: {  	s3 =	sld [smem:$0x3FAB]  }
0x31: {  	[smem:$0x3FB4] =	sst s10  }
0x32: {  	s10 =	sld [smem:$0x3FB2];
	_ =	sdelay $0x3  }
0x33: {  	p0 =	seq.s32 s10, $0x1;
	s10 =	sld [smem:$0x3FB4];
	_ =	sdelay $0x3  }
0x34: {  	[smem:$0x3FB4] =	sst s10  }
0x35: {  	s10 =	sld [smem:$0x3FB3];
	_ =	sdelay $0x3  }
0x36: {  	p1 =	seq.s32 s10, $0x1;
	s10 =	sld [smem:$0x3FB4];
	_ =	sdelay $0x3  }
0x37: {  	[smem:$0x3FB4] =	sst s10  }
0x38: {  	s10 =	sld [smem:$0x3FB5]  }
0x39: {  	_ = 	snop;
	(pc) =	sbr.ind lr, $3  }
0x3a: {  	_ = 	snop  }
0x3b: {  	_ = 	snop  }
0x3c: {  	p2 =	seq.s32 s10, $0x1;
	s10 =	sld [smem:$0x3FB4]  }
0x3d: {  	_ =	shalt  }
0x3e: {  	_ =	shalt  }
0x3f: {  	_ =	shalt  }
0x40: {  	_ =	shalt  }
0x41: {  	_ =	shalt  }
0x42: {  	_ =	shalt  }
0x43: {  	_ =	shalt  }
0x44: {  	_ =	shalt  }
0x45: {  	_ =	shalt  }
0x46: {  	_ =	shalt  }
0x47: {  	_ =	shalt  }
0x48: {  	_ =	shalt  }
0x49: {  	_ =	shalt  }
0x4a: {  	_ =	shalt  }
0x4b: {  	_ =	shalt  }
0x4c: {  	_ =	shalt  }
0x4d: {  	_ =	shalt  }
0x4e: {  	_ =	shalt  }
0x4f: {  	_ =	shalt  }
0x50: {  	_ =	shalt  }
0x51: {  	_ =	shalt  }
0x52: {  	_ =	shalt  }
0x53: {  	_ =	shalt  }
0x54: {  	_ =	shalt  }
0x55: {  	_ =	shalt  }
0x56: {  	_ =	shalt  }
0x57: {  	_ =	shalt  }
0x58: {  	_ =	shalt  }
0x59: {  	_ =	shalt  }
0x5a: {  	_ =	shalt  }
0x5b: {  	_ =	shalt  }
0x5c: {  	_ =	shalt  }
0x5d: {  	_ =	shalt  }
0x5e: {  	_ =	shalt  }
0x5f: {  	_ =	shalt  }
0x60: {  	_ =	shalt  }
0x61: {  	_ =	shalt  }
0x62: {  	_ =	shalt  }
0x63: {  	_ =	shalt  }
0x64: {  	_ =	shalt  }
0x65: {  	_ =	shalt  }
0x66: {  	_ =	shalt  }
0x67: {  	_ =	shalt  }
0x68: {  	_ =	shalt  }
0x69: {  	_ =	shalt  }
0x6a: {  	_ =	shalt  }
0x6b: {  	_ =	shalt  }
0x6c: {  	_ =	shalt  }
0x6d: {  	_ =	shalt  }
0x6e: {  	_ =	shalt  }
0x6f: {  	_ =	shalt  }
0x70: {  	_ =	shalt  }
0x71: {  	_ =	shalt  }
0x72: {  	_ =	shalt  }
0x73: {  	_ =	shalt  }
0x74: {  	_ =	shalt  }
0x75: {  	_ =	shalt  }
0x76: {  	_ =	shalt  }
0x77: {  	_ =	shalt  }
0x78: {  	_ =	shalt  }
0x79: {  	_ =	shalt  }
0x7a: {  	_ =	shalt  }
0x7b: {  	_ =	shalt  }
0x7c: {  	_ =	shalt  }
0x7d: {  	_ =	shalt  }
0x7e: {  	_ =	shalt  }
0x7f: {  	_ =	shalt  }
0x80: {  	_ =	shalt  }
0x81: {  	_ =	shalt  }
0x82: {  	_ =	shalt  }
0x83: {  	_ =	shalt  }
0x84: {  	_ =	shalt  }
0x85: {  	_ =	shalt  }
0x86: {  	_ =	shalt  }
0x87: {  	_ =	shalt  }
.Lfunc_end0:
.L_simem_size_0:
called_computation.2_lowered:
.L_overlay_start_0:
0x88: {  	s2 =	sld [smem:$0x3FD9]  }
0x89: {  	s3 =	sld [smem:$0x3FFE];
	_ =	sdelay $0x1  }
0x8a: {  	s1 =	srdreg.scid  }
0x8b: {  	s0 =	sand.u32 $0x1, s1  }
0x8c: {  	s16 =	sshll.u32 s0, $0xA;
	s2 =	sadd.s32 s3, s2  }
0x8d: {  	s2 =	sadd.s32 s2, s16  }
0x8e: {  	[smem:$0x3FC0] =	sst s2  }
0x8f: {  	_ = 	snop  }
0x90: {  	(tm) =	ssettm $0x1  }
0x91: {  	s17 =	sld [smem:$0x3FFB];
	_ =	sdelay $0x3  }
0x92: {  	_ =	strace s17  }
0x93: {  	s2 =	sld [smem:$0x3FFC];
	_ =	sdelay $0x3  }
0x94: {  	_ =	strace s2  }
0x95: {  	s2 =	sld [smem:$0x3FFD];
	_ =	sdelay $0x3  }
0x96: {  	_ =	strace s2  }
0x97: {  	_ =	strace $0x8FFFFFFF  }
0x98: {  	s18 =	sld [smem:$0x3FDB];
	_ =	sdelay $0x1  }
0x99: {  	s19 =	simm.s32 $_scs_section_size  }
0x9a: {  	s4 =	simm.s32 $_size__tile_overlayer_lowered;
	s5 =	simm.s32 $_tile_overlayer_lowered  }
0x9b: {  	s22 =	simm.s32 $0x1BFF;
	s21 =	sshll.u32 s5, $0x1;
	s2 =	sadd.s32 s19, s18  }
0x9c: {  	s6 =	simm.s32 $0x0;
	s20 =	sshll.u32 s4, $0x1;
	s4 =	sadd.s32 s21, s2  }
0x9d: {  	[timem:s6], [sflag:s22] =	dma.local [hbm:s4], s20  }
0x9e: {  	_ =	swait.ge [sflag:s22], s20  }
0x9f: {  	s3 =	ssub.s32 $0x0, s20;
	[sflag:s22] =	ssyncset.done $0x0  }
0xa0: {  	[sflag:s22] =	ssyncadd.s32 s3;
	_ =	sdelay $0x1  }
0xa1: {  	s23 =	simm.s32 $0x1B8B  }
0xa2: {  	_ =	swait.ge [sflag:s23], $0x1  }
0xa3: {  	[sflag:s23] =	ssyncset.done $0x0  }
0xa4: {  	s25 =	simm.s32 $0x1B8E;
	s24 =	sld [smem:$0x3FFE];
	[sflag:s23] =	ssyncadd.s32 $0xFFFFFFFF  }
0xa5: {  	s26 =	simm.s32 $execute0_lowered;
	[smem:$0x3FD2] =	sst s25  }
0xa6: {  	s4 =	sshll.u32 s26, $0x1;
	_ =	strace $0x8000004C;
	[dreg:$0x1] =	wrdreg $0xFFFFFFFF  }
0xa7: {  	s28 =	simm.s32 $_size_execute0_lowered;
	s2 =	sadd.s32 s2, s4;
	[dreg:$0x0] =	wrdreg $0x0  }
0xa8: {  	s4 =	sshll.u32 s28, $0x1;
	[dreg:$0x2] =	wrdreg s2  }
0xa9: {  	[dreg:$0x3] =	wrdreg s4  }
0xaa: {  	[dreg:$0x4] =	wrdreg $0xC0  }
0xab: {  	_ =	task [dreg:s6], $0x5FFFF  }
0xac: {  	[dreg:$0x1] =	wrdreg $0xFFFFFFFF  }
0xad: {  	[dreg:$0x0] =	wrdreg $0x60  }
0xae: {  	[dreg:$0x2] =	wrdreg s24  }
0xaf: {  	[dreg:$0x3] =	wrdreg $0x6C000  }
0xb0: {  	[dreg:$0x4] =	wrdreg $0x9  }
0xb1: {  	_ =	task.clear_ibuf [dreg:s6], $0x5FFFF;
	_ =	strace $0x9000004C  }
0xb2: {  	s29 =	simm.s32 $0x9;
	_ =	strace $0x8000004E  }
0xb3: {  	_ =	swait.ge [sflag:s29], $0x1  }
0xb4: {  	[sflag:s29] =	ssyncadd.s32 $0xFFFFFFFF  }
0xb5: {  	_ =	strace $0x9000004E  }
0xb6: {  	_ =	sfence  }
0xb7: {  	s30 =	sld [smem:$0x0];
	_ =	sdelay $0x2  }
0xb8: {  	s31 =	sshll.u32 s1, $0xD;
	s1 =	sshrl.u32 s1, $0x2  }
0xb9: {  	s3 =	sand.u32 $0x4000, s31;
	s1 =	sadd.s32 s1, s30  }
0xba: {  	s0 =	sor.u32 s3, s0;
	s1 =	sshll.u32 s1, $0x11  }
0xbb: {  	s0 =	sor.u32 s1, s0  }
0xbc: {  	s0 =	sadd.s32 $0x8F2B, s0  }
0xbd: {  	[sflag:s0] =	ssyncadd.remote.s32 $0x1  }
0xbe: {  	_ =	sfence.sel $0xFFFF  }
0xbf: {  	[dreg:$0x0] =	wrdreg $0xFFFFFFFF;
	(pc) =	sbr.abs _section_cstart, $3  }
0xc0: {  	[dreg:$0x1] =	wrdreg $0xFFFFFFFF  }
0xc1: {  	_ =	task.clear_ibuf [dreg:s6], $0x2FFFF;
	_ =	strace $0x9FFFFFFF  }
0xc2: {  	(tm) =	ssettm $0x7FFFFFFF  }
0xc3: {  	_ =	shalt  }
tec
execute0_lowered:
.L_overlay_start_1:
0x0: {  	(tag) =	ssettag $0x1  }
0x1: {  	s0 =	rddreg [dreg:$0x0]  }
0x2: {  	s2 =	rddreg [dreg:$0x1]  }
0x3: {  	s3 =	simm.s32 $0x0;
	s11 =	stileid.u32;
	s4 =	srdreg.scid  }
0x4: {  	s13 =	simm.s32 $0x2;
	s15 =	simm.s32 $0x300;
	s18 =	simm.s32 $0x1  }
0x5: {  	s17 =	simm.s32 $0x4C00;
	s14 =	simm.s32 $0xA80;
	s1 =	smul.u32 $0x3180, s11  }
0x6: {  	[smem:$0x7FF] =	sst s3;
	s4 =	sand.u32 $0x1, s4;
	s5 =	smul.u32 $0x18800, s11  }
0x7: {  	s8 =	sadd.s32 $0x64800, s0;
	s22 =	sshll.u32 s11, $0x6;
	s11 =	simm.s32 $0x0  }
0x8: {  	_ =	strace $0x8000004D;
	s6 =	ssub.s32 $0x2, s4;
	s7 =	smul.u32 $0x62000, s4  }
0x9: {  	s10 =	smul.u32 $0x310000, s4;
	s28 =	sor.u32 $0x1C02, s22;
	s22 =	simm.s32 $0x980  }
0xa: {  	s4 =	simm.s32 $0xA00;
	s1 =	sadd.s32 s1, s0;
	s9 =	sshrl.u32 s6, $0x1  }
0xb: {  	s0 =	sadd.s32 $0x128800, s0;
	s19 =	sadd.s32 s5, s2;
	s12 =	sshrl.u32 s5, $0x3  }
0xc: {  	[dreg:$0x7] =	wrdreg s28;
	s6 =	ssub.s32 s6, s9;
	s31 =	sadd.s32 s8, s7  }
0xd: {  	s20 =	sshrl.u32 s10, $0x3;
	s7 =	sadd.s32 s0, s7;
	s24 =	sadd.s32 $0x33000, s1  }
0xe: {  	s25 =	sadd.s32 $0x1800, s1;
	s29 =	sshrl.u32 s19, $0x3;
	[dreg:$0x5] =	wrdreg s12  }
0xf: {  	s19 =	simm.s32 $0x5400;
	s1 =	simm.s32 $0x5C00;
	s9 =	simm.s32 $0x6400  }
0x10: {  	s21 =	sadd.s32 s12, s31;
	s5 =	sadd.s32 $0x31000, s20;
	[dreg:$0x3] =	wrdreg s24  }
0x11: {  	s23 =	smax.u32 s6, $0x1;
	[dreg:$0x4] =	wrdreg s25;
	s20 =	simm.s32 $0x80  }
0x12: {  	s26 =	sadd.s32 s12, s7;
	s24 =	simm.s32 $0x780;
	[dreg:$0x9] =	wrdreg s29  }
0x13: {  	s25 =	simm.s32 $0x2400;
	s7 =	simm.s32 $0x2C00;
	[dreg:$0x6] =	wrdreg s21  }
0x14: {  	s6 =	simm.s32 $0xB80;
	s10 =	sadd.s32 s8, s5;
	[dreg:$0x8] =	wrdreg s23  }
0x15: {  	s21 =	sadd.s32 s0, s5;
	[dreg:$0xa] =	wrdreg s26;
	s5 =	simm.s32 $0x800  }
0x16: {  	s23 =	simm.s32 $0x4400;
	s0 =	simm.s32 $0xB00;
	s30 =	sadd.s32 s12, s21  }
0x17: {  	s12 =	simm.s32 $0x880;
	s21 =	simm.s32 $0x3400;
	[dreg:$0xb] =	wrdreg s30  }
.LBB2_1:
0x18: {  	[dreg:$0xc] =	wrdreg s11  }
0x19: {  	s26 =	rddreg [dreg:$0x6]  }
0x1a: {  	[spmem:s29], [sflag:s28] =	dma.local [hbm:s26], $0x3100  }
0x1b: {  	_ =	swait.ge [sflag:s13], $0x3100  }
0x1c: {  	[sflag:s13] =	ssyncset.done $0x0  }
0x1d: {  	[sflag:s13] =	ssyncadd.s32 $0xFFFFCF00  }
0x1e: {  	[bflag:$0x0] =	sbarrier.arrive $0xFFFF  }
0x1f: {  	s8 =	rddreg [dreg:$0x3]  }
0x20: {  	s11 =	sadd.s32 $0x0, s8  }
0x21: {  	[tilespmem:s3], [sflag:$0x2] =	stream.linear.gather [hbm4b:s11+s3], $0x300, $0x38;
	[tilespmem:$0x1F400] =	vst v63  }
0x22: {  	_ =	swait.ge [sflag:s13], $0x300  }
0x23: {  	[sflag:s13] =	ssyncset.done $0x0;
	s16 =	rddreg [dreg:$0x4]  }
0x24: {  	s29 =	simm.s32 $0x600;
	[sflag:s13] =	ssyncadd.s32 $0xFFFFFD00;
	s28 =	sadd.s32 $0x0, s16  }
0x25: {  	[tilespmem:s29], [sflag:$0x2] =	stream.linear.gather [hbm4b:s28+s3], $0x300, $0x38;
	[tilespmem:$0x1F400] =	vst v63  }
0x26: {  	_ =	swait.ge [sflag:s13], $0x300  }
0x27: {  	[sflag:s13] =	ssyncset.done $0x0  }
0x28: {  	s16 =	simm.s32 $0xC00;
	[sflag:s13] =	ssyncadd.s32 $0xFFFFFD00  }
0x29: {  	[tilespmem:s16], [sflag:$0x1] =	stream.indirect.gather [hbm4b:s31+s15], $0x10, s3, s15, $0xb8;
	[tilespmem:$0x1F400] =	vst v63  }
0x2a: {  	s26 =	sadd.s32 $0x60, s11  }
0x2b: {  	[tilespmem:s15], [sflag:$0x2] =	stream.linear.gather [hbm4b:s26+s3], $0x300, $0x38;
	[tilespmem:$0x1F400] =	vst v63  }
0x2c: {  	_ =	swait.ge [sflag:s13], $0x300  }
0x2d: {  	[sflag:s13] =	ssyncset.done $0x0  }
0x2e: {  	s11 =	simm.s32 $0x900;
	s30 =	sadd.s32 $0x60, s28;
	[sflag:s13] =	ssyncadd.s32 $0xFFFFFD00  }
0x2f: {  	[tilespmem:s11], [sflag:$0x2] =	stream.linear.gather [hbm4b:s30+s3], $0x300, $0x38;
	[tilespmem:$0x1F400] =	vst v63  }
0x30: {  	_ =	swait.ge [sflag:s13], $0x300  }
0x31: {  	[sflag:s13] =	ssyncset.done $0x0  }
0x32: {  	[sflag:s13] =	ssyncadd.s32 $0xFFFFFD00  }
0x33: {  	_ =	swait.ge [sflag:s18], $0x3000  }
0x34: {  	[sflag:s18] =	ssyncset.done $0x0  }
0x35: {  	s26 =	simm.s32 $0x3C00;
	[sflag:s18] =	ssyncadd.s32 $0xFFFFD000  }
0x36: {  	[tilespmem:s26], [sflag:$0x1] =	stream.indirect.gather [hbm4b:s31+s15], $0x10, s15, s15, $0xb8;
	[tilespmem:$0x1F400] =	vst v63  }
0x37: {  	_ = 	snop  }
0x38: {  	[spmem:s2] =	stream.indirect.scatter.add.f32 [tilespmem:s16], [sflag:$0x2], $0x10, s29, s20, $0xb8;
	[tilespmem:$0x1F400] =	vst v63  }
0x39: {  	_ =	swait.ge [sflag:s13], $0x800  }
0x3a: {  	[sflag:s13] =	ssyncset.done $0x0  }
0x3b: {  	s30 =	simm.s32 $0x1400;
	s29 =	simm.s32 $0x680;
	[sflag:s13] =	ssyncadd.s32 $0xFFFFF800  }
0x3c: {  	[spmem:s2] =	stream.indirect.scatter.add.f32 [tilespmem:s30], [sflag:$0x2], $0x10, s29, s20, $0xb8;
	[tilespmem:$0x1F400] =	vst v63  }
0x3d: {  	_ =	swait.ge [sflag:s13], $0x800  }
0x3e: {  	[sflag:s13] =	ssyncset.done $0x0  }
0x3f: {  	s29 =	simm.s32 $0x700;
	s30 =	simm.s32 $0x1C00;
	[sflag:s13] =	ssyncadd.s32 $0xFFFFF800  }
0x40: {  	[spmem:s2] =	stream.indirect.scatter.add.f32 [tilespmem:s30], [sflag:$0x2], $0x10, s29, s20, $0xb8;
	[tilespmem:$0x1F400] =	vst v63  }
0x41: {  	_ =	swait.ge [sflag:s13], $0x800  }
0x42: {  	[sflag:s13] =	ssyncset.done $0x0  }
0x43: {  	[sflag:s13] =	ssyncadd.s32 $0xFFFFF800  }
0x44: {  	[spmem:s2] =	stream.indirect.scatter.add.f32 [tilespmem:s25], [sflag:$0x2], $0x10, s24, s20, $0xb8;
	[tilespmem:$0x1F400] =	vst v63  }
0x45: {  	_ =	swait.ge [sflag:s13], $0x800  }
0x46: {  	[sflag:s13] =	ssyncset.done $0x0  }
0x47: {  	[sflag:s13] =	ssyncadd.s32 $0xFFFFF800  }
0x48: {  	[spmem:s2] =	stream.indirect.scatter.add.f32 [tilespmem:s7], [sflag:$0x2], $0x10, s5, s20, $0xb8;
	[tilespmem:$0x1F400] =	vst v63  }
0x49: {  	_ =	swait.ge [sflag:s13], $0x800  }
0x4a: {  	[sflag:s13] =	ssyncset.done $0x0  }
0x4b: {  	[sflag:s13] =	ssyncadd.s32 $0xFFFFF800  }
0x4c: {  	[spmem:s2] =	stream.indirect.scatter.add.f32 [tilespmem:s21], [sflag:$0x2], $0x10, s12, s20, $0xb8;
	[tilespmem:$0x1F400] =	vst v63  }
0x4d: {  	_ =	swait.ge [sflag:s13], $0x800  }
0x4e: {  	[sflag:s13] =	ssyncset.done $0x0  }
0x4f: {  	[sflag:s13] =	ssyncadd.s32 $0xFFFFF800  }
0x50: {  	_ =	swait.ge [sflag:s18], $0x3000  }
0x51: {  	[sflag:s18] =	ssyncset.done $0x0  }
0x52: {  	[sflag:s18] =	ssyncadd.s32 $0xFFFFD000  }
0x53: {  	[spmem:s2] =	stream.indirect.scatter.add.f32 [tilespmem:s26], [sflag:$0x2], $0x10, s11, s20, $0xb8;
	[tilespmem:$0x1F400] =	vst v63  }
0x54: {  	_ =	swait.ge [sflag:s13], $0x800  }
0x55: {  	[sflag:s13] =	ssyncset.done $0x0  }
0x56: {  	[sflag:s13] =	ssyncadd.s32 $0xFFFFF800  }
0x57: {  	[spmem:s2] =	stream.indirect.scatter.add.f32 [tilespmem:s23], [sflag:$0x2], $0x10, s22, s20, $0xb8;
	[tilespmem:$0x1F400] =	vst v63  }
0x58: {  	_ =	swait.ge [sflag:s13], $0x800  }
0x59: {  	[sflag:s13] =	ssyncset.done $0x0  }
0x5a: {  	[sflag:s13] =	ssyncadd.s32 $0xFFFFF800  }
0x5b: {  	[spmem:s2] =	stream.indirect.scatter.add.f32 [tilespmem:s17], [sflag:$0x2], $0x10, s4, s20, $0xb8;
	[tilespmem:$0x1F400] =	vst v63  }
0x5c: {  	_ =	swait.ge [sflag:s13], $0x800  }
0x5d: {  	[sflag:s13] =	ssyncset.done $0x0  }
0x5e: {  	[sflag:s13] =	ssyncadd.s32 $0xFFFFF800  }
0x5f: {  	[spmem:s2] =	stream.indirect.scatter.add.f32 [tilespmem:s19], [sflag:$0x2], $0x10, s14, s20, $0xb8;
	[tilespmem:$0x1F400] =	vst v63  }
0x60: {  	_ =	swait.ge [sflag:s13], $0x800  }
0x61: {  	[sflag:s13] =	ssyncset.done $0x0  }
0x62: {  	[sflag:s13] =	ssyncadd.s32 $0xFFFFF800  }
0x63: {  	[spmem:s2] =	stream.indirect.scatter.add.f32 [tilespmem:s1], [sflag:$0x2], $0x10, s0, s20, $0xb8;
	[tilespmem:$0x1F400] =	vst v63  }
0x64: {  	_ =	swait.ge [sflag:s13], $0x800  }
0x65: {  	[sflag:s13] =	ssyncset.done $0x0  }
0x66: {  	[sflag:s13] =	ssyncadd.s32 $0xFFFFF800  }
0x67: {  	[spmem:s2] =	stream.indirect.scatter.add.f32 [tilespmem:s9], [sflag:$0x2], $0x10, s6, s20, $0xb8;
	[tilespmem:$0x1F400] =	vst v63  }
0x68: {  	_ =	swait.ge [sflag:s13], $0x800  }
0x69: {  	s28 =	simm.s32 $0x180;
	s26 =	simm.s32 $0xC0;
	[sflag:s13] =	ssyncset.done $0x0  }
.LBB2_2:
0x6a: {  	s8 =	rddreg [dreg:$0x3]  }
0x6b: {  	[sflag:s13] =	ssyncadd.s32 $0xFFFFF800;
	s29 =	sadd.s32 $0xC0, s28;
	s30 =	sadd.s32 s26, s8  }
0x6c: {  	[tilespmem:s3], [sflag:$0x2] =	stream.linear.gather [hbm4b:s30+s3], $0x300, $0x38;
	[tilespmem:$0x1F400] =	vst v63  }
0x6d: {  	p0 =	sne.s32 s28, $0x30C0;
	s16 =	simm.s32 $0x600;
	_ =	swait.ge [sflag:s13], $0x300  }
0x6e: {  	s8 =	smov.u32 s31;
	[sflag:s13] =	ssyncset.done $0x0;
	s11 =	rddreg [dreg:$0x4]  }
0x6f: {  	s31 =	smov.u32 s28;
	[sflag:s13] =	ssyncadd.s32 $0xFFFFFD00;
	s28 =	sadd.s32 s26, s11  }
0x70: {  	[tilespmem:s16], [sflag:$0x2] =	stream.linear.gather [hbm4b:s28+s3], $0x300, $0x38;
	[tilespmem:$0x1F400] =	vst v63  }
0x71: {  	_ =	swait.ge [sflag:s13], $0x300  }
0x72: {  	[sflag:s13] =	ssyncset.done $0x0  }
0x73: {  	s11 =	simm.s32 $0xC00;
	[sflag:s13] =	ssyncadd.s32 $0xFFFFFD00  }
0x74: {  	[tilespmem:s11], [sflag:$0x1] =	stream.indirect.gather [hbm4b:s8+s15], $0x10, s3, s15, $0xb8;
	[tilespmem:$0x1F400] =	vst v63  }
0x75: {  	s30 =	sadd.s32 $0x60, s30  }
0x76: {  	[tilespmem:s15], [sflag:$0x2] =	stream.linear.gather [hbm4b:s30+s3], $0x300, $0x38;
	[tilespmem:$0x1F400] =	vst v63  }
0x77: {  	_ =	swait.ge [sflag:s13], $0x300  }
0x78: {  	[sflag:s13] =	ssyncset.done $0x0  }
0x79: {  	s28 =	sadd.s32 $0x60, s28;
	s30 =	simm.s32 $0x900;
	[sflag:s13] =	ssyncadd.s32 $0xFFFFFD00  }
0x7a: {  	[tilespmem:s30], [sflag:$0x2] =	stream.linear.gather [hbm4b:s28+s3], $0x300, $0x38;
	[tilespmem:$0x1F400] =	vst v63  }
0x7b: {  	_ =	swait.ge [sflag:s13], $0x300  }
0x7c: {  	[sflag:s13] =	ssyncset.done $0x0  }
0x7d: {  	[sflag:s13] =	ssyncadd.s32 $0xFFFFFD00  }
0x7e: {  	_ =	swait.ge [sflag:s18], $0x3000  }
0x7f: {  	[sflag:s18] =	ssyncset.done $0x0  }
0x80: {  	s28 =	simm.s32 $0x3C00;
	[sflag:s18] =	ssyncadd.s32 $0xFFFFD000  }
0x81: {  	[tilespmem:s28], [sflag:$0x1] =	stream.indirect.gather [hbm4b:s8+s15], $0x10, s15, s15, $0xb8;
	[tilespmem:$0x1F400] =	vst v63  }
0x82: {  	_ = 	snop  }
0x83: {  	[spmem:s2] =	stream.indirect.scatter.add.f32 [tilespmem:s11], [sflag:$0x2], $0x10, s16, s20, $0xb8;
	[tilespmem:$0x1F400] =	vst v63  }
0x84: {  	_ =	swait.ge [sflag:s13], $0x800  }
0x85: {  	[sflag:s13] =	ssyncset.done $0x0  }
0x86: {  	s11 =	simm.s32 $0x680;
	s16 =	simm.s32 $0x1400;
	[sflag:s13] =	ssyncadd.s32 $0xFFFFF800  }
0x87: {  	[spmem:s2] =	stream.indirect.scatter.add.f32 [tilespmem:s16], [sflag:$0x2], $0x10, s11, s20, $0xb8;
	[tilespmem:$0x1F400] =	vst v63  }
0x88: {  	_ =	swait.ge [sflag:s13], $0x800  }
0x89: {  	[sflag:s13] =	ssyncset.done $0x0  }
0x8a: {  	s11 =	simm.s32 $0x700;
	s16 =	simm.s32 $0x1C00;
	[sflag:s13] =	ssyncadd.s32 $0xFFFFF800  }
0x8b: {  	[spmem:s2] =	stream.indirect.scatter.add.f32 [tilespmem:s16], [sflag:$0x2], $0x10, s11, s20, $0xb8;
	[tilespmem:$0x1F400] =	vst v63  }
0x8c: {  	_ =	swait.ge [sflag:s13], $0x800  }
0x8d: {  	[sflag:s13] =	ssyncset.done $0x0  }
0x8e: {  	[sflag:s13] =	ssyncadd.s32 $0xFFFFF800  }
0x8f: {  	[spmem:s2] =	stream.indirect.scatter.add.f32 [tilespmem:s25], [sflag:$0x2], $0x10, s24, s20, $0xb8;
	[tilespmem:$0x1F400] =	vst v63  }
0x90: {  	_ =	swait.ge [sflag:s13], $0x800  }
0x91: {  	[sflag:s13] =	ssyncset.done $0x0  }
0x92: {  	[sflag:s13] =	ssyncadd.s32 $0xFFFFF800  }
0x93: {  	[spmem:s2] =	stream.indirect.scatter.add.f32 [tilespmem:s7], [sflag:$0x2], $0x10, s5, s20, $0xb8;
	[tilespmem:$0x1F400] =	vst v63  }
0x94: {  	_ =	swait.ge [sflag:s13], $0x800  }
0x95: {  	[sflag:s13] =	ssyncset.done $0x0  }
0x96: {  	[sflag:s13] =	ssyncadd.s32 $0xFFFFF800  }
0x97: {  	[spmem:s2] =	stream.indirect.scatter.add.f32 [tilespmem:s21], [sflag:$0x2], $0x10, s12, s20, $0xb8;
	[tilespmem:$0x1F400] =	vst v63  }
0x98: {  	_ =	swait.ge [sflag:s13], $0x800  }
0x99: {  	[sflag:s13] =	ssyncset.done $0x0  }
0x9a: {  	[sflag:s13] =	ssyncadd.s32 $0xFFFFF800  }
0x9b: {  	_ =	swait.ge [sflag:s18], $0x3000  }
0x9c: {  	[sflag:s18] =	ssyncset.done $0x0  }
0x9d: {  	[sflag:s18] =	ssyncadd.s32 $0xFFFFD000  }
0x9e: {  	[spmem:s2] =	stream.indirect.scatter.add.f32 [tilespmem:s28], [sflag:$0x2], $0x10, s30, s20, $0xb8;
	[tilespmem:$0x1F400] =	vst v63  }
0x9f: {  	_ =	swait.ge [sflag:s13], $0x800  }
0xa0: {  	[sflag:s13] =	ssyncset.done $0x0  }
0xa1: {  	[sflag:s13] =	ssyncadd.s32 $0xFFFFF800  }
0xa2: {  	[spmem:s2] =	stream.indirect.scatter.add.f32 [tilespmem:s23], [sflag:$0x2], $0x10, s22, s20, $0xb8;
	[tilespmem:$0x1F400] =	vst v63  }
0xa3: {  	_ =	swait.ge [sflag:s13], $0x800  }
0xa4: {  	[sflag:s13] =	ssyncset.done $0x0  }
0xa5: {  	[sflag:s13] =	ssyncadd.s32 $0xFFFFF800  }
0xa6: {  	[spmem:s2] =	stream.indirect.scatter.add.f32 [tilespmem:s17], [sflag:$0x2], $0x10, s4, s20, $0xb8;
	[tilespmem:$0x1F400] =	vst v63  }
0xa7: {  	_ =	swait.ge [sflag:s13], $0x800  }
0xa8: {  	[sflag:s13] =	ssyncset.done $0x0  }
0xa9: {  	[sflag:s13] =	ssyncadd.s32 $0xFFFFF800  }
0xaa: {  	[spmem:s2] =	stream.indirect.scatter.add.f32 [tilespmem:s19], [sflag:$0x2], $0x10, s14, s20, $0xb8;
	[tilespmem:$0x1F400] =	vst v63  }
0xab: {  	_ =	swait.ge [sflag:s13], $0x800  }
0xac: {  	[sflag:s13] =	ssyncset.done $0x0  }
0xad: {  	[sflag:s13] =	ssyncadd.s32 $0xFFFFF800  }
0xae: {  	[spmem:s2] =	stream.indirect.scatter.add.f32 [tilespmem:s1], [sflag:$0x2], $0x10, s0, s20, $0xb8;
	[tilespmem:$0x1F400] =	vst v63  }
0xaf: {  	_ =	swait.ge [sflag:s13], $0x800  }
.Ltmp0:
0xb0: {  	[sflag:s13] =	ssyncset.done $0x0;
	(pc) =	sbr.rel @p0 .LBB2_2-.Ltmp0, $4  }
0xb1: {  	[sflag:s13] =	ssyncadd.s32 $0xFFFFF800  }
0xb2: {  	[spmem:s2] =	stream.indirect.scatter.add.f32 [tilespmem:s9], [sflag:$0x2], $0x10, s6, s20, $0xb8;
	[tilespmem:$0x1F400] =	vst v63  }
0xb3: {  	s26 =	smov.u32 s31;
	_ =	swait.ge [sflag:s13], $0x800  }
0xb4: {  	s31 =	smov.u32 s8;
	s28 =	smov.u32 s29;
	[sflag:s13] =	ssyncset.done $0x0  }
0xb5: {  	s1 =	rddreg [dreg:$0x3]  }
0xb6: {  	[sflag:s13] =	ssyncadd.s32 $0xFFFFF800;
	s28 =	sadd.s32 s26, s1  }
0xb7: {  	[tilespmem:s3], [sflag:$0x2] =	stream.linear.gather [hbm4b:s28+s3], $0x300, $0x38;
	[tilespmem:$0x1F400] =	vst v63  }
0xb8: {  	_ =	swait.ge [sflag:s13], $0x300  }
0xb9: {  	[sflag:s13] =	ssyncset.done $0x0;
	s4 =	rddreg [dreg:$0x4]  }
0xba: {  	s5 =	simm.s32 $0x600;
	[sflag:s13] =	ssyncadd.s32 $0xFFFFFD00;
	s25 =	sadd.s32 s26, s4  }
0xbb: {  	[tilespmem:s5], [sflag:$0x2] =	stream.linear.gather [hbm4b:s25+s3], $0x300, $0x38;
	[tilespmem:$0x1F400] =	vst v63  }
0xbc: {  	_ =	swait.ge [sflag:s13], $0x300  }
0xbd: {  	[sflag:s13] =	ssyncset.done $0x0  }
0xbe: {  	s7 =	simm.s32 $0xC00;
	[sflag:s13] =	ssyncadd.s32 $0xFFFFFD00  }
0xbf: {  	[tilespmem:s7], [sflag:$0x1] =	stream.indirect.gather [hbm4b:s31+s15], $0x10, s3, s15, $0xb8;
	[tilespmem:$0x1F400] =	vst v63  }
0xc0: {  	s28 =	sadd.s32 $0x60, s28  }
0xc1: {  	[tilespmem:s15], [sflag:$0x2] =	stream.linear.gather [hbm4b:s28+s3], $0x300, $0x38;
	[tilespmem:$0x1F400] =	vst v63  }
0xc2: {  	_ =	swait.ge [sflag:s13], $0x300  }
0xc3: {  	[sflag:s13] =	ssyncset.done $0x0  }
0xc4: {  	s16 =	simm.s32 $0x900;
	s26 =	sadd.s32 $0x60, s25;
	[sflag:s13] =	ssyncadd.s32 $0xFFFFFD00  }
0xc5: {  	[tilespmem:s16], [sflag:$0x2] =	stream.linear.gather [hbm4b:s26+s3], $0x300, $0x38;
	[tilespmem:$0x1F400] =	vst v63  }
0xc6: {  	_ =	swait.ge [sflag:s13], $0x300  }
0xc7: {  	[sflag:s13] =	ssyncset.done $0x0  }
0xc8: {  	[sflag:s13] =	ssyncadd.s32 $0xFFFFFD00  }
0xc9: {  	_ =	swait.ge [sflag:s18], $0x3000  }
0xca: {  	[sflag:s18] =	ssyncset.done $0x0  }
0xcb: {  	s14 =	simm.s32 $0x3C00;
	[sflag:s18] =	ssyncadd.s32 $0xFFFFD000  }
0xcc: {  	[tilespmem:s14], [sflag:$0x1] =	stream.indirect.gather [hbm4b:s31+s15], $0x10, s15, s15, $0xb8;
	[tilespmem:$0x1F400] =	vst v63  }
0xcd: {  	_ = 	snop  }
0xce: {  	[spmem:s2] =	stream.indirect.scatter.add.f32 [tilespmem:s7], [sflag:$0x2], $0x10, s5, s20, $0xb8;
	[tilespmem:$0x1F400] =	vst v63  }
0xcf: {  	_ =	swait.ge [sflag:s13], $0x800  }
0xd0: {  	[sflag:s13] =	ssyncset.done $0x0  }
0xd1: {  	s6 =	simm.s32 $0x680;
	s31 =	simm.s32 $0x1400;
	[sflag:s13] =	ssyncadd.s32 $0xFFFFF800  }
0xd2: {  	[spmem:s2] =	stream.indirect.scatter.add.f32 [tilespmem:s31], [sflag:$0x2], $0x10, s6, s20, $0xb8;
	[tilespmem:$0x1F400] =	vst v63  }
0xd3: {  	_ =	swait.ge [sflag:s13], $0x800  }
0xd4: {  	[sflag:s13] =	ssyncset.done $0x0  }
0xd5: {  	s9 =	simm.s32 $0x700;
	s30 =	simm.s32 $0x1C00;
	[sflag:s13] =	ssyncadd.s32 $0xFFFFF800  }
0xd6: {  	[spmem:s2] =	stream.indirect.scatter.add.f32 [tilespmem:s30], [sflag:$0x2], $0x10, s9, s20, $0xb8;
	[tilespmem:$0x1F400] =	vst v63  }
0xd7: {  	_ =	swait.ge [sflag:s13], $0x800  }
0xd8: {  	[sflag:s13] =	ssyncset.done $0x0  }
0xd9: {  	s12 =	simm.s32 $0x780;
	s21 =	simm.s32 $0x2400;
	[sflag:s13] =	ssyncadd.s32 $0xFFFFF800  }
0xda: {  	[spmem:s2] =	stream.indirect.scatter.add.f32 [tilespmem:s21], [sflag:$0x2], $0x10, s12, s20, $0xb8;
	[tilespmem:$0x1F400] =	vst v63  }
0xdb: {  	_ =	swait.ge [sflag:s13], $0x800  }
0xdc: {  	[sflag:s13] =	ssyncset.done $0x0  }
0xdd: {  	s17 =	simm.s32 $0x800;
	s22 =	simm.s32 $0x2C00;
	[sflag:s13] =	ssyncadd.s32 $0xFFFFF800  }
0xde: {  	[spmem:s2] =	stream.indirect.scatter.add.f32 [tilespmem:s22], [sflag:$0x2], $0x10, s17, s20, $0xb8;
	[tilespmem:$0x1F400] =	vst v63  }
0xdf: {  	_ =	swait.ge [sflag:s13], $0x800  }
0xe0: {  	[sflag:s13] =	ssyncset.done $0x0  }
0xe1: {  	s19 =	simm.s32 $0x880;
	s23 =	simm.s32 $0x3400;
	[sflag:s13] =	ssyncadd.s32 $0xFFFFF800  }
0xe2: {  	[spmem:s2] =	stream.indirect.scatter.add.f32 [tilespmem:s23], [sflag:$0x2], $0x10, s19, s20, $0xb8;
	[tilespmem:$0x1F400] =	vst v63  }
0xe3: {  	_ =	swait.ge [sflag:s13], $0x800  }
0xe4: {  	[sflag:s13] =	ssyncset.done $0x0  }
0xe5: {  	[sflag:s13] =	ssyncadd.s32 $0xFFFFF800  }
0xe6: {  	_ =	swait.ge [sflag:s18], $0x3000  }
0xe7: {  	[sflag:s18] =	ssyncset.done $0x0  }
0xe8: {  	[sflag:s18] =	ssyncadd.s32 $0xFFFFD000  }
0xe9: {  	[spmem:s2] =	stream.indirect.scatter.add.f32 [tilespmem:s14], [sflag:$0x2], $0x10, s16, s20, $0xb8;
	[tilespmem:$0x1F400] =	vst v63  }
0xea: {  	_ =	swait.ge [sflag:s13], $0x800  }
0xeb: {  	[sflag:s13] =	ssyncset.done $0x0  }
0xec: {  	s0 =	simm.s32 $0x980;
	s11 =	simm.s32 $0x4400;
	[sflag:s13] =	ssyncadd.s32 $0xFFFFF800  }
0xed: {  	[spmem:s2] =	stream.indirect.scatter.add.f32 [tilespmem:s11], [sflag:$0x2], $0x10, s0, s20, $0xb8;
	[tilespmem:$0x1F400] =	vst v63  }
0xee: {  	_ =	swait.ge [sflag:s13], $0x800  }
0xef: {  	[sflag:s13] =	ssyncset.done $0x0  }
0xf0: {  	s26 =	simm.s32 $0xA00;
	s11 =	simm.s32 $0x4C00;
	[sflag:s13] =	ssyncadd.s32 $0xFFFFF800  }
0xf1: {  	[spmem:s2] =	stream.indirect.scatter.add.f32 [tilespmem:s11], [sflag:$0x2], $0x10, s26, s20, $0xb8;
	[tilespmem:$0x1F400] =	vst v63  }
0xf2: {  	_ =	swait.ge [sflag:s13], $0x800  }
0xf3: {  	[sflag:s13] =	ssyncset.done $0x0  }
0xf4: {  	s24 =	simm.s32 $0x5400;
	s28 =	simm.s32 $0xA80;
	[sflag:s13] =	ssyncadd.s32 $0xFFFFF800  }
0xf5: {  	[spmem:s2] =	stream.indirect.scatter.add.f32 [tilespmem:s24], [sflag:$0x2], $0x10, s28, s20, $0xb8;
	[tilespmem:$0x1F400] =	vst v63  }
0xf6: {  	_ =	swait.ge [sflag:s13], $0x800  }
0xf7: {  	[sflag:s13] =	ssyncset.done $0x0  }
0xf8: {  	s25 =	simm.s32 $0x5C00;
	s24 =	simm.s32 $0xB00;
	[sflag:s13] =	ssyncadd.s32 $0xFFFFF800  }
0xf9: {  	[spmem:s2] =	stream.indirect.scatter.add.f32 [tilespmem:s25], [sflag:$0x2], $0x10, s24, s20, $0xb8;
	[tilespmem:$0x1F400] =	vst v63  }
0xfa: {  	_ =	swait.ge [sflag:s13], $0x800  }
0xfb: {  	[sflag:s13] =	ssyncset.done $0x0  }
0xfc: {  	s26 =	simm.s32 $0xB80;
	s28 =	simm.s32 $0x6400;
	[sflag:s13] =	ssyncadd.s32 $0xFFFFF800  }
0xfd: {  	[spmem:s2] =	stream.indirect.scatter.add.f32 [tilespmem:s28], [sflag:$0x2], $0x10, s26, s20, $0xb8;
	[tilespmem:$0x1F400] =	vst v63  }
0xfe: {  	_ =	swait.ge [sflag:s13], $0x800  }
0xff: {  	[sflag:s13] =	ssyncset.done $0x0  }
0x100: {  	[sflag:s13] =	ssyncadd.s32 $0xFFFFF800  }
0x101: {  	[bflag:$0x0] =	sbarrier.arrive $0xFFFF  }
0x102: {  	s25 =	rddreg [dreg:$0x7]  }
0x103: {  	s29 =	rddreg [dreg:$0x9]  }
0x104: {  	s26 =	rddreg [dreg:$0xa]  }
0x105: {  	[hbm:s26], [sflag:s25] =	dma.local [spmem:s29], $0x3100  }
0x106: {  	_ =	swait.ge [sflag:s13], $0x3100  }
0x107: {  	[sflag:s13] =	ssyncset.done $0x0  }
0x108: {  	[sflag:s13] =	ssyncadd.s32 $0xFFFFCF00  }
0x109: {  	[bflag:$0x0] =	sbarrier.arrive $0xFFFF  }
0x10a: {  	s24 =	rddreg [dreg:$0x5]  }
0x10b: {  	s26 =	sadd.s32 s24, s10  }
0x10c: {  	[spmem:s29], [sflag:s25] =	dma.local [hbm:s26], $0x3100  }
0x10d: {  	_ =	swait.ge [sflag:s13], $0x3100  }
0x10e: {  	[sflag:s13] =	ssyncset.done $0x0  }
0x10f: {  	[sflag:s13] =	ssyncadd.s32 $0xFFFFCF00  }
0x110: {  	s25 =	sadd.s32 $0x0, s1;
	[bflag:$0x0] =	sbarrier.arrive $0xFFFF  }
0x111: {  	[tilespmem:s3], [sflag:$0x2] =	stream.linear.gather [hbm4b:s25+s3], $0x300, $0x38;
	[tilespmem:$0x1F400] =	vst v63  }
0x112: {  	_ =	swait.ge [sflag:s13], $0x300  }
0x113: {  	[sflag:s13] =	ssyncset.done $0x0  }
0x114: {  	s0 =	sadd.s32 $0x0, s4;
	[sflag:s13] =	ssyncadd.s32 $0xFFFFFD00  }
0x115: {  	[tilespmem:s5], [sflag:$0x2] =	stream.linear.gather [hbm4b:s0+s3], $0x300, $0x38;
	[tilespmem:$0x1F400] =	vst v63  }
0x116: {  	_ =	swait.ge [sflag:s13], $0x300  }
0x117: {  	[sflag:s13] =	ssyncset.done $0x0  }
0x118: {  	[sflag:s13] =	ssyncadd.s32 $0xFFFFFD00  }
0x119: {  	[tilespmem:s7], [sflag:$0x1] =	stream.indirect.gather [hbm4b:s10+s15], $0x10, s3, s15, $0xb8;
	[tilespmem:$0x1F400] =	vst v63  }
0x11a: {  	s26 =	sadd.s32 $0x60, s25  }
0x11b: {  	[tilespmem:s15], [sflag:$0x2] =	stream.linear.gather [hbm4b:s26+s3], $0x300, $0x38;
	[tilespmem:$0x1F400] =	vst v63  }
0x11c: {  	_ =	swait.ge [sflag:s13], $0x300  }
0x11d: {  	[sflag:s13] =	ssyncset.done $0x0  }
0x11e: {  	s1 =	sadd.s32 $0x60, s0;
	[sflag:s13] =	ssyncadd.s32 $0xFFFFFD00  }
0x11f: {  	[tilespmem:s16], [sflag:$0x2] =	stream.linear.gather [hbm4b:s1+s3], $0x300, $0x38;
	[tilespmem:$0x1F400] =	vst v63  }
0x120: {  	_ =	swait.ge [sflag:s13], $0x300  }
0x121: {  	[sflag:s13] =	ssyncset.done $0x0  }
0x122: {  	[sflag:s13] =	ssyncadd.s32 $0xFFFFFD00  }
0x123: {  	_ =	swait.ge [sflag:s18], $0x3000  }
0x124: {  	[sflag:s18] =	ssyncset.done $0x0  }
0x125: {  	[sflag:s18] =	ssyncadd.s32 $0xFFFFD000  }
0x126: {  	[tilespmem:s14], [sflag:$0x1] =	stream.indirect.gather [hbm4b:s10+s15], $0x10, s15, s15, $0xb8;
	[tilespmem:$0x1F400] =	vst v63  }
0x127: {  	_ = 	snop  }
0x128: {  	[spmem:s2] =	stream.indirect.scatter.add.f32 [tilespmem:s7], [sflag:$0x2], $0x10, s5, s20, $0xb8;
	[tilespmem:$0x1F400] =	vst v63  }
0x129: {  	_ =	swait.ge [sflag:s13], $0x800  }
0x12a: {  	[sflag:s13] =	ssyncset.done $0x0  }
0x12b: {  	[sflag:s13] =	ssyncadd.s32 $0xFFFFF800  }
0x12c: {  	[spmem:s2] =	stream.indirect.scatter.add.f32 [tilespmem:s31], [sflag:$0x2], $0x10, s6, s20, $0xb8;
	[tilespmem:$0x1F400] =	vst v63  }
0x12d: {  	_ =	swait.ge [sflag:s13], $0x800  }
0x12e: {  	[sflag:s13] =	ssyncset.done $0x0  }
0x12f: {  	[sflag:s13] =	ssyncadd.s32 $0xFFFFF800  }
0x130: {  	[spmem:s2] =	stream.indirect.scatter.add.f32 [tilespmem:s30], [sflag:$0x2], $0x10, s9, s20, $0xb8;
	[tilespmem:$0x1F400] =	vst v63  }
0x131: {  	_ =	swait.ge [sflag:s13], $0x800  }
0x132: {  	[sflag:s13] =	ssyncset.done $0x0  }
0x133: {  	[sflag:s13] =	ssyncadd.s32 $0xFFFFF800  }
0x134: {  	[spmem:s2] =	stream.indirect.scatter.add.f32 [tilespmem:s21], [sflag:$0x2], $0x10, s12, s20, $0xb8;
	[tilespmem:$0x1F400] =	vst v63  }
0x135: {  	_ =	swait.ge [sflag:s13], $0x800  }
0x136: {  	[sflag:s13] =	ssyncset.done $0x0  }
0x137: {  	[sflag:s13] =	ssyncadd.s32 $0xFFFFF800  }
0x138: {  	[spmem:s2] =	stream.indirect.scatter.add.f32 [tilespmem:s22], [sflag:$0x2], $0x10, s17, s20, $0xb8;
	[tilespmem:$0x1F400] =	vst v63  }
0x139: {  	_ =	swait.ge [sflag:s13], $0x800  }
0x13a: {  	[sflag:s13] =	ssyncset.done $0x0  }
0x13b: {  	[sflag:s13] =	ssyncadd.s32 $0xFFFFF800  }
0x13c: {  	[spmem:s2] =	stream.indirect.scatter.add.f32 [tilespmem:s23], [sflag:$0x2], $0x10, s19, s20, $0xb8;
	[tilespmem:$0x1F400] =	vst v63  }
0x13d: {  	_ =	swait.ge [sflag:s13], $0x800  }
0x13e: {  	[sflag:s13] =	ssyncset.done $0x0  }
0x13f: {  	[sflag:s13] =	ssyncadd.s32 $0xFFFFF800  }
0x140: {  	_ =	swait.ge [sflag:s18], $0x3000  }
0x141: {  	[sflag:s18] =	ssyncset.done $0x0  }
0x142: {  	[sflag:s18] =	ssyncadd.s32 $0xFFFFD000  }
0x143: {  	[spmem:s2] =	stream.indirect.scatter.add.f32 [tilespmem:s14], [sflag:$0x2], $0x10, s16, s20, $0xb8;
	[tilespmem:$0x1F400] =	vst v63  }
0x144: {  	_ =	swait.ge [sflag:s13], $0x800  }
0x145: {  	[sflag:s13] =	ssyncset.done $0x0  }
0x146: {  	s4 =	simm.s32 $0x4400;
	s6 =	simm.s32 $0x980;
	[sflag:s13] =	ssyncadd.s32 $0xFFFFF800  }
0x147: {  	[spmem:s2] =	stream.indirect.scatter.add.f32 [tilespmem:s4], [sflag:$0x2], $0x10, s6, s20, $0xb8;
	[tilespmem:$0x1F400] =	vst v63  }
0x148: {  	_ =	swait.ge [sflag:s13], $0x800  }
0x149: {  	s28 =	simm.s32 $0xB00;
	[sflag:s13] =	ssyncset.done $0x0  }
0x14a: {  	s24 =	simm.s32 $0x780;
	s9 =	simm.s32 $0xA00;
	[sflag:s13] =	ssyncadd.s32 $0xFFFFF800  }
0x14b: {  	[spmem:s2] =	stream.indirect.scatter.add.f32 [tilespmem:s11], [sflag:$0x2], $0x10, s9, s20, $0xb8;
	[tilespmem:$0x1F400] =	vst v63  }
0x14c: {  	s29 =	simm.s32 $0x180;
	s25 =	simm.s32 $0x2400;
	_ =	swait.ge [sflag:s13], $0x800  }
0x14d: {  	s0 =	simm.s32 $0xB00;
	s26 =	simm.s32 $0x5C00;
	[sflag:s13] =	ssyncset.done $0x0  }
0x14e: {  	s16 =	simm.s32 $0xA80;
	s11 =	simm.s32 $0x5400;
	[sflag:s13] =	ssyncadd.s32 $0xFFFFF800  }
0x14f: {  	[spmem:s2] =	stream.indirect.scatter.add.f32 [tilespmem:s11], [sflag:$0x2], $0x10, s16, s20, $0xb8;
	[tilespmem:$0x1F400] =	vst v63  }
0x150: {  	s1 =	simm.s32 $0x5C00;
	s5 =	simm.s32 $0x800;
	_ =	swait.ge [sflag:s13], $0x800  }
0x151: {  	s7 =	simm.s32 $0x2C00;
	s31 =	simm.s32 $0xB80;
	[sflag:s13] =	ssyncset.done $0x0  }
0x152: {  	s30 =	simm.s32 $0x6400;
	s12 =	simm.s32 $0x880;
	[sflag:s13] =	ssyncadd.s32 $0xFFFFF800  }
0x153: {  	[spmem:s2] =	stream.indirect.scatter.add.f32 [tilespmem:s26], [sflag:$0x2], $0x10, s28, s20, $0xb8;
	[tilespmem:$0x1F400] =	vst v63  }
0x154: {  	s21 =	simm.s32 $0x3400;
	s22 =	simm.s32 $0x980;
	_ =	swait.ge [sflag:s13], $0x800  }
0x155: {  	s17 =	simm.s32 $0x4C00;
	s23 =	simm.s32 $0x4400;
	[sflag:s13] =	ssyncset.done $0x0  }
0x156: {  	s19 =	simm.s32 $0x5400;
	s14 =	simm.s32 $0xA80;
	[sflag:s13] =	ssyncadd.s32 $0xFFFFF800  }
0x157: {  	[spmem:s2] =	stream.indirect.scatter.add.f32 [tilespmem:s30], [sflag:$0x2], $0x10, s31, s20, $0xb8;
	[tilespmem:$0x1F400] =	vst v63  }
0x158: {  	s4 =	simm.s32 $0xA00;
	s6 =	simm.s32 $0xB80;
	_ =	swait.ge [sflag:s13], $0x800  }
0x159: {  	s9 =	simm.s32 $0x6400;
	s26 =	simm.s32 $0xC0;
	[sflag:s13] =	ssyncset.done $0x0  }
.LBB2_4:
0x15a: {  	s11 =	rddreg [dreg:$0x3]  }
0x15b: {  	[sflag:s13] =	ssyncadd.s32 $0xFFFFF800;
	s30 =	sadd.s32 s26, s11  }
0x15c: {  	[tilespmem:s3], [sflag:$0x2] =	stream.linear.gather [hbm4b:s30+s3], $0x300, $0x38;
	[tilespmem:$0x1F400] =	vst v63  }
0x15d: {  	s31 =	smov.u32 s29;
	s28 =	sadd.s32 $0xC0, s29;
	_ =	swait.ge [sflag:s13], $0x300  }
0x15e: {  	p0 =	sne.s32 s29, $0x30C0;
	[sflag:s13] =	ssyncset.done $0x0;
	s16 =	rddreg [dreg:$0x4]  }
0x15f: {  	[sflag:s13] =	ssyncadd.s32 $0xFFFFFD00;
	s29 =	sadd.s32 s26, s16;
	s16 =	simm.s32 $0x600  }
0x160: {  	[tilespmem:s16], [sflag:$0x2] =	stream.linear.gather [hbm4b:s29+s3], $0x300, $0x38;
	[tilespmem:$0x1F400] =	vst v63  }
0x161: {  	_ =	swait.ge [sflag:s13], $0x300  }
0x162: {  	[sflag:s13] =	ssyncset.done $0x0  }
0x163: {  	s26 =	smov.u32 s31;
	s31 =	simm.s32 $0xC00;
	[sflag:s13] =	ssyncadd.s32 $0xFFFFFD00  }
0x164: {  	[tilespmem:s31], [sflag:$0x1] =	stream.indirect.gather [hbm4b:s10+s15], $0x10, s3, s15, $0xb8;
	[tilespmem:$0x1F400] =	vst v63  }
0x165: {  	s30 =	sadd.s32 $0x60, s30  }
0x166: {  	[tilespmem:s15], [sflag:$0x2] =	stream.linear.gather [hbm4b:s30+s3], $0x300, $0x38;
	[tilespmem:$0x1F400] =	vst v63  }
0x167: {  	_ =	swait.ge [sflag:s13], $0x300  }
0x168: {  	[sflag:s13] =	ssyncset.done $0x0  }
0x169: {  	s29 =	sadd.s32 $0x60, s29;
	s30 =	simm.s32 $0x900;
	[sflag:s13] =	ssyncadd.s32 $0xFFFFFD00  }
0x16a: {  	[tilespmem:s30], [sflag:$0x2] =	stream.linear.gather [hbm4b:s29+s3], $0x300, $0x38;
	[tilespmem:$0x1F400] =	vst v63  }
0x16b: {  	_ =	swait.ge [sflag:s13], $0x300  }
0x16c: {  	[sflag:s13] =	ssyncset.done $0x0  }
0x16d: {  	[sflag:s13] =	ssyncadd.s32 $0xFFFFFD00  }
0x16e: {  	_ =	swait.ge [sflag:s18], $0x3000  }
0x16f: {  	[sflag:s18] =	ssyncset.done $0x0  }
0x170: {  	s29 =	simm.s32 $0x3C00;
	[sflag:s18] =	ssyncadd.s32 $0xFFFFD000  }
0x171: {  	[tilespmem:s29], [sflag:$0x1] =	stream.indirect.gather [hbm4b:s10+s15], $0x10, s15, s15, $0xb8;
	[tilespmem:$0x1F400] =	vst v63  }
0x172: {  	_ = 	snop  }
0x173: {  	[spmem:s2] =	stream.indirect.scatter.add.f32 [tilespmem:s31], [sflag:$0x2], $0x10, s16, s20, $0xb8;
	[tilespmem:$0x1F400] =	vst v63  }
0x174: {  	_ =	swait.ge [sflag:s13], $0x800  }
0x175: {  	[sflag:s13] =	ssyncset.done $0x0  }
0x176: {  	s16 =	simm.s32 $0x680;
	s31 =	simm.s32 $0x1400;
	[sflag:s13] =	ssyncadd.s32 $0xFFFFF800  }
0x177: {  	[spmem:s2] =	stream.indirect.scatter.add.f32 [tilespmem:s31], [sflag:$0x2], $0x10, s16, s20, $0xb8;
	[tilespmem:$0x1F400] =	vst v63  }
0x178: {  	_ =	swait.ge [sflag:s13], $0x800  }
0x179: {  	[sflag:s13] =	ssyncset.done $0x0  }
0x17a: {  	s16 =	simm.s32 $0x700;
	s31 =	simm.s32 $0x1C00;
	[sflag:s13] =	ssyncadd.s32 $0xFFFFF800  }
0x17b: {  	[spmem:s2] =	stream.indirect.scatter.add.f32 [tilespmem:s31], [sflag:$0x2], $0x10, s16, s20, $0xb8;
	[tilespmem:$0x1F400] =	vst v63  }
0x17c: {  	_ =	swait.ge [sflag:s13], $0x800  }
0x17d: {  	[sflag:s13] =	ssyncset.done $0x0  }
0x17e: {  	[sflag:s13] =	ssyncadd.s32 $0xFFFFF800  }
0x17f: {  	[spmem:s2] =	stream.indirect.scatter.add.f32 [tilespmem:s25], [sflag:$0x2], $0x10, s24, s20, $0xb8;
	[tilespmem:$0x1F400] =	vst v63  }
0x180: {  	_ =	swait.ge [sflag:s13], $0x800  }
0x181: {  	[sflag:s13] =	ssyncset.done $0x0  }
0x182: {  	[sflag:s13] =	ssyncadd.s32 $0xFFFFF800  }
0x183: {  	[spmem:s2] =	stream.indirect.scatter.add.f32 [tilespmem:s7], [sflag:$0x2], $0x10, s5, s20, $0xb8;
	[tilespmem:$0x1F400] =	vst v63  }
0x184: {  	_ =	swait.ge [sflag:s13], $0x800  }
0x185: {  	[sflag:s13] =	ssyncset.done $0x0  }
0x186: {  	[sflag:s13] =	ssyncadd.s32 $0xFFFFF800  }
0x187: {  	[spmem:s2] =	stream.indirect.scatter.add.f32 [tilespmem:s21], [sflag:$0x2], $0x10, s12, s20, $0xb8;
	[tilespmem:$0x1F400] =	vst v63  }
0x188: {  	_ =	swait.ge [sflag:s13], $0x800  }
0x189: {  	[sflag:s13] =	ssyncset.done $0x0  }
0x18a: {  	[sflag:s13] =	ssyncadd.s32 $0xFFFFF800  }
0x18b: {  	_ =	swait.ge [sflag:s18], $0x3000  }
0x18c: {  	[sflag:s18] =	ssyncset.done $0x0  }
0x18d: {  	[sflag:s18] =	ssyncadd.s32 $0xFFFFD000  }
0x18e: {  	[spmem:s2] =	stream.indirect.scatter.add.f32 [tilespmem:s29], [sflag:$0x2], $0x10, s30, s20, $0xb8;
	[tilespmem:$0x1F400] =	vst v63  }
0x18f: {  	_ =	swait.ge [sflag:s13], $0x800  }
0x190: {  	[sflag:s13] =	ssyncset.done $0x0  }
0x191: {  	[sflag:s13] =	ssyncadd.s32 $0xFFFFF800  }
0x192: {  	[spmem:s2] =	stream.indirect.scatter.add.f32 [tilespmem:s23], [sflag:$0x2], $0x10, s22, s20, $0xb8;
	[tilespmem:$0x1F400] =	vst v63  }
0x193: {  	_ =	swait.ge [sflag:s13], $0x800  }
0x194: {  	[sflag:s13] =	ssyncset.done $0x0  }
0x195: {  	[sflag:s13] =	ssyncadd.s32 $0xFFFFF800  }
0x196: {  	[spmem:s2] =	stream.indirect.scatter.add.f32 [tilespmem:s17], [sflag:$0x2], $0x10, s4, s20, $0xb8;
	[tilespmem:$0x1F400] =	vst v63  }
0x197: {  	_ =	swait.ge [sflag:s13], $0x800  }
0x198: {  	[sflag:s13] =	ssyncset.done $0x0  }
0x199: {  	[sflag:s13] =	ssyncadd.s32 $0xFFFFF800  }
0x19a: {  	[spmem:s2] =	stream.indirect.scatter.add.f32 [tilespmem:s19], [sflag:$0x2], $0x10, s14, s20, $0xb8;
	[tilespmem:$0x1F400] =	vst v63  }
0x19b: {  	_ =	swait.ge [sflag:s13], $0x800  }
0x19c: {  	[sflag:s13] =	ssyncset.done $0x0  }
0x19d: {  	[sflag:s13] =	ssyncadd.s32 $0xFFFFF800  }
0x19e: {  	[spmem:s2] =	stream.indirect.scatter.add.f32 [tilespmem:s1], [sflag:$0x2], $0x10, s0, s20, $0xb8;
	[tilespmem:$0x1F400] =	vst v63  }
0x19f: {  	_ =	swait.ge [sflag:s13], $0x800  }
.Ltmp1:
0x1a0: {  	[sflag:s13] =	ssyncset.done $0x0;
	(pc) =	sbr.rel @p0 .LBB2_4-.Ltmp1, $4  }
0x1a1: {  	[sflag:s13] =	ssyncadd.s32 $0xFFFFF800  }
0x1a2: {  	[spmem:s2] =	stream.indirect.scatter.add.f32 [tilespmem:s9], [sflag:$0x2], $0x10, s6, s20, $0xb8;
	[tilespmem:$0x1F400] =	vst v63  }
0x1a3: {  	_ =	swait.ge [sflag:s13], $0x800  }
0x1a4: {  	s29 =	smov.u32 s28;
	[sflag:s13] =	ssyncset.done $0x0  }
0x1a5: {  	s11 =	rddreg [dreg:$0x3]  }
0x1a6: {  	[sflag:s13] =	ssyncadd.s32 $0xFFFFF800;
	s28 =	sadd.s32 s26, s11  }
0x1a7: {  	[tilespmem:s3], [sflag:$0x2] =	stream.linear.gather [hbm4b:s28+s3], $0x300, $0x38;
	[tilespmem:$0x1F400] =	vst v63  }
0x1a8: {  	_ =	swait.ge [sflag:s13], $0x300  }
0x1a9: {  	[sflag:s13] =	ssyncset.done $0x0;
	s30 =	rddreg [dreg:$0x4]  }
0x1aa: {  	s16 =	simm.s32 $0x600;
	[sflag:s13] =	ssyncadd.s32 $0xFFFFFD00;
	s11 =	sadd.s32 s26, s30  }
0x1ab: {  	[tilespmem:s16], [sflag:$0x2] =	stream.linear.gather [hbm4b:s11+s3], $0x300, $0x38;
	[tilespmem:$0x1F400] =	vst v63  }
0x1ac: {  	_ =	swait.ge [sflag:s13], $0x300  }
0x1ad: {  	[sflag:s13] =	ssyncset.done $0x0  }
0x1ae: {  	s30 =	simm.s32 $0xC00;
	[sflag:s13] =	ssyncadd.s32 $0xFFFFFD00  }
0x1af: {  	[tilespmem:s30], [sflag:$0x1] =	stream.indirect.gather [hbm4b:s10+s15], $0x10, s3, s15, $0xb8;
	[tilespmem:$0x1F400] =	vst v63  }
0x1b0: {  	s28 =	sadd.s32 $0x60, s28  }
0x1b1: {  	[tilespmem:s15], [sflag:$0x2] =	stream.linear.gather [hbm4b:s28+s3], $0x300, $0x38;
	[tilespmem:$0x1F400] =	vst v63  }
0x1b2: {  	_ =	swait.ge [sflag:s13], $0x300  }
0x1b3: {  	[sflag:s13] =	ssyncset.done $0x0  }
0x1b4: {  	s26 =	sadd.s32 $0x60, s11;
	s28 =	simm.s32 $0x900;
	[sflag:s13] =	ssyncadd.s32 $0xFFFFFD00  }
0x1b5: {  	[tilespmem:s28], [sflag:$0x2] =	stream.linear.gather [hbm4b:s26+s3], $0x300, $0x38;
	[tilespmem:$0x1F400] =	vst v63  }
0x1b6: {  	_ =	swait.ge [sflag:s13], $0x300  }
0x1b7: {  	[sflag:s13] =	ssyncset.done $0x0  }
0x1b8: {  	[sflag:s13] =	ssyncadd.s32 $0xFFFFFD00  }
0x1b9: {  	_ =	swait.ge [sflag:s18], $0x3000  }
0x1ba: {  	[sflag:s18] =	ssyncset.done $0x0  }
0x1bb: {  	s26 =	simm.s32 $0x3C00;
	[sflag:s18] =	ssyncadd.s32 $0xFFFFD000  }
0x1bc: {  	[tilespmem:s26], [sflag:$0x1] =	stream.indirect.gather [hbm4b:s10+s15], $0x10, s15, s15, $0xb8;
	[tilespmem:$0x1F400] =	vst v63  }
0x1bd: {  	_ = 	snop  }
0x1be: {  	[spmem:s2] =	stream.indirect.scatter.add.f32 [tilespmem:s30], [sflag:$0x2], $0x10, s16, s20, $0xb8;
	[tilespmem:$0x1F400] =	vst v63  }
0x1bf: {  	_ =	swait.ge [sflag:s13], $0x800  }
0x1c0: {  	[sflag:s13] =	ssyncset.done $0x0  }
0x1c1: {  	s16 =	simm.s32 $0x680;
	s30 =	simm.s32 $0x1400;
	[sflag:s13] =	ssyncadd.s32 $0xFFFFF800  }
0x1c2: {  	[spmem:s2] =	stream.indirect.scatter.add.f32 [tilespmem:s30], [sflag:$0x2], $0x10, s16, s20, $0xb8;
	[tilespmem:$0x1F400] =	vst v63  }
0x1c3: {  	_ =	swait.ge [sflag:s13], $0x800  }
0x1c4: {  	[sflag:s13] =	ssyncset.done $0x0  }
0x1c5: {  	s16 =	simm.s32 $0x700;
	s30 =	simm.s32 $0x1C00;
	[sflag:s13] =	ssyncadd.s32 $0xFFFFF800  }
0x1c6: {  	[spmem:s2] =	stream.indirect.scatter.add.f32 [tilespmem:s30], [sflag:$0x2], $0x10, s16, s20, $0xb8;
	[tilespmem:$0x1F400] =	vst v63  }
0x1c7: {  	_ =	swait.ge [sflag:s13], $0x800  }
0x1c8: {  	[sflag:s13] =	ssyncset.done $0x0  }
0x1c9: {  	[sflag:s13] =	ssyncadd.s32 $0xFFFFF800  }
0x1ca: {  	[spmem:s2] =	stream.indirect.scatter.add.f32 [tilespmem:s25], [sflag:$0x2], $0x10, s24, s20, $0xb8;
	[tilespmem:$0x1F400] =	vst v63  }
0x1cb: {  	_ =	swait.ge [sflag:s13], $0x800  }
0x1cc: {  	[sflag:s13] =	ssyncset.done $0x0  }
0x1cd: {  	[sflag:s13] =	ssyncadd.s32 $0xFFFFF800  }
0x1ce: {  	[spmem:s2] =	stream.indirect.scatter.add.f32 [tilespmem:s7], [sflag:$0x2], $0x10, s5, s20, $0xb8;
	[tilespmem:$0x1F400] =	vst v63  }
0x1cf: {  	_ =	swait.ge [sflag:s13], $0x800  }
0x1d0: {  	[sflag:s13] =	ssyncset.done $0x0  }
0x1d1: {  	[sflag:s13] =	ssyncadd.s32 $0xFFFFF800  }
0x1d2: {  	[spmem:s2] =	stream.indirect.scatter.add.f32 [tilespmem:s21], [sflag:$0x2], $0x10, s12, s20, $0xb8;
	[tilespmem:$0x1F400] =	vst v63  }
0x1d3: {  	_ =	swait.ge [sflag:s13], $0x800  }
0x1d4: {  	[sflag:s13] =	ssyncset.done $0x0  }
0x1d5: {  	[sflag:s13] =	ssyncadd.s32 $0xFFFFF800  }
0x1d6: {  	_ =	swait.ge [sflag:s18], $0x3000  }
0x1d7: {  	[sflag:s18] =	ssyncset.done $0x0  }
0x1d8: {  	[sflag:s18] =	ssyncadd.s32 $0xFFFFD000  }
0x1d9: {  	[spmem:s2] =	stream.indirect.scatter.add.f32 [tilespmem:s26], [sflag:$0x2], $0x10, s28, s20, $0xb8;
	[tilespmem:$0x1F400] =	vst v63  }
0x1da: {  	_ =	swait.ge [sflag:s13], $0x800  }
0x1db: {  	[sflag:s13] =	ssyncset.done $0x0  }
0x1dc: {  	[sflag:s13] =	ssyncadd.s32 $0xFFFFF800  }
0x1dd: {  	[spmem:s2] =	stream.indirect.scatter.add.f32 [tilespmem:s23], [sflag:$0x2], $0x10, s22, s20, $0xb8;
	[tilespmem:$0x1F400] =	vst v63  }
0x1de: {  	_ =	swait.ge [sflag:s13], $0x800  }
0x1df: {  	[sflag:s13] =	ssyncset.done $0x0  }
0x1e0: {  	[sflag:s13] =	ssyncadd.s32 $0xFFFFF800  }
0x1e1: {  	[spmem:s2] =	stream.indirect.scatter.add.f32 [tilespmem:s17], [sflag:$0x2], $0x10, s4, s20, $0xb8;
	[tilespmem:$0x1F400] =	vst v63  }
0x1e2: {  	_ =	swait.ge [sflag:s13], $0x800  }
0x1e3: {  	[sflag:s13] =	ssyncset.done $0x0  }
0x1e4: {  	[sflag:s13] =	ssyncadd.s32 $0xFFFFF800  }
0x1e5: {  	[spmem:s2] =	stream.indirect.scatter.add.f32 [tilespmem:s19], [sflag:$0x2], $0x10, s14, s20, $0xb8;
	[tilespmem:$0x1F400] =	vst v63  }
0x1e6: {  	_ =	swait.ge [sflag:s13], $0x800  }
0x1e7: {  	[sflag:s13] =	ssyncset.done $0x0  }
0x1e8: {  	[sflag:s13] =	ssyncadd.s32 $0xFFFFF800  }
0x1e9: {  	[spmem:s2] =	stream.indirect.scatter.add.f32 [tilespmem:s1], [sflag:$0x2], $0x10, s0, s20, $0xb8;
	[tilespmem:$0x1F400] =	vst v63  }
0x1ea: {  	_ =	swait.ge [sflag:s13], $0x800  }
0x1eb: {  	[sflag:s13] =	ssyncset.done $0x0  }
0x1ec: {  	[sflag:s13] =	ssyncadd.s32 $0xFFFFF800  }
0x1ed: {  	[spmem:s2] =	stream.indirect.scatter.add.f32 [tilespmem:s9], [sflag:$0x2], $0x10, s6, s20, $0xb8;
	[tilespmem:$0x1F400] =	vst v63  }
0x1ee: {  	_ =	swait.ge [sflag:s13], $0x800  }
0x1ef: {  	[sflag:s13] =	ssyncset.done $0x0  }
0x1f0: {  	[sflag:s13] =	ssyncadd.s32 $0xFFFFF800  }
0x1f1: {  	[bflag:$0x0] =	sbarrier.arrive $0xFFFF  }
0x1f2: {  	s28 =	rddreg [dreg:$0x7]  }
0x1f3: {  	s29 =	rddreg [dreg:$0x9]  }
0x1f4: {  	s16 =	rddreg [dreg:$0xb]  }
0x1f5: {  	[hbm:s16], [sflag:s28] =	dma.local [spmem:s29], $0x3100  }
0x1f6: {  	_ =	swait.ge [sflag:s13], $0x3100  }
0x1f7: {  	s26 =	rddreg [dreg:$0xc]  }
0x1f8: {  	s30 =	rddreg [dreg:$0x8];
	s11 =	sadd.s32 $0x1, s26  }
0x1f9: {  	p0 =	sne.s32 s11, s30  }
.Ltmp2:
0x1fa: {  	_ = 	snop;
	(pc) =	sbr.rel @p0 .LBB2_1-.Ltmp2, $4  }
0x1fb: {  	[sflag:s13] =	ssyncset.done $0x0  }
0x1fc: {  	[sflag:s13] =	ssyncadd.s32 $0xFFFFCF00  }
0x1fd: {  	[bflag:$0x0] =	sbarrier.arrive $0xFFFF  }
0x1fe: {  	s31 =	smov.u32 s8  }
0x1ff: {  	_ =	sfence.sel $0x180000  }
0x200: {  	[bflag:$0x0] =	sbarrier.arrive $0xFFFF  }
0x201: {  	_ =	strace $0x9000004D  }
0x202: {  	s0 =	stileid.u32;
	[bflag:$0x2] =	sbarrier.arrive $0xFFFF  }
0x203: {  	p0 =	sne.s32 s0, $0x0;
	s0 =	rddreg [dreg:$0x2]  }
0x204: {  	s0 =	sadd.s32 @!p0 $0x100000, s0  }
0x205: {  	[sflag:s0] =	ssyncadd.tile.s32 @!p0 $0x1;
	_ =	shalt  }
.Lfunc_end2:
_tile_overlayer_lowered:
.L_overlay_start_2:
0x206: {  	(tag) =	ssettag $0x2  }
0x207: {  	s0 =	rddreg [dreg:$0x0];
	s2 =	stileid.u32  }
0x208: {  	s1 =	rddreg [dreg:$0x1];
	p0 =	sne.s32 s2, $0x0  }
0x209: {  	s3 =	rddreg [dreg:$0x2];
	[bflag:$0x3] =	sbarrier.arrive $0xFFFF;
	s2 =	simm.s32 @!p0 $0x1C02  }
0x20a: {  	[timem:s3], [sflag:s2] =	dma.local @!p0 [hbm:s0], s1  }
0x20b: {  	s0 =	simm.s32 @!p0 $0x2  }
0x20c: {  	_ =	swait.ge @!p0 [sflag:s0], s1  }
0x20d: {  	s1 =	ssub.s32 @!p0 $0x0, s1;
	[sflag:s0] =	ssyncset.done @!p0 $0x0  }
0x20e: {  	[sflag:s0] =	ssyncadd.s32 @!p0 s1  }
0x20f: {  	[bflag:$0x3] =	sbarrier.arrive $0xFFFF  }
0x210: {  	_ =	shalt  }

// kernel: kernel.8.cloned.1.call-start
scs
__scs_entry_jumppad:
0x0: {  	(pc) =	sbr.rel $0x88, $3  }
0x1: {  	(tag) =	ssettag $0x0;
	lr =	simm.s32 $0x1  }
0x2: {  	[smem:$0x3F99] =	sst lr;
	_ =	strace $0xD0000000  }
0x3: {  	_ = 	snop  }
0x4: {  	_ = 	snop  }
0x5: {  	_ = 	snop  }
0x6: {  	_ = 	snop  }
0x7: {  	_ = 	snop  }
__scs_overlays_trampoline_lowered:
0x8: {  	[smem:$0x3FA8] =	sst s0  }
0x9: {  	[smem:$0x3FA9] =	sst s1  }
0xa: {  	[smem:$0x3FAA] =	sst s2  }
0xb: {  	[smem:$0x3FAB] =	sst s3  }
0xc: {  	[smem:$0x3FAC] =	sst s4  }
0xd: {  	[smem:$0x3FAD] =	sst s5  }
0xe: {  	[smem:$0x3FAE] =	sst s6  }
0xf: {  	[smem:$0x3FAF] =	sst s7  }
0x10: {  	[smem:$0x3FB0] =	sst s8  }
0x11: {  	[smem:$0x3FB1] =	sst s9;
	s0 =	simm.s32 @!p0 $0x0  }
0x12: {  	s1 =	sld [smem:$0x3F97];
	s0 =	simm.s32 @p0 $0x1  }
0x13: {  	[smem:$0x3FB2] =	sst s0;
	s0 =	simm.s32 @!p1 $0x0  }
0x14: {  	s2 =	sld [smem:$0x3F96];
	s0 =	simm.s32 @p1 $0x1  }
0x15: {  	[smem:$0x3FB3] =	sst s0;
	s0 =	simm.s32 @!p2 $0x0  }
0x16: {  	s3 =	sld [smem:$0x3FDB];
	s0 =	simm.s32 @p2 $0x1  }
0x17: {  	s4 =	simm.s32 $0x1BF5;
	[smem:$0x3FB5] =	sst s0  }
0x18: {  	s0 =	sld [smem:$0x3F98];
	_ =	swait.ge [sflag:s4], $0x0  }
0x19: {  	s7 =	sld [smem:$0x3F99]  }
0x1a: {  	s8 =	sadd.s32 $0xFFFFE003, lr  }
0x1b: {  	s9 =	sadd.s32 $0xFFFFFEF7, lr;
	s5 =	simm.s32 $0xFFFFFFFF;
	p2 =	slt.u32 s8, $0xFFFFF086  }
0x1c: {  	p1 =	slt.u32 s9, $0xF7A;
	s5 =	simm.s32 @!p2 $0x0  }
0x1d: {  	s5 =	simm.s32 @p1 $0x1;
	p0 =	seq.s32 s7, s2  }
0x1e: {  	s7 =	smul.u32 @!p0 $0xF7A, s2;
	p2 =	seq.s32 @!p0 s5, $0x0  }
0x1f: {  	s9 =	smul.u32 $0xF7A, s1;
	s8 =	simm.s32 @!p0 $0x1BF5;
	p2 =	por !p2, p0  }
0x20: {  	[sflag:s8] =	ssyncset.s32 @!p0 $0xFFFFF086;
	s6 =	sadd.s32 @!p0 s3, s7;
	s7 =	simm.s32 @!p0 $0x108  }
0x21: {  	s3 =	sadd.s32 s3, s9;
	s6 =	sadd.s32 @!p0 $0x88, s6;
	s7 =	simm.s32 @p2 $0x1082  }
0x22: {  	[simem:s7], [sflag:s8] =	dma.local @!p0 [hbm:s6], $0xF7A  }
0x23: {  	s9 =	sor.u32 $0xD0000000, s2;
	s6 =	simm.s32 $0x108;
	_ =	swait.ge @!p0 [sflag:s8], $0x0  }
0x24: {  	s3 =	sadd.s32 $0x88, s3;
	s6 =	simm.s32 @!p1 $0x1082;
	[sflag:s4] =	ssyncset.s32 $0xFFFFF086  }
0x25: {  	[simem:s6], [sflag:s4] =	dma.local [hbm:s3], $0xF7A  }
0x26: {  	[smem:$0x3F99] =	sst s1;
	(tag) =	ssettag s2;
	_ =	strace s9  }
0x27: {  	s1 =	sld [smem:$0x3FA9]  }
0x28: {  	s2 =	sld [smem:$0x3FAA]  }
0x29: {  	s4 =	sld [smem:$0x3FAC]  }
0x2a: {  	p0 =	seq.s32 s5, $0x0;
	s5 =	sld [smem:$0x3FAD]  }
0x2b: {  	s6 =	sld [smem:$0x3FAE]  }
0x2c: {  	s7 =	sld [smem:$0x3FAF]  }
0x2d: {  	s3 =	simm.s32 $0x108;
	s8 =	sld [smem:$0x3FB0]  }
0x2e: {  	s3 =	simm.s32 @!p0 $0x1082;
	s9 =	sld [smem:$0x3FB1]  }
0x2f: {  	lr =	sadd.s32 s0, s3;
	s0 =	sld [smem:$0x3FA8]  }
0x30: {  	s3 =	sld [smem:$0x3FAB]  }
0x31: {  	[smem:$0x3FB4] =	sst s10  }
0x32: {  	s10 =	sld [smem:$0x3FB2];
	_ =	sdelay $0x3  }
0x33: {  	p0 =	seq.s32 s10, $0x1;
	s10 =	sld [smem:$0x3FB4];
	_ =	sdelay $0x3  }
0x34: {  	[smem:$0x3FB4] =	sst s10  }
0x35: {  	s10 =	sld [smem:$0x3FB3];
	_ =	sdelay $0x3  }
0x36: {  	p1 =	seq.s32 s10, $0x1;
	s10 =	sld [smem:$0x3FB4];
	_ =	sdelay $0x3  }
0x37: {  	[smem:$0x3FB4] =	sst s10  }
0x38: {  	s10 =	sld [smem:$0x3FB5]  }
0x39: {  	_ = 	snop;
	(pc) =	sbr.ind lr, $3  }
0x3a: {  	_ = 	snop  }
0x3b: {  	_ = 	snop  }
0x3c: {  	p2 =	seq.s32 s10, $0x1;
	s10 =	sld [smem:$0x3FB4]  }
0x3d: {  	_ =	shalt  }
0x3e: {  	_ =	shalt  }
0x3f: {  	_ =	shalt  }
0x40: {  	_ =	shalt  }
0x41: {  	_ =	shalt  }
0x42: {  	_ =	shalt  }
0x43: {  	_ =	shalt  }
0x44: {  	_ =	shalt  }
0x45: {  	_ =	shalt  }
0x46: {  	_ =	shalt  }
0x47: {  	_ =	shalt  }
0x48: {  	_ =	shalt  }
0x49: {  	_ =	shalt  }
0x4a: {  	_ =	shalt  }
0x4b: {  	_ =	shalt  }
0x4c: {  	_ =	shalt  }
0x4d: {  	_ =	shalt  }
0x4e: {  	_ =	shalt  }
0x4f: {  	_ =	shalt  }
0x50: {  	_ =	shalt  }
0x51: {  	_ =	shalt  }
0x52: {  	_ =	shalt  }
0x53: {  	_ =	shalt  }
0x54: {  	_ =	shalt  }
0x55: {  	_ =	shalt  }
0x56: {  	_ =	shalt  }
0x57: {  	_ =	shalt  }
0x58: {  	_ =	shalt  }
0x59: {  	_ =	shalt  }
0x5a: {  	_ =	shalt  }
0x5b: {  	_ =	shalt  }
0x5c: {  	_ =	shalt  }
0x5d: {  	_ =	shalt  }
0x5e: {  	_ =	shalt  }
0x5f: {  	_ =	shalt  }
0x60: {  	_ =	shalt  }
0x61: {  	_ =	shalt  }
0x62: {  	_ =	shalt  }
0x63: {  	_ =	shalt  }
0x64: {  	_ =	shalt  }
0x65: {  	_ =	shalt  }
0x66: {  	_ =	shalt  }
0x67: {  	_ =	shalt  }
0x68: {  	_ =	shalt  }
0x69: {  	_ =	shalt  }
0x6a: {  	_ =	shalt  }
0x6b: {  	_ =	shalt  }
0x6c: {  	_ =	shalt  }
0x6d: {  	_ =	shalt  }
0x6e: {  	_ =	shalt  }
0x6f: {  	_ =	shalt  }
0x70: {  	_ =	shalt  }
0x71: {  	_ =	shalt  }
0x72: {  	_ =	shalt  }
0x73: {  	_ =	shalt  }
0x74: {  	_ =	shalt  }
0x75: {  	_ =	shalt  }
0x76: {  	_ =	shalt  }
0x77: {  	_ =	shalt  }
0x78: {  	_ =	shalt  }
0x79: {  	_ =	shalt  }
0x7a: {  	_ =	shalt  }
0x7b: {  	_ =	shalt  }
0x7c: {  	_ =	shalt  }
0x7d: {  	_ =	shalt  }
0x7e: {  	_ =	shalt  }
0x7f: {  	_ =	shalt  }
0x80: {  	_ =	shalt  }
0x81: {  	_ =	shalt  }
0x82: {  	_ =	shalt  }
0x83: {  	_ =	shalt  }
0x84: {  	_ =	shalt  }
0x85: {  	_ =	shalt  }
0x86: {  	_ =	shalt  }
0x87: {  	_ =	shalt  }
.Lfunc_end0:
.L_simem_size_0:
called_computation_lowered:
.L_overlay_start_0:
0x88: {  	s2 =	sld [smem:$0x3FD9]  }
0x89: {  	s3 =	sld [smem:$0x3FFE];
	_ =	sdelay $0x1  }
0x8a: {  	s1 =	srdreg.scid  }
0x8b: {  	s0 =	sand.u32 $0x1, s1  }
0x8c: {  	s16 =	sshll.u32 s0, $0xA;
	s2 =	sadd.s32 s3, s2  }
0x8d: {  	s2 =	sadd.s32 s2, s16  }
0x8e: {  	[smem:$0x3FC0] =	sst s2  }
0x8f: {  	_ = 	snop  }
0x90: {  	(tm) =	ssettm $0x1  }
0x91: {  	s17 =	sld [smem:$0x3FFB];
	_ =	sdelay $0x3  }
0x92: {  	_ =	strace s17  }
0x93: {  	s2 =	sld [smem:$0x3FFC];
	_ =	sdelay $0x3  }
0x94: {  	_ =	strace s2  }
0x95: {  	s2 =	sld [smem:$0x3FFD];
	_ =	sdelay $0x3  }
0x96: {  	_ =	strace s2  }
0x97: {  	_ =	strace $0x8FFFFFFF  }
0x98: {  	s18 =	sld [smem:$0x3FDB];
	_ =	sdelay $0x1  }
0x99: {  	s19 =	simm.s32 $_scs_section_size  }
0x9a: {  	s4 =	simm.s32 $_size__tile_overlayer_lowered;
	s5 =	simm.s32 $_tile_overlayer_lowered  }
0x9b: {  	s22 =	simm.s32 $0x1BFF;
	s21 =	sshll.u32 s5, $0x1;
	s2 =	sadd.s32 s19, s18  }
0x9c: {  	s6 =	simm.s32 $0x0;
	s20 =	sshll.u32 s4, $0x1;
	s4 =	sadd.s32 s21, s2  }
0x9d: {  	[timem:s6], [sflag:s22] =	dma.local [hbm:s4], s20  }
0x9e: {  	_ =	swait.ge [sflag:s22], s20  }
0x9f: {  	s3 =	ssub.s32 $0x0, s20;
	[sflag:s22] =	ssyncset.done $0x0  }
0xa0: {  	[sflag:s22] =	ssyncadd.s32 s3;
	_ =	sdelay $0x1  }
0xa1: {  	s23 =	simm.s32 $0x1B8B  }
0xa2: {  	_ =	swait.ge [sflag:s23], $0x1  }
0xa3: {  	[sflag:s23] =	ssyncset.done $0x0  }
0xa4: {  	s25 =	simm.s32 $0x1B8E;
	s24 =	sld [smem:$0x3FFE];
	[sflag:s23] =	ssyncadd.s32 $0xFFFFFFFF  }
0xa5: {  	s26 =	simm.s32 $execute0_lowered;
	[smem:$0x3FD2] =	sst s25  }
0xa6: {  	s4 =	sshll.u32 s26, $0x1;
	_ =	strace $0x80000046;
	[dreg:$0x1] =	wrdreg $0xFFFFFFFF  }
0xa7: {  	s28 =	simm.s32 $_size_execute0_lowered;
	s2 =	sadd.s32 s2, s4;
	[dreg:$0x0] =	wrdreg $0x0  }
0xa8: {  	s4 =	sshll.u32 s28, $0x1;
	[dreg:$0x2] =	wrdreg s2  }
0xa9: {  	[dreg:$0x3] =	wrdreg s4  }
0xaa: {  	[dreg:$0x4] =	wrdreg $0xC0  }
0xab: {  	_ =	task [dreg:s6], $0x5FFFF  }
0xac: {  	[dreg:$0x1] =	wrdreg $0xFFFFFFFF  }
0xad: {  	[dreg:$0x0] =	wrdreg $0x60  }
0xae: {  	[dreg:$0x2] =	wrdreg s24  }
0xaf: {  	[dreg:$0x3] =	wrdreg $0x9  }
0xb0: {  	_ =	task.clear_ibuf [dreg:s6], $0x4FFFF;
	_ =	strace $0x90000046  }
0xb1: {  	s29 =	simm.s32 $0x9;
	_ =	strace $0x80000048  }
0xb2: {  	_ =	swait.ge [sflag:s29], $0x1  }
0xb3: {  	[sflag:s29] =	ssyncadd.s32 $0xFFFFFFFF  }
0xb4: {  	_ =	strace $0x90000048  }
0xb5: {  	_ =	sfence  }
0xb6: {  	s30 =	sld [smem:$0x0];
	_ =	sdelay $0x2  }
0xb7: {  	s31 =	sshll.u32 s1, $0xD;
	s1 =	sshrl.u32 s1, $0x2  }
0xb8: {  	s3 =	sand.u32 $0x4000, s31;
	s1 =	sadd.s32 s1, s30  }
0xb9: {  	s0 =	sor.u32 s3, s0;
	s1 =	sshll.u32 s1, $0x11  }
0xba: {  	s0 =	sor.u32 s1, s0  }
0xbb: {  	s0 =	sadd.s32 $0x8F2B, s0  }
0xbc: {  	[sflag:s0] =	ssyncadd.remote.s32 $0x1  }
0xbd: {  	_ =	sfence.sel $0xFFFF  }
0xbe: {  	[dreg:$0x0] =	wrdreg $0xFFFFFFFF;
	(pc) =	sbr.abs _section_cstart, $3  }
0xbf: {  	[dreg:$0x1] =	wrdreg $0xFFFFFFFF  }
0xc0: {  	_ =	task.clear_ibuf [dreg:s6], $0x2FFFF;
	_ =	strace $0x9FFFFFFF  }
0xc1: {  	(tm) =	ssettm $0x7FFFFFFF  }
tec
execute0_lowered:
.L_overlay_start_1:
0x0: {  	(tag) =	ssettag $0x1  }
0x1: {  	s1 =	srdreg.scid  }
0x2: {  	s0 =	stileid.u32;
	s4 =	rddreg [dreg:$0x0]  }
0x3: {  	s2 =	simm.s32 $0x0;
	s3 =	sand.u32 $0x1, s1;
	s31 =	sshll.u32 s0, $0x1  }
0x4: {  	s1 =	rddreg [dreg:$0x1];
	s5 =	sor.u32 s3, s31;
	s6 =	smul.u32 $0x31000, s3  }
0x5: {  	[smem:$0x7FF] =	sst s2;
	s3 =	ssub.s32 $0x2, s3;
	s5 =	smul.u32 $0xC600, s5  }
0x6: {  	s9 =	smul.u32 $0x3100, s0;
	_ =	strace $0x80000047;
	s7 =	sshrl.u32 s3, $0x1  }
0x7: {  	s3 =	ssub.s32 s3, s7;
	s7 =	simm.s32 $0x6300;
	s5 =	sshrl.u32 s5, $0x3  }
0x8: {  	s3 =	smax.u32 s3, $0x1;
	s5 =	sadd.s32 s5, s4;
	s4 =	sadd.s32 s6, s4  }
0x9: {  	s6 =	simm.s32 $0x1;
	s8 =	sadd.s32 $0x64800, s4;
	s4 =	sadd.s32 $0x1800, s5  }
0xa: {  	v0 =	vimm.f32 $0.0e+00;
	v1 =	vimm.f32 $1.000000000e+00;
	s5 =	sadd.s32 $0x2460, s5;
	s8 =	sadd.s32 s9, s8;
	s9 =	simm.s32 $0x0  }
.LBB2_1:
0xb: {  	s10 =	simm.s32 $0x40;
	s11 =	simm.s32 $0x0  }
.LBB2_2:
0xc: {  	p0 =	sne.s32 s10, $0x61FC0;
	[tilespmem:s11+$0x6300] =	vst v0;
	s11 =	smov.u32 s10;
	s10 =	sadd.s32 $0x40, s10  }
.Ltmp0:
0xd: {  	(pc) =	sbr.rel @p0 .LBB2_2-.Ltmp0, $2  }
0xe: {  	_ =	sdelay $0x2  }
0xf: {  	s11 =	sshra.s32 s11, $0x2  }
0x10: {  	[tilespmem:s11+$0x6300] =	vst v0;
	s10 =	simm.s32 $0x0  }
0x11: {  	[tilespmem:s10], [sflag:$0x1] =	stream.linear.gather [hbm4b:s4+s10], $0x6300, $0x38;
	[tilespmem:$0x1EB00] =	vst v63  }
0x12: {  	_ =	swait.ge [sflag:s6], $0x6300  }
0x13: {  	[sflag:s6] =	ssyncset.done $0x0  }
0x14: {  	s11 =	simm.s32 $0x0;
	s10 =	simm.s32 $0x40;
	[sflag:s6] =	ssyncadd.s32 $0xFFFF9D00  }
.LBB2_4:
0x15: {  	p0 =	sne.s32 s10, $0x18BC0;
	v2 =	vld [tilespmem:s11+$0x0];
	_ =	sdelay $0x3  }
.Ltmp1:
0x16: {  	(pc) =	sbr.rel @p0 .LBB2_4-.Ltmp1, $2  }
0x17: {  	_ =	sdelay $0x2  }
0x18: {  	s11 =	sshra.s32 s10, $0x2;
	s10 =	sadd.s32 $0x40, s10;
	[tilespmem:v2+s7+$0x0] =	vst.idx.add.f32.msk $0xffff, v1  }
0x19: {  	v2 =	vld [tilespmem:s11+$0x0];
	_ =	sdelay $0x7  }
0x1a: {  	s10 =	simm.s32 $0x0;
	[tilespmem:v2+s7+$0x0] =	vst.idx.add.f32.msk $0xffff, v1  }
0x1b: {  	[tilespmem:s10], [sflag:$0x1] =	stream.linear.gather [hbm4b:s5+s10], $0x6300, $0x38;
	[tilespmem:$0x1EB00] =	vst v63  }
0x1c: {  	_ =	swait.ge [sflag:s6], $0x6300  }
0x1d: {  	[sflag:s6] =	ssyncset.done $0x0  }
0x1e: {  	s11 =	simm.s32 $0x0;
	s10 =	simm.s32 $0x40;
	[sflag:s6] =	ssyncadd.s32 $0xFFFF9D00  }
.LBB2_6:
0x1f: {  	p0 =	sne.s32 s10, $0x18BC0;
	v2 =	vld [tilespmem:s11+$0x0];
	_ =	sdelay $0x3  }
.Ltmp2:
0x20: {  	(pc) =	sbr.rel @p0 .LBB2_6-.Ltmp2, $2  }
0x21: {  	_ =	sdelay $0x2  }
0x22: {  	s11 =	sshra.s32 s10, $0x2;
	s10 =	sadd.s32 $0x40, s10;
	[tilespmem:v2+s7+$0x0] =	vst.idx.add.f32.msk $0xffff, v1  }
0x23: {  	v2 =	vld [tilespmem:s11+$0x0];
	_ =	sdelay $0x5  }
0x24: {  	s9 =	sadd.s32 $0x1, s9  }
0x25: {  	p0 =	sne.s32 s9, s3  }
.Ltmp3:
0x26: {  	[tilespmem:v2+s7+$0x0] =	vst.idx.add.f32.msk $0xffff, v1;
	(pc) =	sbr.rel @p0 .LBB2_1-.Ltmp3, $4  }
0x27: {  	[hbm4b:s8+s2] =	stream.linear.scatter [tilespmem:s7], [sflag:$0x1], $0x18800, $0x38;
	[tilespmem:$0x1EB00] =	vst v63  }
0x28: {  	_ =	swait.ge [sflag:s6], $0x18800  }
0x29: {  	[sflag:s6] =	ssyncset.done $0x0  }
0x2a: {  	[sflag:s6] =	ssyncadd.s32 $0xFFFE7800  }
0x2b: {  	_ =	sfence.sel $0x180000  }
0x2c: {  	[bflag:$0x0] =	sbarrier.arrive $0xFFFF  }
0x2d: {  	p0 =	sne.s32 s0, $0x0;
	_ =	strace $0x90000047  }
0x2e: {  	s0 =	sadd.s32 @!p0 $0x100000, s1;
	[bflag:$0x2] =	sbarrier.arrive $0xFFFF  }
0x2f: {  	[sflag:s0] =	ssyncadd.tile.s32 @!p0 $0x1;
	_ =	shalt  }
.Lfunc_end2:
_tile_overlayer_lowered:
.L_overlay_start_2:
0x30: {  	(tag) =	ssettag $0x2  }
0x31: {  	s0 =	rddreg [dreg:$0x0];
	s2 =	stileid.u32  }
0x32: {  	s1 =	rddreg [dreg:$0x1];
	p0 =	sne.s32 s2, $0x0  }
0x33: {  	s3 =	rddreg [dreg:$0x2];
	[bflag:$0x3] =	sbarrier.arrive $0xFFFF;
	s2 =	simm.s32 @!p0 $0x1C01  }
0x34: {  	[timem:s3], [sflag:s2] =	dma.local @!p0 [hbm:s0], s1  }
0x35: {  	s0 =	simm.s32 @!p0 $0x1  }
0x36: {  	_ =	swait.ge @!p0 [sflag:s0], s1  }
0x37: {  	s1 =	ssub.s32 @!p0 $0x0, s1;
	[sflag:s0] =	ssyncset.done @!p0 $0x0  }
0x38: {  	[sflag:s0] =	ssyncadd.s32 @!p0 s1  }
0x39: {  	[bflag:$0x3] =	sbarrier.arrive $0xFFFF  }
0x3a: {  	_ =	shalt  }

</sc_bundles>
